<compile_context>
chip_gen: v7x
topology: tpu7x:2x2x1
jax: 0.10.2.dev20260603
libtpu: 0.0.44.dev20260713+nightly
codegen_flags: <defaults>
</compile_context>

<pallas_src>
import functools

import jax
import jax.numpy as jnp
from jax import lax
from jax.experimental import pallas as pl
from jax.experimental.pallas import tpu as pltpu
from jax.experimental.pallas import tpu_sc as plsc

NC = 2
NS = 16
NW = NC * NS
CHUNK = 128
F0 = 0.65


def _sc_agg_call(N, D, E):
    t = -(-E // (CHUNK * NS))
    t = -(-t // 16) * 16
    k0 = max(8, int(round(t * F0 / 8.0)) * 8)
    k1 = t - k0
    kmax = max(k0, k1)
    n_pad = -(-(N + 1) // (NS * 8)) * (NS * 8)
    rpt = n_pad // NS

    def body(h_hbm, src0_hbm, dst0_hbm, src1_hbm, dst1_hbm, out_hbm,
             src_v, dst_v, rows_v, acc_sh, sem):
        c = lax.axis_index("c")
        s = lax.axis_index("s")

        def zrow(i, carry):
            for k in range(D // 16):
                rows_v[i, pl.ds(k * 16, 16)] = jnp.zeros((16,), jnp.float32)
            return carry

        lax.fori_loop(0, CHUNK, zrow, 0)
        for q in range(rpt // CHUNK):
            pltpu.sync_copy(rows_v, acc_sh.at[pl.ds(s * rpt + q * CHUNK,
                                                    CHUNK)])
        rem = rpt % CHUNK
        if rem:
            pltpu.sync_copy(rows_v.at[pl.ds(0, rem)],
                            acc_sh.at[pl.ds(s * rpt + rpt - rem, rem)])
        plsc.subcore_barrier()

        @pl.when(c == 0)
        def _load0():
            pltpu.sync_copy(src0_hbm.at[s], src_v.at[pl.ds(0, k0)])
            pltpu.sync_copy(dst0_hbm.at[s], dst_v.at[pl.ds(0, k0)])

        @pl.when(c == 1)
        def _load1():
            pltpu.sync_copy(src1_hbm.at[s], src_v.at[pl.ds(0, k1)])
            pltpu.sync_copy(dst1_hbm.at[s], dst_v.at[pl.ds(0, k1)])

        def step(j, carry):
            pltpu.async_copy(h_hbm.at[src_v.at[j]], rows_v, sem).wait()
            pltpu.sync_copy(rows_v, acc_sh.at[dst_v.at[j]], add=True)
            return carry

        @pl.when(c == 0)
        def _run0():
            lax.fori_loop(0, k0, step, 0)

        @pl.when(c == 1)
        def _run1():
            lax.fori_loop(0, k1, step, 0)

        plsc.subcore_barrier()
        pltpu.sync_copy(acc_sh.at[pl.ds(s * rpt, rpt)],
                        out_hbm.at[c, pl.ds(s * rpt, rpt)])

    mesh = plsc.VectorSubcoreMesh(core_axis_name="c", subcore_axis_name="s",
                                  num_cores=NC, num_subcores=NS)
    return pl.kernel(
        body,
        out_type=jax.ShapeDtypeStruct((NC, n_pad, D), jnp.float32),
        mesh=mesh,
        scratch_types=[
            pltpu.VMEM((kmax, CHUNK), jnp.int32),
            pltpu.VMEM((kmax, CHUNK), jnp.int32),
            pltpu.VMEM((CHUNK, D), jnp.float32),
            pltpu.VMEM_SHARED((n_pad, D), jnp.float32),
            pltpu.SemaphoreType.DMA,
        ],
    ), (k0, k1), n_pad, rpt


def _mlp_body(relu_out, x_ref, p_ref, w1_ref, b1_ref, w2_ref, b2_ref, o_ref):
    u = x_ref[...] + p_ref[0] + p_ref[1]
    t = jnp.maximum(
        jnp.dot(u, w1_ref[...], preferred_element_type=jnp.float32) + b1_ref[...],
        0.0)
    y = jnp.dot(t, w2_ref[...], preferred_element_type=jnp.float32) + b2_ref[...]
    if relu_out:
        y = jnp.maximum(y, 0.0)
    o_ref[...] = y


def _mlp_call(N, D, n_pad, relu_out, bn=1000):
    return pl.pallas_call(
        functools.partial(_mlp_body, relu_out),
        grid=(N // bn,),
        in_specs=[
            pl.BlockSpec((bn, D), lambda i: (i, 0)),
            pl.BlockSpec((NC, bn, D), lambda i: (0, i, 0)),
            pl.BlockSpec((D, D), lambda i: (0, 0)),
            pl.BlockSpec((1, D), lambda i: (0, 0)),
            pl.BlockSpec((D, D), lambda i: (0, 0)),
            pl.BlockSpec((1, D), lambda i: (0, 0)),
        ],
        out_specs=pl.BlockSpec((bn, D), lambda i: (i, 0)),
        out_shape=jax.ShapeDtypeStruct((N, D), jnp.float32),
    )


def kernel(x, edge_index, W1, b1, W2, b2):
    N, D = x.shape
    E = edge_index.shape[1]

    sc_call, (k0, k1), n_pad, rpt = _sc_agg_call(N, D, E)
    e_pad = NS * (k0 + k1) * CHUNK

    src = edge_index[0].astype(jnp.int32)
    dst = edge_index[1].astype(jnp.int32)
    pad = e_pad - E
    n_trash = n_pad - N
    trash = N + (jnp.arange(pad, dtype=jnp.int32) % n_trash)
    src_p = jnp.concatenate([src, jnp.zeros((pad,), jnp.int32)])
    dst_p = jnp.concatenate([dst, trash])
    e0 = NS * k0 * CHUNK
    src0 = src_p[:e0].reshape(NS, k0, CHUNK)
    dst0 = dst_p[:e0].reshape(NS, k0, CHUNK)
    src1 = src_p[e0:].reshape(NS, k1, CHUNK)
    dst1 = dst_p[e0:].reshape(NS, k1, CHUNK)
    b1r = b1.reshape(1, D)
    b2r = b2.reshape(1, D)

    h = x
    for layer in range(3):
        partials = sc_call(h, src0, dst0, src1, dst1)
        h = _mlp_call(N, D, n_pad, relu_out=(layer < 2))(
            h, partials, W1, b1r, W2, b2r)
    return h

# --- scband reference (transcript-rebuilt; emitter-appended) ---
"""Pipeline reference for scband-gin-25975962206683 (READ-ONLY COPY).

The authoritative reference and input builder live on the scoring server;
editing this copy changes nothing except your own understanding.
"""

import jax, jax.numpy as jnp
import numpy as np

N = 10000
E = 320000
D = 128


def setup_inputs(seed: int = 0) -> dict:
    key = jax.random.key(seed)
    k1, k2, k3, k4, k5, k6 = jax.random.split(key, 6)
    x = jax.random.normal(k1, (N, D), dtype=jnp.float32)
    edge_index = jax.random.randint(k2, (2, E), 0, N, dtype=jnp.int32).astype(jnp.int64)
    s = 1.0 / np.sqrt(D)
    W1 = jax.random.normal(k3, (D, D), dtype=jnp.float32) * s
    b1 = jax.random.normal(k4, (D,), dtype=jnp.float32) * 0.01
    W2 = jax.random.normal(k5, (D, D), dtype=jnp.float32) * s
    b2 = jax.random.normal(k6, (D,), dtype=jnp.float32) * 0.01
    return {"x": x, "edge_index": edge_index, "W1": W1, "b1": b1, "W2": W2, "b2": b2}


def reference(x, edge_index, W1, b1, W2, b2):
    # GINConv (DGL, aggregator_type='sum', eps=0, not learned):
    #   h_v = MLP( (1+eps)*x_v + sum_{u->v} x_u )
    # The same apply_func MLP is shared by conv1/conv2/conv3 (as in the torch module).
    src = edge_index[0]
    dst = edge_index[1]

    def mlp(h):
        h = jnp.maximum(jnp.dot(h, W1) + b1, 0.0)
        return jnp.dot(h, W2) + b2

    def gin_conv(h):
        msg = jnp.take(h, src, axis=0)
        agg = jax.ops.segment_sum(msg, dst, num_segments=N)
        return mlp(h + agg)

    h = gin_conv(x)
    h = jax.nn.relu(h)
    h = gin_conv(h)
    h = jax.nn.relu(h)
    h = gin_conv(h)
    return h

if __name__ == "__main__":
    import jax
    _d = setup_inputs()
    print(jax.jit(kernel)(*tuple(_d.values())))

</pallas_src>

<mosaic_0001>
#map = affine_map<(d0, d1) -> (0, 0)>
#map1 = affine_map<(d0, d1) -> (0, 0, 0)>
module attributes {stable_mosaic.version = 14 : i64} {
  func.func @body(%arg0: i32, %arg1: i32, %arg2: memref<10000x128xf32, #tpu.memory_space<hbm>>, %arg3: memref<16x104x128xi32, #tpu.memory_space<hbm>>, %arg4: memref<16x104x128xi32, #tpu.memory_space<hbm>>, %arg5: memref<16x56x128xi32, #tpu.memory_space<hbm>>, %arg6: memref<16x56x128xi32, #tpu.memory_space<hbm>>, %arg7: memref<2x10112x128xf32, #tpu.memory_space<hbm>>, %arg8: memref<104x128xi32, #tpu.memory_space<vmem>>, %arg9: memref<104x128xi32, #tpu.memory_space<vmem>>, %arg10: memref<128x128xf32, #tpu.memory_space<vmem>>, %arg11: memref<10112x128xf32, #tpu.memory_space<vmem_shared>>, %arg12: memref<!tpu.dma_semaphore, #tpu.memory_space<semaphore_mem>>) attributes {dimension_semantics = [#tpu.dimension_semantics<core_parallel>, #tpu.dimension_semantics<subcore_parallel>], iteration_bounds = array<i64: 2, 16>, scalar_prefetch = 0 : i64, scratch_operands = 5 : i64, tpu.core_type = #tpu.core_type<sc_vector_subcore>, window_params = [{transform_indices = #map}, {transform_indices = #map1}, {transform_indices = #map1}, {transform_indices = #map1}, {transform_indices = #map1}, {transform_indices = #map1}]} {
    %scan3A = arith.constant 0 : i32
    %scan3A_0 = arith.constant 0 : i32
    %scan3A_1 = arith.constant 128 : i32
    %scan3A_2 = arith.addi %scan3A_0, %scan3A_1 : i32
    %scan3A_3 = arith.constant 1 : i32
    scf.for %scan3A_46 = %scan3A_0 to %scan3A_2 step %scan3A_3  : i32 {
      %broadcast_in_dim3A = arith.constant 0.000000e+00 : f32
      %broadcast_in_dim3A_47 = vector.broadcast %broadcast_in_dim3A : f32 to vector<16xf32>
      %swap3A = arith.index_cast %scan3A_46 : i32 to index
      %swap3A_48 = arith.constant 0 : index
      %swap3A_49 = tpu.vector_load %arg10[%swap3A, %swap3A_48] {strides = array<i32>} : memref<128x128xf32, #tpu.memory_space<vmem>>, vector<1x16xf32>,
      %swap3A_50 = vector.shape_cast %swap3A_49 : vector<1x16xf32> to vector<16xf32>
      %swap3A_51 = vector.shape_cast %broadcast_in_dim3A_47 : vector<16xf32> to vector<1x16xf32>
      tpu.vector_store %arg10[%swap3A, %swap3A_48], %swap3A_51 {strides = array<i32>} : memref<128x128xf32, #tpu.memory_space<vmem>>, vector<1x16xf32>,
      %broadcast_in_dim3A_52 = arith.constant 0.000000e+00 : f32
      %broadcast_in_dim3A_53 = vector.broadcast %broadcast_in_dim3A_52 : f32 to vector<16xf32>
      %swap3A_54 = arith.index_cast %scan3A_46 : i32 to index
      %swap3A_55 = arith.constant 16 : index
      %swap3A_56 = tpu.vector_load %arg10[%swap3A_54, %swap3A_55] {strides = array<i32>} : memref<128x128xf32, #tpu.memory_space<vmem>>, vector<1x16xf32>,
      %swap3A_57 = vector.shape_cast %swap3A_56 : vector<1x16xf32> to vector<16xf32>
      %swap3A_58 = vector.shape_cast %broadcast_in_dim3A_53 : vector<16xf32> to vector<1x16xf32>
      tpu.vector_store %arg10[%swap3A_54, %swap3A_55], %swap3A_58 {strides = array<i32>} : memref<128x128xf32, #tpu.memory_space<vmem>>, vector<1x16xf32>,
      %broadcast_in_dim3A_59 = arith.constant 0.000000e+00 : f32
      %broadcast_in_dim3A_60 = vector.broadcast %broadcast_in_dim3A_59 : f32 to vector<16xf32>
      %swap3A_61 = arith.index_cast %scan3A_46 : i32 to index
      %swap3A_62 = arith.constant 32 : index
      %swap3A_63 = tpu.vector_load %arg10[%swap3A_61, %swap3A_62] {strides = array<i32>} : memref<128x128xf32, #tpu.memory_space<vmem>>, vector<1x16xf32>,
      %swap3A_64 = vector.shape_cast %swap3A_63 : vector<1x16xf32> to vector<16xf32>
      %swap3A_65 = vector.shape_cast %broadcast_in_dim3A_60 : vector<16xf32> to vector<1x16xf32>
      tpu.vector_store %arg10[%swap3A_61, %swap3A_62], %swap3A_65 {strides = array<i32>} : memref<128x128xf32, #tpu.memory_space<vmem>>, vector<1x16xf32>,
      %broadcast_in_dim3A_66 = arith.constant 0.000000e+00 : f32
      %broadcast_in_dim3A_67 = vector.broadcast %broadcast_in_dim3A_66 : f32 to vector<16xf32>
      %swap3A_68 = arith.index_cast %scan3A_46 : i32 to index
      %swap3A_69 = arith.constant 48 : index
      %swap3A_70 = tpu.vector_load %arg10[%swap3A_68, %swap3A_69] {strides = array<i32>} : memref<128x128xf32, #tpu.memory_space<vmem>>, vector<1x16xf32>,
      %swap3A_71 = vector.shape_cast %swap3A_70 : vector<1x16xf32> to vector<16xf32>
      %swap3A_72 = vector.shape_cast %broadcast_in_dim3A_67 : vector<16xf32> to vector<1x16xf32>
      tpu.vector_store %arg10[%swap3A_68, %swap3A_69], %swap3A_72 {strides = array<i32>} : memref<128x128xf32, #tpu.memory_space<vmem>>, vector<1x16xf32>,
      %broadcast_in_dim3A_73 = arith.constant 0.000000e+00 : f32
      %broadcast_in_dim3A_74 = vector.broadcast %broadcast_in_dim3A_73 : f32 to vector<16xf32>
      %swap3A_75 = arith.index_cast %scan3A_46 : i32 to index
      %swap3A_76 = arith.constant 64 : index
      %swap3A_77 = tpu.vector_load %arg10[%swap3A_75, %swap3A_76] {strides = array<i32>} : memref<128x128xf32, #tpu.memory_space<vmem>>, vector<1x16xf32>,
      %swap3A_78 = vector.shape_cast %swap3A_77 : vector<1x16xf32> to vector<16xf32>
      %swap3A_79 = vector.shape_cast %broadcast_in_dim3A_74 : vector<16xf32> to vector<1x16xf32>
      tpu.vector_store %arg10[%swap3A_75, %swap3A_76], %swap3A_79 {strides = array<i32>} : memref<128x128xf32, #tpu.memory_space<vmem>>, vector<1x16xf32>,
      %broadcast_in_dim3A_80 = arith.constant 0.000000e+00 : f32
      %broadcast_in_dim3A_81 = vector.broadcast %broadcast_in_dim3A_80 : f32 to vector<16xf32>
      %swap3A_82 = arith.index_cast %scan3A_46 : i32 to index
      %swap3A_83 = arith.constant 80 : index
      %swap3A_84 = tpu.vector_load %arg10[%swap3A_82, %swap3A_83] {strides = array<i32>} : memref<128x128xf32, #tpu.memory_space<vmem>>, vector<1x16xf32>,
      %swap3A_85 = vector.shape_cast %swap3A_84 : vector<1x16xf32> to vector<16xf32>
      %swap3A_86 = vector.shape_cast %broadcast_in_dim3A_81 : vector<16xf32> to vector<1x16xf32>
      tpu.vector_store %arg10[%swap3A_82, %swap3A_83], %swap3A_86 {strides = array<i32>} : memref<128x128xf32, #tpu.memory_space<vmem>>, vector<1x16xf32>,
      %broadcast_in_dim3A_87 = arith.constant 0.000000e+00 : f32
      %broadcast_in_dim3A_88 = vector.broadcast %broadcast_in_dim3A_87 : f32 to vector<16xf32>
      %swap3A_89 = arith.index_cast %scan3A_46 : i32 to index
      %swap3A_90 = arith.constant 96 : index
      %swap3A_91 = tpu.vector_load %arg10[%swap3A_89, %swap3A_90] {strides = array<i32>} : memref<128x128xf32, #tpu.memory_space<vmem>>, vector<1x16xf32>,
      %swap3A_92 = vector.shape_cast %swap3A_91 : vector<1x16xf32> to vector<16xf32>
      %swap3A_93 = vector.shape_cast %broadcast_in_dim3A_88 : vector<16xf32> to vector<1x16xf32>
      tpu.vector_store %arg10[%swap3A_89, %swap3A_90], %swap3A_93 {strides = array<i32>} : memref<128x128xf32, #tpu.memory_space<vmem>>, vector<1x16xf32>,
      %broadcast_in_dim3A_94 = arith.constant 0.000000e+00 : f32
      %broadcast_in_dim3A_95 = vector.broadcast %broadcast_in_dim3A_94 : f32 to vector<16xf32>
      %swap3A_96 = arith.index_cast %scan3A_46 : i32 to index
      %swap3A_97 = arith.constant 112 : index
      %swap3A_98 = tpu.vector_load %arg10[%swap3A_96, %swap3A_97] {strides = array<i32>} : memref<128x128xf32, #tpu.memory_space<vmem>>, vector<1x16xf32>,
      %swap3A_99 = vector.shape_cast %swap3A_98 : vector<1x16xf32> to vector<16xf32>
      %swap3A_100 = vector.shape_cast %broadcast_in_dim3A_95 : vector<16xf32> to vector<1x16xf32>
      tpu.vector_store %arg10[%swap3A_96, %swap3A_97], %swap3A_100 {strides = array<i32>} : memref<128x128xf32, #tpu.memory_space<vmem>>, vector<1x16xf32>,
    }
    %scan3A_4 = arith.constant 128 : i32
    %mul3A = arith.constant 632 : i32
    %mul3A_5 = arith.muli %arg1, %mul3A : i32
    %add3A = arith.constant 0 : i32
    %add3A_6 = arith.addi %mul3A_5, %add3A : i32
    "tpu.region"() ({
      %run_scoped3A = tpu.sem_alloc : memref<!tpu.dma_semaphore, #tpu.memory_space<semaphore_mem>>
      %dma_start3A = arith.constant 0 : i32
      %dma_start3A_46 = tpu.memref_slice %arg11[%add3A_6, %dma_start3A] : memref<10112x128xf32, #tpu.memory_space<vmem_shared>> -> memref<128x128xf32, #tpu.memory_space<vmem_shared>>
      %dma_start3A_47 = arith.constant 0 : i32
      %dma_start3A_48 = tpu.memref_slice %arg11[%add3A_6, %dma_start3A_47] : memref<10112x128xf32, #tpu.memory_space<vmem_shared>> -> memref<128x128xf32, #tpu.memory_space<vmem_shared>>
      tpu.enqueue_dma source(%arg10 : memref<128x128xf32, #tpu.memory_space<vmem>>) target(%dma_start3A_48 : memref<128x128xf32, #tpu.memory_space<vmem_shared>>) target_semaphore(%run_scoped3A : memref<!tpu.dma_semaphore, #tpu.memory_space<semaphore_mem>>)
      %dma_wait3A = arith.constant 0 : i32
      %dma_wait3A_49 = tpu.memref_slice %arg11[%add3A_6, %dma_wait3A] : memref<10112x128xf32, #tpu.memory_space<vmem_shared>> -> memref<128x128xf32, #tpu.memory_space<vmem_shared>>
      %dma_wait3A_50 = arith.constant 0 : i32
      %dma_wait3A_51 = tpu.memref_slice %arg11[%add3A_6, %dma_wait3A_50] : memref<10112x128xf32, #tpu.memory_space<vmem_shared>> -> memref<128x128xf32, #tpu.memory_space<vmem_shared>>
      tpu.wait_dma2 semaphore(%run_scoped3A : memref<!tpu.dma_semaphore, #tpu.memory_space<semaphore_mem>>) src(%arg10 : memref<128x128xf32, #tpu.memory_space<vmem>>) dst(%dma_wait3A_51 : memref<128x128xf32, #tpu.memory_space<vmem_shared>>)
      tpu.yield
    }) : () -> ()
    %mul3A_7 = arith.constant 632 : i32
    %mul3A_8 = arith.muli %arg1, %mul3A_7 : i32
    %add3A_9 = arith.constant 128 : i32
    %add3A_10 = arith.addi %mul3A_8, %add3A_9 : i32
    "tpu.region"() ({
      %run_scoped3A = tpu.sem_alloc : memref<!tpu.dma_semaphore, #tpu.memory_space<semaphore_mem>>
      %dma_start3A = arith.constant 0 : i32
      %dma_start3A_46 = tpu.memref_slice %arg11[%add3A_10, %dma_start3A] : memref<10112x128xf32, #tpu.memory_space<vmem_shared>> -> memref<128x128xf32, #tpu.memory_space<vmem_shared>>
      %dma_start3A_47 = arith.constant 0 : i32
      %dma_start3A_48 = tpu.memref_slice %arg11[%add3A_10, %dma_start3A_47] : memref<10112x128xf32, #tpu.memory_space<vmem_shared>> -> memref<128x128xf32, #tpu.memory_space<vmem_shared>>
      tpu.enqueue_dma source(%arg10 : memref<128x128xf32, #tpu.memory_space<vmem>>) target(%dma_start3A_48 : memref<128x128xf32, #tpu.memory_space<vmem_shared>>) target_semaphore(%run_scoped3A : memref<!tpu.dma_semaphore, #tpu.memory_space<semaphore_mem>>)
      %dma_wait3A = arith.constant 0 : i32
      %dma_wait3A_49 = tpu.memref_slice %arg11[%add3A_10, %dma_wait3A] : memref<10112x128xf32, #tpu.memory_space<vmem_shared>> -> memref<128x128xf32, #tpu.memory_space<vmem_shared>>
      %dma_wait3A_50 = arith.constant 0 : i32
      %dma_wait3A_51 = tpu.memref_slice %arg11[%add3A_10, %dma_wait3A_50] : memref<10112x128xf32, #tpu.memory_space<vmem_shared>> -> memref<128x128xf32, #tpu.memory_space<vmem_shared>>
      tpu.wait_dma2 semaphore(%run_scoped3A : memref<!tpu.dma_semaphore, #tpu.memory_space<semaphore_mem>>) src(%arg10 : memref<128x128xf32, #tpu.memory_space<vmem>>) dst(%dma_wait3A_51 : memref<128x128xf32, #tpu.memory_space<vmem_shared>>)
      tpu.yield
    }) : () -> ()
    %mul3A_11 = arith.constant 632 : i32
    %mul3A_12 = arith.muli %arg1, %mul3A_11 : i32
    %add3A_13 = arith.constant 256 : i32
    %add3A_14 = arith.addi %mul3A_12, %add3A_13 : i32
    "tpu.region"() ({
      %run_scoped3A = tpu.sem_alloc : memref<!tpu.dma_semaphore, #tpu.memory_space<semaphore_mem>>
      %dma_start3A = arith.constant 0 : i32
      %dma_start3A_46 = tpu.memref_slice %arg11[%add3A_14, %dma_start3A] : memref<10112x128xf32, #tpu.memory_space<vmem_shared>> -> memref<128x128xf32, #tpu.memory_space<vmem_shared>>
      %dma_start3A_47 = arith.constant 0 : i32
      %dma_start3A_48 = tpu.memref_slice %arg11[%add3A_14, %dma_start3A_47] : memref<10112x128xf32, #tpu.memory_space<vmem_shared>> -> memref<128x128xf32, #tpu.memory_space<vmem_shared>>
      tpu.enqueue_dma source(%arg10 : memref<128x128xf32, #tpu.memory_space<vmem>>) target(%dma_start3A_48 : memref<128x128xf32, #tpu.memory_space<vmem_shared>>) target_semaphore(%run_scoped3A : memref<!tpu.dma_semaphore, #tpu.memory_space<semaphore_mem>>)
      %dma_wait3A = arith.constant 0 : i32
      %dma_wait3A_49 = tpu.memref_slice %arg11[%add3A_14, %dma_wait3A] : memref<10112x128xf32, #tpu.memory_space<vmem_shared>> -> memref<128x128xf32, #tpu.memory_space<vmem_shared>>
      %dma_wait3A_50 = arith.constant 0 : i32
      %dma_wait3A_51 = tpu.memref_slice %arg11[%add3A_14, %dma_wait3A_50] : memref<10112x128xf32, #tpu.memory_space<vmem_shared>> -> memref<128x128xf32, #tpu.memory_space<vmem_shared>>
      tpu.wait_dma2 semaphore(%run_scoped3A : memref<!tpu.dma_semaphore, #tpu.memory_space<semaphore_mem>>) src(%arg10 : memref<128x128xf32, #tpu.memory_space<vmem>>) dst(%dma_wait3A_51 : memref<128x128xf32, #tpu.memory_space<vmem_shared>>)
      tpu.yield
    }) : () -> ()
    %mul3A_15 = arith.constant 632 : i32
    %mul3A_16 = arith.muli %arg1, %mul3A_15 : i32
    %add3A_17 = arith.constant 384 : i32
    %add3A_18 = arith.addi %mul3A_16, %add3A_17 : i32
    "tpu.region"() ({
      %run_scoped3A = tpu.sem_alloc : memref<!tpu.dma_semaphore, #tpu.memory_space<semaphore_mem>>
      %dma_start3A = arith.constant 0 : i32
      %dma_start3A_46 = tpu.memref_slice %arg11[%add3A_18, %dma_start3A] : memref<10112x128xf32, #tpu.memory_space<vmem_shared>> -> memref<128x128xf32, #tpu.memory_space<vmem_shared>>
      %dma_start3A_47 = arith.constant 0 : i32
      %dma_start3A_48 = tpu.memref_slice %arg11[%add3A_18, %dma_start3A_47] : memref<10112x128xf32, #tpu.memory_space<vmem_shared>> -> memref<128x128xf32, #tpu.memory_space<vmem_shared>>
      tpu.enqueue_dma source(%arg10 : memref<128x128xf32, #tpu.memory_space<vmem>>) target(%dma_start3A_48 : memref<128x128xf32, #tpu.memory_space<vmem_shared>>) target_semaphore(%run_scoped3A : memref<!tpu.dma_semaphore, #tpu.memory_space<semaphore_mem>>)
      %dma_wait3A = arith.constant 0 : i32
      %dma_wait3A_49 = tpu.memref_slice %arg11[%add3A_18, %dma_wait3A] : memref<10112x128xf32, #tpu.memory_space<vmem_shared>> -> memref<128x128xf32, #tpu.memory_space<vmem_shared>>
      %dma_wait3A_50 = arith.constant 0 : i32
      %dma_wait3A_51 = tpu.memref_slice %arg11[%add3A_18, %dma_wait3A_50] : memref<10112x128xf32, #tpu.memory_space<vmem_shared>> -> memref<128x128xf32, #tpu.memory_space<vmem_shared>>
      tpu.wait_dma2 semaphore(%run_scoped3A : memref<!tpu.dma_semaphore, #tpu.memory_space<semaphore_mem>>) src(%arg10 : memref<128x128xf32, #tpu.memory_space<vmem>>) dst(%dma_wait3A_51 : memref<128x128xf32, #tpu.memory_space<vmem_shared>>)
      tpu.yield
    }) : () -> ()
    %mul3A_19 = arith.constant 632 : i32
    %mul3A_20 = arith.muli %arg1, %mul3A_19 : i32
    %add3A_21 = arith.constant 632 : i32
    %add3A_22 = arith.addi %mul3A_20, %add3A_21 : i32
    %sub3A = arith.constant 120 : i32
    %sub3A_23 = arith.subi %add3A_22, %sub3A : i32
    "tpu.region"() ({
      %run_scoped3A = tpu.sem_alloc : memref<!tpu.dma_semaphore, #tpu.memory_space<semaphore_mem>>
      %dma_start3A = arith.constant 0 : i32
      %dma_start3A_46 = arith.constant 0 : i32
      %dma_start3A_47 = tpu.memref_slice %arg10[%dma_start3A, %dma_start3A_46] : memref<128x128xf32, #tpu.memory_space<vmem>> -> memref<120x128xf32, #tpu.memory_space<vmem>>
      %dma_start3A_48 = arith.constant 0 : i32
      %dma_start3A_49 = tpu.memref_slice %arg11[%sub3A_23, %dma_start3A_48] : memref<10112x128xf32, #tpu.memory_space<vmem_shared>> -> memref<120x128xf32, #tpu.memory_space<vmem_shared>>
      %dma_start3A_50 = arith.constant 0 : i32
      %dma_start3A_51 = tpu.memref_slice %arg11[%sub3A_23, %dma_start3A_50] : memref<10112x128xf32, #tpu.memory_space<vmem_shared>> -> memref<120x128xf32, #tpu.memory_space<vmem_shared>>
      %dma_start3A_52 = arith.constant 0 : i32
      %dma_start3A_53 = arith.constant 0 : i32
      %dma_start3A_54 = tpu.memref_slice %arg10[%dma_start3A_52, %dma_start3A_53] : memref<128x128xf32, #tpu.memory_space<vmem>> -> memref<120x128xf32, #tpu.memory_space<vmem>>
      tpu.enqueue_dma source(%dma_start3A_54 : memref<120x128xf32, #tpu.memory_space<vmem>>) target(%dma_start3A_51 : memref<120x128xf32, #tpu.memory_space<vmem_shared>>) target_semaphore(%run_scoped3A : memref<!tpu.dma_semaphore, #tpu.memory_space<semaphore_mem>>)
      %dma_wait3A = arith.constant 0 : i32
      %dma_wait3A_55 = arith.constant 0 : i32
      %dma_wait3A_56 = tpu.memref_slice %arg10[%dma_wait3A, %dma_wait3A_55] : memref<128x128xf32, #tpu.memory_space<vmem>> -> memref<120x128xf32, #tpu.memory_space<vmem>>
      %dma_wait3A_57 = arith.constant 0 : i32
      %dma_wait3A_58 = tpu.memref_slice %arg11[%sub3A_23, %dma_wait3A_57] : memref<10112x128xf32, #tpu.memory_space<vmem_shared>> -> memref<120x128xf32, #tpu.memory_space<vmem_shared>>
      %dma_wait3A_59 = arith.constant 0 : i32
      %dma_wait3A_60 = tpu.memref_slice %arg11[%sub3A_23, %dma_wait3A_59] : memref<10112x128xf32, #tpu.memory_space<vmem_shared>> -> memref<120x128xf32, #tpu.memory_space<vmem_shared>>
      %dma_wait3A_61 = arith.constant 0 : i32
      %dma_wait3A_62 = arith.constant 0 : i32
      %dma_wait3A_63 = tpu.memref_slice %arg10[%dma_wait3A_61, %dma_wait3A_62] : memref<128x128xf32, #tpu.memory_space<vmem>> -> memref<120x128xf32, #tpu.memory_space<vmem>>
      tpu.wait_dma2 semaphore(%run_scoped3A : memref<!tpu.dma_semaphore, #tpu.memory_space<semaphore_mem>>) src(%dma_wait3A_63 : memref<120x128xf32, #tpu.memory_space<vmem>>) dst(%dma_wait3A_60 : memref<120x128xf32, #tpu.memory_space<vmem_shared>>)
      tpu.yield
    }) : () -> ()
    %barrier3A = arith.constant 0 : index
    tpu.barrier barrier_id(%barrier3A)
    %eq3A = arith.constant 0 : i32
    %eq3A_24 = arith.cmpi eq, %arg0, %eq3A : i32
    %convert_element_type3A = arith.extui %eq3A_24 : i1 to i32
    %cond3A = arith.constant 0 : i32
    %cond3A_25 = arith.cmpi ne, %convert_element_type3A, %cond3A : i32
    scf.if %cond3A_25 {
      "tpu.region"() ({
        %run_scoped3A = tpu.sem_alloc : memref<!tpu.dma_semaphore, #tpu.memory_space<semaphore_mem>>
        %dma_start3A = arith.constant 0 : i32
        %dma_start3A_46 = arith.constant 0 : i32
        %dma_start3A_47 = tpu.memref_slice %arg8[%dma_start3A, %dma_start3A_46] : memref<104x128xi32, #tpu.memory_space<vmem>> -> memref<104x128xi32, #tpu.memory_space<vmem>>
        %dma_start3A_48 = arith.constant 0 : i32
        %dma_start3A_49 = arith.constant 0 : i32
        %dma_start3A_50 = tpu.memref_slice %arg3[%arg1, %dma_start3A_48, %dma_start3A_49] : memref<16x104x128xi32, #tpu.memory_space<hbm>> -> memref<1x104x128xi32, #tpu.memory_space<hbm>>
        %dma_start3A_51 = tpu.memref_squeeze %dma_start3A_50 : memref<1x104x128xi32, #tpu.memory_space<hbm>> -> memref<104x128xi32, #tpu.memory_space<hbm>>
        %dma_start3A_52 = arith.constant 0 : i32
        %dma_start3A_53 = arith.constant 0 : i32
        %dma_start3A_54 = tpu.memref_slice %arg8[%dma_start3A_52, %dma_start3A_53] : memref<104x128xi32, #tpu.memory_space<vmem>> -> memref<104x128xi32, #tpu.memory_space<vmem>>
        %dma_start3A_55 = arith.constant 0 : i32
        %dma_start3A_56 = arith.constant 0 : i32
        %dma_start3A_57 = tpu.memref_slice %arg3[%arg1, %dma_start3A_55, %dma_start3A_56] : memref<16x104x128xi32, #tpu.memory_space<hbm>> -> memref<1x104x128xi32, #tpu.memory_space<hbm>>
        %dma_start3A_58 = tpu.memref_squeeze %dma_start3A_57 : memref<1x104x128xi32, #tpu.memory_space<hbm>> -> memref<104x128xi32, #tpu.memory_space<hbm>>
        tpu.enqueue_dma source(%dma_start3A_58 : memref<104x128xi32, #tpu.memory_space<hbm>>) target(%dma_start3A_54 : memref<104x128xi32, #tpu.memory_space<vmem>>) target_semaphore(%run_scoped3A : memref<!tpu.dma_semaphore, #tpu.memory_space<semaphore_mem>>)
        %dma_wait3A = arith.constant 0 : i32
        %dma_wait3A_59 = arith.constant 0 : i32
        %dma_wait3A_60 = tpu.memref_slice %arg8[%dma_wait3A, %dma_wait3A_59] : memref<104x128xi32, #tpu.memory_space<vmem>> -> memref<104x128xi32, #tpu.memory_space<vmem>>
        %dma_wait3A_61 = arith.constant 0 : i32
        %dma_wait3A_62 = arith.constant 0 : i32
        %dma_wait3A_63 = tpu.memref_slice %arg3[%arg1, %dma_wait3A_61, %dma_wait3A_62] : memref<16x104x128xi32, #tpu.memory_space<hbm>> -> memref<1x104x128xi32, #tpu.memory_space<hbm>>
        %dma_wait3A_64 = tpu.memref_squeeze %dma_wait3A_63 : memref<1x104x128xi32, #tpu.memory_space<hbm>> -> memref<104x128xi32, #tpu.memory_space<hbm>>
        %dma_wait3A_65 = arith.constant 0 : i32
        %dma_wait3A_66 = arith.constant 0 : i32
        %dma_wait3A_67 = tpu.memref_slice %arg8[%dma_wait3A_65, %dma_wait3A_66] : memref<104x128xi32, #tpu.memory_space<vmem>> -> memref<104x128xi32, #tpu.memory_space<vmem>>
        %dma_wait3A_68 = arith.constant 0 : i32
        %dma_wait3A_69 = arith.constant 0 : i32
        %dma_wait3A_70 = tpu.memref_slice %arg3[%arg1, %dma_wait3A_68, %dma_wait3A_69] : memref<16x104x128xi32, #tpu.memory_space<hbm>> -> memref<1x104x128xi32, #tpu.memory_space<hbm>>
        %dma_wait3A_71 = tpu.memref_squeeze %dma_wait3A_70 : memref<1x104x128xi32, #tpu.memory_space<hbm>> -> memref<104x128xi32, #tpu.memory_space<hbm>>
        tpu.wait_dma2 semaphore(%run_scoped3A : memref<!tpu.dma_semaphore, #tpu.memory_space<semaphore_mem>>) src(%dma_wait3A_71 : memref<104x128xi32, #tpu.memory_space<hbm>>) dst(%dma_wait3A_67 : memref<104x128xi32, #tpu.memory_space<vmem>>)
        tpu.yield
      }) : () -> ()
      "tpu.region"() ({
        %run_scoped3A = tpu.sem_alloc : memref<!tpu.dma_semaphore, #tpu.memory_space<semaphore_mem>>
        %dma_start3A = arith.constant 0 : i32
        %dma_start3A_46 = arith.constant 0 : i32
        %dma_start3A_47 = tpu.memref_slice %arg9[%dma_start3A, %dma_start3A_46] : memref<104x128xi32, #tpu.memory_space<vmem>> -> memref<104x128xi32, #tpu.memory_space<vmem>>
        %dma_start3A_48 = arith.constant 0 : i32
        %dma_start3A_49 = arith.constant 0 : i32
        %dma_start3A_50 = tpu.memref_slice %arg4[%arg1, %dma_start3A_48, %dma_start3A_49] : memref<16x104x128xi32, #tpu.memory_space<hbm>> -> memref<1x104x128xi32, #tpu.memory_space<hbm>>
        %dma_start3A_51 = tpu.memref_squeeze %dma_start3A_50 : memref<1x104x128xi32, #tpu.memory_space<hbm>> -> memref<104x128xi32, #tpu.memory_space<hbm>>
        %dma_start3A_52 = arith.constant 0 : i32
        %dma_start3A_53 = arith.constant 0 : i32
        %dma_start3A_54 = tpu.memref_slice %arg9[%dma_start3A_52, %dma_start3A_53] : memref<104x128xi32, #tpu.memory_space<vmem>> -> memref<104x128xi32, #tpu.memory_space<vmem>>
        %dma_start3A_55 = arith.constant 0 : i32
        %dma_start3A_56 = arith.constant 0 : i32
        %dma_start3A_57 = tpu.memref_slice %arg4[%arg1, %dma_start3A_55, %dma_start3A_56] : memref<16x104x128xi32, #tpu.memory_space<hbm>> -> memref<1x104x128xi32, #tpu.memory_space<hbm>>
        %dma_start3A_58 = tpu.memref_squeeze %dma_start3A_57 : memref<1x104x128xi32, #tpu.memory_space<hbm>> -> memref<104x128xi32, #tpu.memory_space<hbm>>
        tpu.enqueue_dma source(%dma_start3A_58 : memref<104x128xi32, #tpu.memory_space<hbm>>) target(%dma_start3A_54 : memref<104x128xi32, #tpu.memory_space<vmem>>) target_semaphore(%run_scoped3A : memref<!tpu.dma_semaphore, #tpu.memory_space<semaphore_mem>>)
        %dma_wait3A = arith.constant 0 : i32
        %dma_wait3A_59 = arith.constant 0 : i32
        %dma_wait3A_60 = tpu.memref_slice %arg9[%dma_wait3A, %dma_wait3A_59] : memref<104x128xi32, #tpu.memory_space<vmem>> -> memref<104x128xi32, #tpu.memory_space<vmem>>
        %dma_wait3A_61 = arith.constant 0 : i32
        %dma_wait3A_62 = arith.constant 0 : i32
        %dma_wait3A_63 = tpu.memref_slice %arg4[%arg1, %dma_wait3A_61, %dma_wait3A_62] : memref<16x104x128xi32, #tpu.memory_space<hbm>> -> memref<1x104x128xi32, #tpu.memory_space<hbm>>
        %dma_wait3A_64 = tpu.memref_squeeze %dma_wait3A_63 : memref<1x104x128xi32, #tpu.memory_space<hbm>> -> memref<104x128xi32, #tpu.memory_space<hbm>>
        %dma_wait3A_65 = arith.constant 0 : i32
        %dma_wait3A_66 = arith.constant 0 : i32
        %dma_wait3A_67 = tpu.memref_slice %arg9[%dma_wait3A_65, %dma_wait3A_66] : memref<104x128xi32, #tpu.memory_space<vmem>> -> memref<104x128xi32, #tpu.memory_space<vmem>>
        %dma_wait3A_68 = arith.constant 0 : i32
        %dma_wait3A_69 = arith.constant 0 : i32
        %dma_wait3A_70 = tpu.memref_slice %arg4[%arg1, %dma_wait3A_68, %dma_wait3A_69] : memref<16x104x128xi32, #tpu.memory_space<hbm>> -> memref<1x104x128xi32, #tpu.memory_space<hbm>>
        %dma_wait3A_71 = tpu.memref_squeeze %dma_wait3A_70 : memref<1x104x128xi32, #tpu.memory_space<hbm>> -> memref<104x128xi32, #tpu.memory_space<hbm>>
        tpu.wait_dma2 semaphore(%run_scoped3A : memref<!tpu.dma_semaphore, #tpu.memory_space<semaphore_mem>>) src(%dma_wait3A_71 : memref<104x128xi32, #tpu.memory_space<hbm>>) dst(%dma_wait3A_67 : memref<104x128xi32, #tpu.memory_space<vmem>>)
        tpu.yield
      }) : () -> ()
    } else {
    }
    %eq3A_26 = arith.constant 1 : i32
    %eq3A_27 = arith.cmpi eq, %arg0, %eq3A_26 : i32
    %convert_element_type3A_28 = arith.extui %eq3A_27 : i1 to i32
    %cond3A_29 = arith.constant 0 : i32
    %cond3A_30 = arith.cmpi ne, %convert_element_type3A_28, %cond3A_29 : i32
    scf.if %cond3A_30 {
      "tpu.region"() ({
        %run_scoped3A = tpu.sem_alloc : memref<!tpu.dma_semaphore, #tpu.memory_space<semaphore_mem>>
        %dma_start3A = arith.constant 0 : i32
        %dma_start3A_46 = arith.constant 0 : i32
        %dma_start3A_47 = tpu.memref_slice %arg8[%dma_start3A, %dma_start3A_46] : memref<104x128xi32, #tpu.memory_space<vmem>> -> memref<56x128xi32, #tpu.memory_space<vmem>>
        %dma_start3A_48 = arith.constant 0 : i32
        %dma_start3A_49 = arith.constant 0 : i32
        %dma_start3A_50 = tpu.memref_slice %arg5[%arg1, %dma_start3A_48, %dma_start3A_49] : memref<16x56x128xi32, #tpu.memory_space<hbm>> -> memref<1x56x128xi32, #tpu.memory_space<hbm>>
        %dma_start3A_51 = tpu.memref_squeeze %dma_start3A_50 : memref<1x56x128xi32, #tpu.memory_space<hbm>> -> memref<56x128xi32, #tpu.memory_space<hbm>>
        %dma_start3A_52 = arith.constant 0 : i32
        %dma_start3A_53 = arith.constant 0 : i32
        %dma_start3A_54 = tpu.memref_slice %arg8[%dma_start3A_52, %dma_start3A_53] : memref<104x128xi32, #tpu.memory_space<vmem>> -> memref<56x128xi32, #tpu.memory_space<vmem>>
        %dma_start3A_55 = arith.constant 0 : i32
        %dma_start3A_56 = arith.constant 0 : i32
        %dma_start3A_57 = tpu.memref_slice %arg5[%arg1, %dma_start3A_55, %dma_start3A_56] : memref<16x56x128xi32, #tpu.memory_space<hbm>> -> memref<1x56x128xi32, #tpu.memory_space<hbm>>
        %dma_start3A_58 = tpu.memref_squeeze %dma_start3A_57 : memref<1x56x128xi32, #tpu.memory_space<hbm>> -> memref<56x128xi32, #tpu.memory_space<hbm>>
        tpu.enqueue_dma source(%dma_start3A_58 : memref<56x128xi32, #tpu.memory_space<hbm>>) target(%dma_start3A_54 : memref<56x128xi32, #tpu.memory_space<vmem>>) target_semaphore(%run_scoped3A : memref<!tpu.dma_semaphore, #tpu.memory_space<semaphore_mem>>)
        %dma_wait3A = arith.constant 0 : i32
        %dma_wait3A_59 = arith.constant 0 : i32
        %dma_wait3A_60 = tpu.memref_slice %arg8[%dma_wait3A, %dma_wait3A_59] : memref<104x128xi32, #tpu.memory_space<vmem>> -> memref<56x128xi32, #tpu.memory_space<vmem>>
        %dma_wait3A_61 = arith.constant 0 : i32
        %dma_wait3A_62 = arith.constant 0 : i32
        %dma_wait3A_63 = tpu.memref_slice %arg5[%arg1, %dma_wait3A_61, %dma_wait3A_62] : memref<16x56x128xi32, #tpu.memory_space<hbm>> -> memref<1x56x128xi32, #tpu.memory_space<hbm>>
        %dma_wait3A_64 = tpu.memref_squeeze %dma_wait3A_63 : memref<1x56x128xi32, #tpu.memory_space<hbm>> -> memref<56x128xi32, #tpu.memory_space<hbm>>
        %dma_wait3A_65 = arith.constant 0 : i32
        %dma_wait3A_66 = arith.constant 0 : i32
        %dma_wait3A_67 = tpu.memref_slice %arg8[%dma_wait3A_65, %dma_wait3A_66] : memref<104x128xi32, #tpu.memory_space<vmem>> -> memref<56x128xi32, #tpu.memory_space<vmem>>
        %dma_wait3A_68 = arith.constant 0 : i32
        %dma_wait3A_69 = arith.constant 0 : i32
        %dma_wait3A_70 = tpu.memref_slice %arg5[%arg1, %dma_wait3A_68, %dma_wait3A_69] : memref<16x56x128xi32, #tpu.memory_space<hbm>> -> memref<1x56x128xi32, #tpu.memory_space<hbm>>
        %dma_wait3A_71 = tpu.memref_squeeze %dma_wait3A_70 : memref<1x56x128xi32, #tpu.memory_space<hbm>> -> memref<56x128xi32, #tpu.memory_space<hbm>>
        tpu.wait_dma2 semaphore(%run_scoped3A : memref<!tpu.dma_semaphore, #tpu.memory_space<semaphore_mem>>) src(%dma_wait3A_71 : memref<56x128xi32, #tpu.memory_space<hbm>>) dst(%dma_wait3A_67 : memref<56x128xi32, #tpu.memory_space<vmem>>)
        tpu.yield
      }) : () -> ()
      "tpu.region"() ({
        %run_scoped3A = tpu.sem_alloc : memref<!tpu.dma_semaphore, #tpu.memory_space<semaphore_mem>>
        %dma_start3A = arith.constant 0 : i32
        %dma_start3A_46 = arith.constant 0 : i32
        %dma_start3A_47 = tpu.memref_slice %arg9[%dma_start3A, %dma_start3A_46] : memref<104x128xi32, #tpu.memory_space<vmem>> -> memref<56x128xi32, #tpu.memory_space<vmem>>
        %dma_start3A_48 = arith.constant 0 : i32
        %dma_start3A_49 = arith.constant 0 : i32
        %dma_start3A_50 = tpu.memref_slice %arg6[%arg1, %dma_start3A_48, %dma_start3A_49] : memref<16x56x128xi32, #tpu.memory_space<hbm>> -> memref<1x56x128xi32, #tpu.memory_space<hbm>>
        %dma_start3A_51 = tpu.memref_squeeze %dma_start3A_50 : memref<1x56x128xi32, #tpu.memory_space<hbm>> -> memref<56x128xi32, #tpu.memory_space<hbm>>
        %dma_start3A_52 = arith.constant 0 : i32
        %dma_start3A_53 = arith.constant 0 : i32
        %dma_start3A_54 = tpu.memref_slice %arg9[%dma_start3A_52, %dma_start3A_53] : memref<104x128xi32, #tpu.memory_space<vmem>> -> memref<56x128xi32, #tpu.memory_space<vmem>>
        %dma_start3A_55 = arith.constant 0 : i32
        %dma_start3A_56 = arith.constant 0 : i32
        %dma_start3A_57 = tpu.memref_slice %arg6[%arg1, %dma_start3A_55, %dma_start3A_56] : memref<16x56x128xi32, #tpu.memory_space<hbm>> -> memref<1x56x128xi32, #tpu.memory_space<hbm>>
        %dma_start3A_58 = tpu.memref_squeeze %dma_start3A_57 : memref<1x56x128xi32, #tpu.memory_space<hbm>> -> memref<56x128xi32, #tpu.memory_space<hbm>>
        tpu.enqueue_dma source(%dma_start3A_58 : memref<56x128xi32, #tpu.memory_space<hbm>>) target(%dma_start3A_54 : memref<56x128xi32, #tpu.memory_space<vmem>>) target_semaphore(%run_scoped3A : memref<!tpu.dma_semaphore, #tpu.memory_space<semaphore_mem>>)
        %dma_wait3A = arith.constant 0 : i32
        %dma_wait3A_59 = arith.constant 0 : i32
        %dma_wait3A_60 = tpu.memref_slice %arg9[%dma_wait3A, %dma_wait3A_59] : memref<104x128xi32, #tpu.memory_space<vmem>> -> memref<56x128xi32, #tpu.memory_space<vmem>>
        %dma_wait3A_61 = arith.constant 0 : i32
        %dma_wait3A_62 = arith.constant 0 : i32
        %dma_wait3A_63 = tpu.memref_slice %arg6[%arg1, %dma_wait3A_61, %dma_wait3A_62] : memref<16x56x128xi32, #tpu.memory_space<hbm>> -> memref<1x56x128xi32, #tpu.memory_space<hbm>>
        %dma_wait3A_64 = tpu.memref_squeeze %dma_wait3A_63 : memref<1x56x128xi32, #tpu.memory_space<hbm>> -> memref<56x128xi32, #tpu.memory_space<hbm>>
        %dma_wait3A_65 = arith.constant 0 : i32
        %dma_wait3A_66 = arith.constant 0 : i32
        %dma_wait3A_67 = tpu.memref_slice %arg9[%dma_wait3A_65, %dma_wait3A_66] : memref<104x128xi32, #tpu.memory_space<vmem>> -> memref<56x128xi32, #tpu.memory_space<vmem>>
        %dma_wait3A_68 = arith.constant 0 : i32
        %dma_wait3A_69 = arith.constant 0 : i32
        %dma_wait3A_70 = tpu.memref_slice %arg6[%arg1, %dma_wait3A_68, %dma_wait3A_69] : memref<16x56x128xi32, #tpu.memory_space<hbm>> -> memref<1x56x128xi32, #tpu.memory_space<hbm>>
        %dma_wait3A_71 = tpu.memref_squeeze %dma_wait3A_70 : memref<1x56x128xi32, #tpu.memory_space<hbm>> -> memref<56x128xi32, #tpu.memory_space<hbm>>
        tpu.wait_dma2 semaphore(%run_scoped3A : memref<!tpu.dma_semaphore, #tpu.memory_space<semaphore_mem>>) src(%dma_wait3A_71 : memref<56x128xi32, #tpu.memory_space<hbm>>) dst(%dma_wait3A_67 : memref<56x128xi32, #tpu.memory_space<vmem>>)
        tpu.yield
      }) : () -> ()
    } else {
    }
    %eq3A_31 = arith.constant 0 : i32
    %eq3A_32 = arith.cmpi eq, %arg0, %eq3A_31 : i32
    %convert_element_type3A_33 = arith.extui %eq3A_32 : i1 to i32
    %cond3A_34 = arith.constant 0 : i32
    %cond3A_35 = arith.cmpi ne, %convert_element_type3A_33, %cond3A_34 : i32
    scf.if %cond3A_35 {
      %scan3A_46 = arith.constant 0 : i32
      %scan3A_47 = arith.constant 0 : i32
      %scan3A_48 = arith.constant 104 : i32
      %scan3A_49 = arith.addi %scan3A_47, %scan3A_48 : i32
      %scan3A_50 = arith.constant 1 : i32
      scf.for %scan3A_52 = %scan3A_47 to %scan3A_49 step %scan3A_50  : i32 {
        %dma_start3A = arith.constant 0 : i32
        %dma_start3A_53 = tpu.memref_slice %arg8[%scan3A_52, %dma_start3A] : memref<104x128xi32, #tpu.memory_space<vmem>> -> memref<1x128xi32, #tpu.memory_space<vmem>>
        %dma_start3A_54 = tpu.memref_squeeze %dma_start3A_53 : memref<1x128xi32, #tpu.memory_space<vmem>> -> memref<128xi32, #tpu.memory_space<vmem>>
        %dma_start3A_55 = arith.constant 0 : i32
        %dma_start3A_56 = arith.constant 0 : i32
        %dma_start3A_57 = tpu.memref_slice %arg2[%dma_start3A_55, %dma_start3A_56] : memref<10000x128xf32, #tpu.memory_space<hbm>> -> memref<10000x128xf32, #tpu.memory_space<hbm>>
        tpu.enqueue_indirect_dma source(%dma_start3A_57 : memref<10000x128xf32, #tpu.memory_space<hbm>>) target(%arg10 : memref<128x128xf32, #tpu.memory_space<vmem>>) offsets(%dma_start3A_54 : memref<128xi32, #tpu.memory_space<vmem>>) semaphore(%arg12 : memref<!tpu.dma_semaphore, #tpu.memory_space<semaphore_mem>>)
        %dma_wait3A = arith.constant 0 : i32
        %dma_wait3A_58 = tpu.memref_slice %arg8[%scan3A_52, %dma_wait3A] : memref<104x128xi32, #tpu.memory_space<vmem>> -> memref<1x128xi32, #tpu.memory_space<vmem>>
        %dma_wait3A_59 = tpu.memref_squeeze %dma_wait3A_58 : memref<1x128xi32, #tpu.memory_space<vmem>> -> memref<128xi32, #tpu.memory_space<vmem>>
        %dma_wait3A_60 = arith.constant 0 : i32
        %dma_wait3A_61 = arith.constant 0 : i32
        %dma_wait3A_62 = tpu.memref_slice %arg2[%dma_wait3A_60, %dma_wait3A_61] : memref<10000x128xf32, #tpu.memory_space<hbm>> -> memref<10000x128xf32, #tpu.memory_space<hbm>>
        tpu.wait_indirect_dma semaphore(%arg12 : memref<!tpu.dma_semaphore, #tpu.memory_space<semaphore_mem>>) src(%dma_wait3A_62 : memref<10000x128xf32, #tpu.memory_space<hbm>>) dst(%arg10 : memref<128x128xf32, #tpu.memory_space<vmem>>)
        "tpu.region"() ({
          %run_scoped3A = tpu.sem_alloc : memref<!tpu.dma_semaphore, #tpu.memory_space<semaphore_mem>>
          %dma_start3A_63 = arith.constant 0 : i32
          %dma_start3A_64 = tpu.memref_slice %arg9[%scan3A_52, %dma_start3A_63] : memref<104x128xi32, #tpu.memory_space<vmem>> -> memref<1x128xi32, #tpu.memory_space<vmem>>
          %dma_start3A_65 = tpu.memref_squeeze %dma_start3A_64 : memref<1x128xi32, #tpu.memory_space<vmem>> -> memref<128xi32, #tpu.memory_space<vmem>>
          %dma_start3A_66 = arith.constant 0 : i32
          %dma_start3A_67 = arith.constant 0 : i32
          %dma_start3A_68 = tpu.memref_slice %arg11[%dma_start3A_66, %dma_start3A_67] : memref<10112x128xf32, #tpu.memory_space<vmem_shared>> -> memref<10112x128xf32, #tpu.memory_space<vmem_shared>>
          tpu.enqueue_indirect_dma source(%arg10 : memref<128x128xf32, #tpu.memory_space<vmem>>) target(%dma_start3A_68 : memref<10112x128xf32, #tpu.memory_space<vmem_shared>>) offsets(%dma_start3A_65 : memref<128xi32, #tpu.memory_space<vmem>>) semaphore(%run_scoped3A : memref<!tpu.dma_semaphore, #tpu.memory_space<semaphore_mem>>) {add = true}
          %dma_wait3A_69 = arith.constant 0 : i32
          %dma_wait3A_70 = tpu.memref_slice %arg9[%scan3A_52, %dma_wait3A_69] : memref<104x128xi32, #tpu.memory_space<vmem>> -> memref<1x128xi32, #tpu.memory_space<vmem>>
          %dma_wait3A_71 = tpu.memref_squeeze %dma_wait3A_70 : memref<1x128xi32, #tpu.memory_space<vmem>> -> memref<128xi32, #tpu.memory_space<vmem>>
          %dma_wait3A_72 = arith.constant 0 : i32
          %dma_wait3A_73 = arith.constant 0 : i32
          %dma_wait3A_74 = tpu.memref_slice %arg11[%dma_wait3A_72, %dma_wait3A_73] : memref<10112x128xf32, #tpu.memory_space<vmem_shared>> -> memref<10112x128xf32, #tpu.memory_space<vmem_shared>>
          tpu.wait_indirect_dma semaphore(%run_scoped3A : memref<!tpu.dma_semaphore, #tpu.memory_space<semaphore_mem>>) src(%arg10 : memref<128x128xf32, #tpu.memory_space<vmem>>) dst(%dma_wait3A_74 : memref<10112x128xf32, #tpu.memory_space<vmem_shared>>)
          tpu.yield
        }) : () -> ()
      }
      %scan3A_51 = arith.constant 104 : i32
    } else {
    }
    %eq3A_36 = arith.constant 1 : i32
    %eq3A_37 = arith.cmpi eq, %arg0, %eq3A_36 : i32
    %convert_element_type3A_38 = arith.extui %eq3A_37 : i1 to i32
    %cond3A_39 = arith.constant 0 : i32
    %cond3A_40 = arith.cmpi ne, %convert_element_type3A_38, %cond3A_39 : i32
    scf.if %cond3A_40 {
      %scan3A_46 = arith.constant 0 : i32
      %scan3A_47 = arith.constant 0 : i32
      %scan3A_48 = arith.constant 56 : i32
      %scan3A_49 = arith.addi %scan3A_47, %scan3A_48 : i32
      %scan3A_50 = arith.constant 1 : i32
      scf.for %scan3A_52 = %scan3A_47 to %scan3A_49 step %scan3A_50  : i32 {
        %dma_start3A = arith.constant 0 : i32
        %dma_start3A_53 = tpu.memref_slice %arg8[%scan3A_52, %dma_start3A] : memref<104x128xi32, #tpu.memory_space<vmem>> -> memref<1x128xi32, #tpu.memory_space<vmem>>
        %dma_start3A_54 = tpu.memref_squeeze %dma_start3A_53 : memref<1x128xi32, #tpu.memory_space<vmem>> -> memref<128xi32, #tpu.memory_space<vmem>>
        %dma_start3A_55 = arith.constant 0 : i32
        %dma_start3A_56 = arith.constant 0 : i32
        %dma_start3A_57 = tpu.memref_slice %arg2[%dma_start3A_55, %dma_start3A_56] : memref<10000x128xf32, #tpu.memory_space<hbm>> -> memref<10000x128xf32, #tpu.memory_space<hbm>>
        tpu.enqueue_indirect_dma source(%dma_start3A_57 : memref<10000x128xf32, #tpu.memory_space<hbm>>) target(%arg10 : memref<128x128xf32, #tpu.memory_space<vmem>>) offsets(%dma_start3A_54 : memref<128xi32, #tpu.memory_space<vmem>>) semaphore(%arg12 : memref<!tpu.dma_semaphore, #tpu.memory_space<semaphore_mem>>)
        %dma_wait3A = arith.constant 0 : i32
        %dma_wait3A_58 = tpu.memref_slice %arg8[%scan3A_52, %dma_wait3A] : memref<104x128xi32, #tpu.memory_space<vmem>> -> memref<1x128xi32, #tpu.memory_space<vmem>>
        %dma_wait3A_59 = tpu.memref_squeeze %dma_wait3A_58 : memref<1x128xi32, #tpu.memory_space<vmem>> -> memref<128xi32, #tpu.memory_space<vmem>>
        %dma_wait3A_60 = arith.constant 0 : i32
        %dma_wait3A_61 = arith.constant 0 : i32
        %dma_wait3A_62 = tpu.memref_slice %arg2[%dma_wait3A_60, %dma_wait3A_61] : memref<10000x128xf32, #tpu.memory_space<hbm>> -> memref<10000x128xf32, #tpu.memory_space<hbm>>
        tpu.wait_indirect_dma semaphore(%arg12 : memref<!tpu.dma_semaphore, #tpu.memory_space<semaphore_mem>>) src(%dma_wait3A_62 : memref<10000x128xf32, #tpu.memory_space<hbm>>) dst(%arg10 : memref<128x128xf32, #tpu.memory_space<vmem>>)
        "tpu.region"() ({
          %run_scoped3A = tpu.sem_alloc : memref<!tpu.dma_semaphore, #tpu.memory_space<semaphore_mem>>
          %dma_start3A_63 = arith.constant 0 : i32
          %dma_start3A_64 = tpu.memref_slice %arg9[%scan3A_52, %dma_start3A_63] : memref<104x128xi32, #tpu.memory_space<vmem>> -> memref<1x128xi32, #tpu.memory_space<vmem>>
          %dma_start3A_65 = tpu.memref_squeeze %dma_start3A_64 : memref<1x128xi32, #tpu.memory_space<vmem>> -> memref<128xi32, #tpu.memory_space<vmem>>
          %dma_start3A_66 = arith.constant 0 : i32
          %dma_start3A_67 = arith.constant 0 : i32
          %dma_start3A_68 = tpu.memref_slice %arg11[%dma_start3A_66, %dma_start3A_67] : memref<10112x128xf32, #tpu.memory_space<vmem_shared>> -> memref<10112x128xf32, #tpu.memory_space<vmem_shared>>
          tpu.enqueue_indirect_dma source(%arg10 : memref<128x128xf32, #tpu.memory_space<vmem>>) target(%dma_start3A_68 : memref<10112x128xf32, #tpu.memory_space<vmem_shared>>) offsets(%dma_start3A_65 : memref<128xi32, #tpu.memory_space<vmem>>) semaphore(%run_scoped3A : memref<!tpu.dma_semaphore, #tpu.memory_space<semaphore_mem>>) {add = true}
          %dma_wait3A_69 = arith.constant 0 : i32
          %dma_wait3A_70 = tpu.memref_slice %arg9[%scan3A_52, %dma_wait3A_69] : memref<104x128xi32, #tpu.memory_space<vmem>> -> memref<1x128xi32, #tpu.memory_space<vmem>>
          %dma_wait3A_71 = tpu.memref_squeeze %dma_wait3A_70 : memref<1x128xi32, #tpu.memory_space<vmem>> -> memref<128xi32, #tpu.memory_space<vmem>>
          %dma_wait3A_72 = arith.constant 0 : i32
          %dma_wait3A_73 = arith.constant 0 : i32
          %dma_wait3A_74 = tpu.memref_slice %arg11[%dma_wait3A_72, %dma_wait3A_73] : memref<10112x128xf32, #tpu.memory_space<vmem_shared>> -> memref<10112x128xf32, #tpu.memory_space<vmem_shared>>
          tpu.wait_indirect_dma semaphore(%run_scoped3A : memref<!tpu.dma_semaphore, #tpu.memory_space<semaphore_mem>>) src(%arg10 : memref<128x128xf32, #tpu.memory_space<vmem>>) dst(%dma_wait3A_74 : memref<10112x128xf32, #tpu.memory_space<vmem_shared>>)
          tpu.yield
        }) : () -> ()
      }
      %scan3A_51 = arith.constant 56 : i32
    } else {
    }
    %barrier3A_41 = arith.constant 0 : index
    tpu.barrier barrier_id(%barrier3A_41)
    %mul3A_42 = arith.constant 632 : i32
    %mul3A_43 = arith.muli %arg1, %mul3A_42 : i32
    %mul3A_44 = arith.constant 632 : i32
    %mul3A_45 = arith.muli %arg1, %mul3A_44 : i32
    "tpu.region"() ({
      %run_scoped3A = tpu.sem_alloc : memref<!tpu.dma_semaphore, #tpu.memory_space<semaphore_mem>>
      %dma_start3A = arith.constant 0 : i32
      %dma_start3A_46 = tpu.memref_slice %arg7[%arg0, %mul3A_45, %dma_start3A] : memref<2x10112x128xf32, #tpu.memory_space<hbm>> -> memref<1x632x128xf32, #tpu.memory_space<hbm>>
      %dma_start3A_47 = tpu.memref_squeeze %dma_start3A_46 : memref<1x632x128xf32, #tpu.memory_space<hbm>> -> memref<632x128xf32, #tpu.memory_space<hbm>>
      %dma_start3A_48 = arith.constant 0 : i32
      %dma_start3A_49 = tpu.memref_slice %arg11[%mul3A_43, %dma_start3A_48] : memref<10112x128xf32, #tpu.memory_space<vmem_shared>> -> memref<632x128xf32, #tpu.memory_space<vmem_shared>>
      tpu.enqueue_dma source(%dma_start3A_49 : memref<632x128xf32, #tpu.memory_space<vmem_shared>>) target(%dma_start3A_47 : memref<632x128xf32, #tpu.memory_space<hbm>>) target_semaphore(%run_scoped3A : memref<!tpu.dma_semaphore, #tpu.memory_space<semaphore_mem>>)
      %dma_wait3A = arith.constant 0 : i32
      %dma_wait3A_50 = tpu.memref_slice %arg7[%arg0, %mul3A_45, %dma_wait3A] : memref<2x10112x128xf32, #tpu.memory_space<hbm>> -> memref<1x632x128xf32, #tpu.memory_space<hbm>>
      %dma_wait3A_51 = tpu.memref_squeeze %dma_wait3A_50 : memref<1x632x128xf32, #tpu.memory_space<hbm>> -> memref<632x128xf32, #tpu.memory_space<hbm>>
      %dma_wait3A_52 = arith.constant 0 : i32
      %dma_wait3A_53 = tpu.memref_slice %arg11[%mul3A_43, %dma_wait3A_52] : memref<10112x128xf32, #tpu.memory_space<vmem_shared>> -> memref<632x128xf32, #tpu.memory_space<vmem_shared>>
      tpu.wait_dma2 semaphore(%run_scoped3A : memref<!tpu.dma_semaphore, #tpu.memory_space<semaphore_mem>>) src(%dma_wait3A_53 : memref<632x128xf32, #tpu.memory_space<vmem_shared>>) dst(%dma_wait3A_51 : memref<632x128xf32, #tpu.memory_space<hbm>>)
      tpu.yield
    }) : () -> ()
    return
  }
}

#map = affine_map<(d0, d1) -> (0, 0)>
#map1 = affine_map<(d0, d1) -> (0, 0, 0)>
module attributes {stable_mosaic.version = 14 : i64} {
  func.func @body(%arg0: i32, %arg1: i32, %arg2: memref<10000x128xf32, #tpu.memory_space<hbm>>, %arg3: memref<16x104x128xi32, #tpu.memory_space<hbm>>, %arg4: memref<16x104x128xi32, #tpu.memory_space<hbm>>, %arg5: memref<16x56x128xi32, #tpu.memory_space<hbm>>, %arg6: memref<16x56x128xi32, #tpu.memory_space<hbm>>, %arg7: memref<2x10112x128xf32, #tpu.memory_space<hbm>>, %arg8: memref<104x128xi32, #tpu.memory_space<vmem>>, %arg9: memref<104x128xi32, #tpu.memory_space<vmem>>, %arg10: memref<128x128xf32, #tpu.memory_space<vmem>>, %arg11: memref<10112x128xf32, #tpu.memory_space<vmem_shared>>, %arg12: memref<!tpu.dma_semaphore, #tpu.memory_space<semaphore_mem>>) attributes {dimension_semantics = [#tpu.dimension_semantics<core_parallel>, #tpu.dimension_semantics<subcore_parallel>], iteration_bounds = array<i64: 2, 16>, scalar_prefetch = 0 : i64, scratch_operands = 5 : i64, tpu.core_type = #tpu.core_type<sc_vector_subcore>, window_params = [{transform_indices = #map}, {transform_indices = #map1}, {transform_indices = #map1}, {transform_indices = #map1}, {transform_indices = #map1}, {transform_indices = #map1}]} {
    %scan3A = arith.constant 0 : i32
    %scan3A_0 = arith.constant 0 : i32
    %scan3A_1 = arith.constant 128 : i32
    %scan3A_2 = arith.addi %scan3A_0, %scan3A_1 : i32
    %scan3A_3 = arith.constant 1 : i32
    scf.for %scan3A_46 = %scan3A_0 to %scan3A_2 step %scan3A_3  : i32 {
      %broadcast_in_dim3A = arith.constant 0.000000e+00 : f32
      %broadcast_in_dim3A_47 = vector.broadcast %broadcast_in_dim3A : f32 to vector<16xf32>
      %swap3A = arith.index_cast %scan3A_46 : i32 to index
      %swap3A_48 = arith.constant 0 : index
      %swap3A_49 = tpu.vector_load %arg10[%swap3A, %swap3A_48] {strides = array<i32>} : memref<128x128xf32, #tpu.memory_space<vmem>>, vector<1x16xf32>,
      %swap3A_50 = vector.shape_cast %swap3A_49 : vector<1x16xf32> to vector<16xf32>
      %swap3A_51 = vector.shape_cast %broadcast_in_dim3A_47 : vector<16xf32> to vector<1x16xf32>
      tpu.vector_store %arg10[%swap3A, %swap3A_48], %swap3A_51 {strides = array<i32>} : memref<128x128xf32, #tpu.memory_space<vmem>>, vector<1x16xf32>,
      %broadcast_in_dim3A_52 = arith.constant 0.000000e+00 : f32
      %broadcast_in_dim3A_53 = vector.broadcast %broadcast_in_dim3A_52 : f32 to vector<16xf32>
      %swap3A_54 = arith.index_cast %scan3A_46 : i32 to index
      %swap3A_55 = arith.constant 16 : index
      %swap3A_56 = tpu.vector_load %arg10[%swap3A_54, %swap3A_55] {strides = array<i32>} : memref<128x128xf32, #tpu.memory_space<vmem>>, vector<1x16xf32>,
      %swap3A_57 = vector.shape_cast %swap3A_56 : vector<1x16xf32> to vector<16xf32>
      %swap3A_58 = vector.shape_cast %broadcast_in_dim3A_53 : vector<16xf32> to vector<1x16xf32>
      tpu.vector_store %arg10[%swap3A_54, %swap3A_55], %swap3A_58 {strides = array<i32>} : memref<128x128xf32, #tpu.memory_space<vmem>>, vector<1x16xf32>,
      %broadcast_in_dim3A_59 = arith.constant 0.000000e+00 : f32
      %broadcast_in_dim3A_60 = vector.broadcast %broadcast_in_dim3A_59 : f32 to vector<16xf32>
      %swap3A_61 = arith.index_cast %scan3A_46 : i32 to index
      %swap3A_62 = arith.constant 32 : index
      %swap3A_63 = tpu.vector_load %arg10[%swap3A_61, %swap3A_62] {strides = array<i32>} : memref<128x128xf32, #tpu.memory_space<vmem>>, vector<1x16xf32>,
      %swap3A_64 = vector.shape_cast %swap3A_63 : vector<1x16xf32> to vector<16xf32>
      %swap3A_65 = vector.shape_cast %broadcast_in_dim3A_60 : vector<16xf32> to vector<1x16xf32>
      tpu.vector_store %arg10[%swap3A_61, %swap3A_62], %swap3A_65 {strides = array<i32>} : memref<128x128xf32, #tpu.memory_space<vmem>>, vector<1x16xf32>,
      %broadcast_in_dim3A_66 = arith.constant 0.000000e+00 : f32
      %broadcast_in_dim3A_67 = vector.broadcast %broadcast_in_dim3A_66 : f32 to vector<16xf32>
      %swap3A_68 = arith.index_cast %scan3A_46 : i32 to index
      %swap3A_69 = arith.constant 48 : index
      %swap3A_70 = tpu.vector_load %arg10[%swap3A_68, %swap3A_69] {strides = array<i32>} : memref<128x128xf32, #tpu.memory_space<vmem>>, vector<1x16xf32>,
      %swap3A_71 = vector.shape_cast %swap3A_70 : vector<1x16xf32> to vector<16xf32>
      %swap3A_72 = vector.shape_cast %broadcast_in_dim3A_67 : vector<16xf32> to vector<1x16xf32>
      tpu.vector_store %arg10[%swap3A_68, %swap3A_69], %swap3A_72 {strides = array<i32>} : memref<128x128xf32, #tpu.memory_space<vmem>>, vector<1x16xf32>,
      %broadcast_in_dim3A_73 = arith.constant 0.000000e+00 : f32
      %broadcast_in_dim3A_74 = vector.broadcast %broadcast_in_dim3A_73 : f32 to vector<16xf32>
      %swap3A_75 = arith.index_cast %scan3A_46 : i32 to index
      %swap3A_76 = arith.constant 64 : index
      %swap3A_77 = tpu.vector_load %arg10[%swap3A_75, %swap3A_76] {strides = array<i32>} : memref<128x128xf32, #tpu.memory_space<vmem>>, vector<1x16xf32>,
      %swap3A_78 = vector.shape_cast %swap3A_77 : vector<1x16xf32> to vector<16xf32>
      %swap3A_79 = vector.shape_cast %broadcast_in_dim3A_74 : vector<16xf32> to vector<1x16xf32>
      tpu.vector_store %arg10[%swap3A_75, %swap3A_76], %swap3A_79 {strides = array<i32>} : memref<128x128xf32, #tpu.memory_space<vmem>>, vector<1x16xf32>,
      %broadcast_in_dim3A_80 = arith.constant 0.000000e+00 : f32
      %broadcast_in_dim3A_81 = vector.broadcast %broadcast_in_dim3A_80 : f32 to vector<16xf32>
      %swap3A_82 = arith.index_cast %scan3A_46 : i32 to index
      %swap3A_83 = arith.constant 80 : index
      %swap3A_84 = tpu.vector_load %arg10[%swap3A_82, %swap3A_83] {strides = array<i32>} : memref<128x128xf32, #tpu.memory_space<vmem>>, vector<1x16xf32>,
      %swap3A_85 = vector.shape_cast %swap3A_84 : vector<1x16xf32> to vector<16xf32>
      %swap3A_86 = vector.shape_cast %broadcast_in_dim3A_81 : vector<16xf32> to vector<1x16xf32>
      tpu.vector_store %arg10[%swap3A_82, %swap3A_83], %swap3A_86 {strides = array<i32>} : memref<128x128xf32, #tpu.memory_space<vmem>>, vector<1x16xf32>,
      %broadcast_in_dim3A_87 = arith.constant 0.000000e+00 : f32
      %broadcast_in_dim3A_88 = vector.broadcast %broadcast_in_dim3A_87 : f32 to vector<16xf32>
      %swap3A_89 = arith.index_cast %scan3A_46 : i32 to index
      %swap3A_90 = arith.constant 96 : index
      %swap3A_91 = tpu.vector_load %arg10[%swap3A_89, %swap3A_90] {strides = array<i32>} : memref<128x128xf32, #tpu.memory_space<vmem>>, vector<1x16xf32>,
      %swap3A_92 = vector.shape_cast %swap3A_91 : vector<1x16xf32> to vector<16xf32>
      %swap3A_93 = vector.shape_cast %broadcast_in_dim3A_88 : vector<16xf32> to vector<1x16xf32>
      tpu.vector_store %arg10[%swap3A_89, %swap3A_90], %swap3A_93 {strides = array<i32>} : memref<128x128xf32, #tpu.memory_space<vmem>>, vector<1x16xf32>,
      %broadcast_in_dim3A_94 = arith.constant 0.000000e+00 : f32
      %broadcast_in_dim3A_95 = vector.broadcast %broadcast_in_dim3A_94 : f32 to vector<16xf32>
      %swap3A_96 = arith.index_cast %scan3A_46 : i32 to index
      %swap3A_97 = arith.constant 112 : index
      %swap3A_98 = tpu.vector_load %arg10[%swap3A_96, %swap3A_97] {strides = array<i32>} : memref<128x128xf32, #tpu.memory_space<vmem>>, vector<1x16xf32>,
      %swap3A_99 = vector.shape_cast %swap3A_98 : vector<1x16xf32> to vector<16xf32>
      %swap3A_100 = vector.shape_cast %broadcast_in_dim3A_95 : vector<16xf32> to vector<1x16xf32>
      tpu.vector_store %arg10[%swap3A_96, %swap3A_97], %swap3A_100 {strides = array<i32>} : memref<128x128xf32, #tpu.memory_space<vmem>>, vector<1x16xf32>,
    }
    %scan3A_4 = arith.constant 128 : i32
    %mul3A = arith.constant 632 : i32
    %mul3A_5 = arith.muli %arg1, %mul3A : i32
    %add3A = arith.constant 0 : i32
    %add3A_6 = arith.addi %mul3A_5, %add3A : i32
    "tpu.region"() ({
      %run_scoped3A = tpu.sem_alloc : memref<!tpu.dma_semaphore, #tpu.memory_space<semaphore_mem>>
      %dma_start3A = arith.constant 0 : i32
      %dma_start3A_46 = tpu.memref_slice %arg11[%add3A_6, %dma_start3A] : memref<10112x128xf32, #tpu.memory_space<vmem_shared>> -> memref<128x128xf32, #tpu.memory_space<vmem_shared>>
      %dma_start3A_47 = arith.constant 0 : i32
      %dma_start3A_48 = tpu.memref_slice %arg11[%add3A_6, %dma_start3A_47] : memref<10112x128xf32, #tpu.memory_space<vmem_shared>> -> memref<128x128xf32, #tpu.memory_space<vmem_shared>>
      tpu.enqueue_dma source(%arg10 : memref<128x128xf32, #tpu.memory_space<vmem>>) target(%dma_start3A_48 : memref<128x128xf32, #tpu.memory_space<vmem_shared>>) target_semaphore(%run_scoped3A : memref<!tpu.dma_semaphore, #tpu.memory_space<semaphore_mem>>)
      %dma_wait3A = arith.constant 0 : i32
      %dma_wait3A_49 = tpu.memref_slice %arg11[%add3A_6, %dma_wait3A] : memref<10112x128xf32, #tpu.memory_space<vmem_shared>> -> memref<128x128xf32, #tpu.memory_space<vmem_shared>>
      %dma_wait3A_50 = arith.constant 0 : i32
      %dma_wait3A_51 = tpu.memref_slice %arg11[%add3A_6, %dma_wait3A_50] : memref<10112x128xf32, #tpu.memory_space<vmem_shared>> -> memref<128x128xf32, #tpu.memory_space<vmem_shared>>
      tpu.wait_dma2 semaphore(%run_scoped3A : memref<!tpu.dma_semaphore, #tpu.memory_space<semaphore_mem>>) src(%arg10 : memref<128x128xf32, #tpu.memory_space<vmem>>) dst(%dma_wait3A_51 : memref<128x128xf32, #tpu.memory_space<vmem_shared>>)
      tpu.yield
    }) : () -> ()
    %mul3A_7 = arith.constant 632 : i32
    %mul3A_8 = arith.muli %arg1, %mul3A_7 : i32
    %add3A_9 = arith.constant 128 : i32
    %add3A_10 = arith.addi %mul3A_8, %add3A_9 : i32
    "tpu.region"() ({
      %run_scoped3A = tpu.sem_alloc : memref<!tpu.dma_semaphore, #tpu.memory_space<semaphore_mem>>
      %dma_start3A = arith.constant 0 : i32
      %dma_start3A_46 = tpu.memref_slice %arg11[%add3A_10, %dma_start3A] : memref<10112x128xf32, #tpu.memory_space<vmem_shared>> -> memref<128x128xf32, #tpu.memory_space<vmem_shared>>
      %dma_start3A_47 = arith.constant 0 : i32
      %dma_start3A_48 = tpu.memref_slice %arg11[%add3A_10, %dma_start3A_47] : memref<10112x128xf32, #tpu.memory_space<vmem_shared>> -> memref<128x128xf32, #tpu.memory_space<vmem_shared>>
      tpu.enqueue_dma source(%arg10 : memref<128x128xf32, #tpu.memory_space<vmem>>) target(%dma_start3A_48 : memref<128x128xf32, #tpu.memory_space<vmem_shared>>) target_semaphore(%run_scoped3A : memref<!tpu.dma_semaphore, #tpu.memory_space<semaphore_mem>>)
      %dma_wait3A = arith.constant 0 : i32
      %dma_wait3A_49 = tpu.memref_slice %arg11[%add3A_10, %dma_wait3A] : memref<10112x128xf32, #tpu.memory_space<vmem_shared>> -> memref<128x128xf32, #tpu.memory_space<vmem_shared>>
      %dma_wait3A_50 = arith.constant 0 : i32
      %dma_wait3A_51 = tpu.memref_slice %arg11[%add3A_10, %dma_wait3A_50] : memref<10112x128xf32, #tpu.memory_space<vmem_shared>> -> memref<128x128xf32, #tpu.memory_space<vmem_shared>>
      tpu.wait_dma2 semaphore(%run_scoped3A : memref<!tpu.dma_semaphore, #tpu.memory_space<semaphore_mem>>) src(%arg10 : memref<128x128xf32, #tpu.memory_space<vmem>>) dst(%dma_wait3A_51 : memref<128x128xf32, #tpu.memory_space<vmem_shared>>)
      tpu.yield
    }) : () -> ()
    %mul3A_11 = arith.constant 632 : i32
    %mul3A_12 = arith.muli %arg1, %mul3A_11 : i32
    %add3A_13 = arith.constant 256 : i32
    %add3A_14 = arith.addi %mul3A_12, %add3A_13 : i32
    "tpu.region"() ({
      %run_scoped3A = tpu.sem_alloc : memref<!tpu.dma_semaphore, #tpu.memory_space<semaphore_mem>>
      %dma_start3A = arith.constant 0 : i32
      %dma_start3A_46 = tpu.memref_slice %arg11[%add3A_14, %dma_start3A] : memref<10112x128xf32, #tpu.memory_space<vmem_shared>> -> memref<128x128xf32, #tpu.memory_space<vmem_shared>>
      %dma_start3A_47 = arith.constant 0 : i32
      %dma_start3A_48 = tpu.memref_slice %arg11[%add3A_14, %dma_start3A_47] : memref<10112x128xf32, #tpu.memory_space<vmem_shared>> -> memref<128x128xf32, #tpu.memory_space<vmem_shared>>
      tpu.enqueue_dma source(%arg10 : memref<128x128xf32, #tpu.memory_space<vmem>>) target(%dma_start3A_48 : memref<128x128xf32, #tpu.memory_space<vmem_shared>>) target_semaphore(%run_scoped3A : memref<!tpu.dma_semaphore, #tpu.memory_space<semaphore_mem>>)
      %dma_wait3A = arith.constant 0 : i32
      %dma_wait3A_49 = tpu.memref_slice %arg11[%add3A_14, %dma_wait3A] : memref<10112x128xf32, #tpu.memory_space<vmem_shared>> -> memref<128x128xf32, #tpu.memory_space<vmem_shared>>
      %dma_wait3A_50 = arith.constant 0 : i32
      %dma_wait3A_51 = tpu.memref_slice %arg11[%add3A_14, %dma_wait3A_50] : memref<10112x128xf32, #tpu.memory_space<vmem_shared>> -> memref<128x128xf32, #tpu.memory_space<vmem_shared>>
      tpu.wait_dma2 semaphore(%run_scoped3A : memref<!tpu.dma_semaphore, #tpu.memory_space<semaphore_mem>>) src(%arg10 : memref<128x128xf32, #tpu.memory_space<vmem>>) dst(%dma_wait3A_51 : memref<128x128xf32, #tpu.memory_space<vmem_shared>>)
      tpu.yield
    }) : () -> ()
    %mul3A_15 = arith.constant 632 : i32
    %mul3A_16 = arith.muli %arg1, %mul3A_15 : i32
    %add3A_17 = arith.constant 384 : i32
    %add3A_18 = arith.addi %mul3A_16, %add3A_17 : i32
    "tpu.region"() ({
      %run_scoped3A = tpu.sem_alloc : memref<!tpu.dma_semaphore, #tpu.memory_space<semaphore_mem>>
      %dma_start3A = arith.constant 0 : i32
      %dma_start3A_46 = tpu.memref_slice %arg11[%add3A_18, %dma_start3A] : memref<10112x128xf32, #tpu.memory_space<vmem_shared>> -> memref<128x128xf32, #tpu.memory_space<vmem_shared>>
      %dma_start3A_47 = arith.constant 0 : i32
      %dma_start3A_48 = tpu.memref_slice %arg11[%add3A_18, %dma_start3A_47] : memref<10112x128xf32, #tpu.memory_space<vmem_shared>> -> memref<128x128xf32, #tpu.memory_space<vmem_shared>>
      tpu.enqueue_dma source(%arg10 : memref<128x128xf32, #tpu.memory_space<vmem>>) target(%dma_start3A_48 : memref<128x128xf32, #tpu.memory_space<vmem_shared>>) target_semaphore(%run_scoped3A : memref<!tpu.dma_semaphore, #tpu.memory_space<semaphore_mem>>)
      %dma_wait3A = arith.constant 0 : i32
      %dma_wait3A_49 = tpu.memref_slice %arg11[%add3A_18, %dma_wait3A] : memref<10112x128xf32, #tpu.memory_space<vmem_shared>> -> memref<128x128xf32, #tpu.memory_space<vmem_shared>>
      %dma_wait3A_50 = arith.constant 0 : i32
      %dma_wait3A_51 = tpu.memref_slice %arg11[%add3A_18, %dma_wait3A_50] : memref<10112x128xf32, #tpu.memory_space<vmem_shared>> -> memref<128x128xf32, #tpu.memory_space<vmem_shared>>
      tpu.wait_dma2 semaphore(%run_scoped3A : memref<!tpu.dma_semaphore, #tpu.memory_space<semaphore_mem>>) src(%arg10 : memref<128x128xf32, #tpu.memory_space<vmem>>) dst(%dma_wait3A_51 : memref<128x128xf32, #tpu.memory_space<vmem_shared>>)
      tpu.yield
    }) : () -> ()
    %mul3A_19 = arith.constant 632 : i32
    %mul3A_20 = arith.muli %arg1, %mul3A_19 : i32
    %add3A_21 = arith.constant 632 : i32
    %add3A_22 = arith.addi %mul3A_20, %add3A_21 : i32
    %sub3A = arith.constant 120 : i32
    %sub3A_23 = arith.subi %add3A_22, %sub3A : i32
    "tpu.region"() ({
      %run_scoped3A = tpu.sem_alloc : memref<!tpu.dma_semaphore, #tpu.memory_space<semaphore_mem>>
      %dma_start3A = arith.constant 0 : i32
      %dma_start3A_46 = arith.constant 0 : i32
      %dma_start3A_47 = tpu.memref_slice %arg10[%dma_start3A, %dma_start3A_46] : memref<128x128xf32, #tpu.memory_space<vmem>> -> memref<120x128xf32, #tpu.memory_space<vmem>>
      %dma_start3A_48 = arith.constant 0 : i32
      %dma_start3A_49 = tpu.memref_slice %arg11[%sub3A_23, %dma_start3A_48] : memref<10112x128xf32, #tpu.memory_space<vmem_shared>> -> memref<120x128xf32, #tpu.memory_space<vmem_shared>>
      %dma_start3A_50 = arith.constant 0 : i32
      %dma_start3A_51 = tpu.memref_slice %arg11[%sub3A_23, %dma_start3A_50] : memref<10112x128xf32, #tpu.memory_space<vmem_shared>> -> memref<120x128xf32, #tpu.memory_space<vmem_shared>>
      %dma_start3A_52 = arith.constant 0 : i32
      %dma_start3A_53 = arith.constant 0 : i32
      %dma_start3A_54 = tpu.memref_slice %arg10[%dma_start3A_52, %dma_start3A_53] : memref<128x128xf32, #tpu.memory_space<vmem>> -> memref<120x128xf32, #tpu.memory_space<vmem>>
      tpu.enqueue_dma source(%dma_start3A_54 : memref<120x128xf32, #tpu.memory_space<vmem>>) target(%dma_start3A_51 : memref<120x128xf32, #tpu.memory_space<vmem_shared>>) target_semaphore(%run_scoped3A : memref<!tpu.dma_semaphore, #tpu.memory_space<semaphore_mem>>)
      %dma_wait3A = arith.constant 0 : i32
      %dma_wait3A_55 = arith.constant 0 : i32
      %dma_wait3A_56 = tpu.memref_slice %arg10[%dma_wait3A, %dma_wait3A_55] : memref<128x128xf32, #tpu.memory_space<vmem>> -> memref<120x128xf32, #tpu.memory_space<vmem>>
      %dma_wait3A_57 = arith.constant 0 : i32
      %dma_wait3A_58 = tpu.memref_slice %arg11[%sub3A_23, %dma_wait3A_57] : memref<10112x128xf32, #tpu.memory_space<vmem_shared>> -> memref<120x128xf32, #tpu.memory_space<vmem_shared>>
      %dma_wait3A_59 = arith.constant 0 : i32
      %dma_wait3A_60 = tpu.memref_slice %arg11[%sub3A_23, %dma_wait3A_59] : memref<10112x128xf32, #tpu.memory_space<vmem_shared>> -> memref<120x128xf32, #tpu.memory_space<vmem_shared>>
      %dma_wait3A_61 = arith.constant 0 : i32
      %dma_wait3A_62 = arith.constant 0 : i32
      %dma_wait3A_63 = tpu.memref_slice %arg10[%dma_wait3A_61, %dma_wait3A_62] : memref<128x128xf32, #tpu.memory_space<vmem>> -> memref<120x128xf32, #tpu.memory_space<vmem>>
      tpu.wait_dma2 semaphore(%run_scoped3A : memref<!tpu.dma_semaphore, #tpu.memory_space<semaphore_mem>>) src(%dma_wait3A_63 : memref<120x128xf32, #tpu.memory_space<vmem>>) dst(%dma_wait3A_60 : memref<120x128xf32, #tpu.memory_space<vmem_shared>>)
      tpu.yield
    }) : () -> ()
    %barrier3A = arith.constant 0 : index
    tpu.barrier barrier_id(%barrier3A)
    %eq3A = arith.constant 0 : i32
    %eq3A_24 = arith.cmpi eq, %arg0, %eq3A : i32
    %convert_element_type3A = arith.extui %eq3A_24 : i1 to i32
    %cond3A = arith.constant 0 : i32
    %cond3A_25 = arith.cmpi ne, %convert_element_type3A, %cond3A : i32
    scf.if %cond3A_25 {
      "tpu.region"() ({
        %run_scoped3A = tpu.sem_alloc : memref<!tpu.dma_semaphore, #tpu.memory_space<semaphore_mem>>
        %dma_start3A = arith.constant 0 : i32
        %dma_start3A_46 = arith.constant 0 : i32
        %dma_start3A_47 = tpu.memref_slice %arg8[%dma_start3A, %dma_start3A_46] : memref<104x128xi32, #tpu.memory_space<vmem>> -> memref<104x128xi32, #tpu.memory_space<vmem>>
        %dma_start3A_48 = arith.constant 0 : i32
        %dma_start3A_49 = arith.constant 0 : i32
        %dma_start3A_50 = tpu.memref_slice %arg3[%arg1, %dma_start3A_48, %dma_start3A_49] : memref<16x104x128xi32, #tpu.memory_space<hbm>> -> memref<1x104x128xi32, #tpu.memory_space<hbm>>
        %dma_start3A_51 = tpu.memref_squeeze %dma_start3A_50 : memref<1x104x128xi32, #tpu.memory_space<hbm>> -> memref<104x128xi32, #tpu.memory_space<hbm>>
        %dma_start3A_52 = arith.constant 0 : i32
        %dma_start3A_53 = arith.constant 0 : i32
        %dma_start3A_54 = tpu.memref_slice %arg8[%dma_start3A_52, %dma_start3A_53] : memref<104x128xi32, #tpu.memory_space<vmem>> -> memref<104x128xi32, #tpu.memory_space<vmem>>
        %dma_start3A_55 = arith.constant 0 : i32
        %dma_start3A_56 = arith.constant 0 : i32
        %dma_start3A_57 = tpu.memref_slice %arg3[%arg1, %dma_start3A_55, %dma_start3A_56] : memref<16x104x128xi32, #tpu.memory_space<hbm>> -> memref<1x104x128xi32, #tpu.memory_space<hbm>>
        %dma_start3A_58 = tpu.memref_squeeze %dma_start3A_57 : memref<1x104x128xi32, #tpu.memory_space<hbm>> -> memref<104x128xi32, #tpu.memory_space<hbm>>
        tpu.enqueue_dma source(%dma_start3A_58 : memref<104x128xi32, #tpu.memory_space<hbm>>) target(%dma_start3A_54 : memref<104x128xi32, #tpu.memory_space<vmem>>) target_semaphore(%run_scoped3A : memref<!tpu.dma_semaphore, #tpu.memory_space<semaphore_mem>>)
        %dma_wait3A = arith.constant 0 : i32
        %dma_wait3A_59 = arith.constant 0 : i32
        %dma_wait3A_60 = tpu.memref_slice %arg8[%dma_wait3A, %dma_wait3A_59] : memref<104x128xi32, #tpu.memory_space<vmem>> -> memref<104x128xi32, #tpu.memory_space<vmem>>
        %dma_wait3A_61 = arith.constant 0 : i32
        %dma_wait3A_62 = arith.constant 0 : i32
        %dma_wait3A_63 = tpu.memref_slice %arg3[%arg1, %dma_wait3A_61, %dma_wait3A_62] : memref<16x104x128xi32, #tpu.memory_space<hbm>> -> memref<1x104x128xi32, #tpu.memory_space<hbm>>
        %dma_wait3A_64 = tpu.memref_squeeze %dma_wait3A_63 : memref<1x104x128xi32, #tpu.memory_space<hbm>> -> memref<104x128xi32, #tpu.memory_space<hbm>>
        %dma_wait3A_65 = arith.constant 0 : i32
        %dma_wait3A_66 = arith.constant 0 : i32
        %dma_wait3A_67 = tpu.memref_slice %arg8[%dma_wait3A_65, %dma_wait3A_66] : memref<104x128xi32, #tpu.memory_space<vmem>> -> memref<104x128xi32, #tpu.memory_space<vmem>>
        %dma_wait3A_68 = arith.constant 0 : i32
        %dma_wait3A_69 = arith.constant 0 : i32
        %dma_wait3A_70 = tpu.memref_slice %arg3[%arg1, %dma_wait3A_68, %dma_wait3A_69] : memref<16x104x128xi32, #tpu.memory_space<hbm>> -> memref<1x104x128xi32, #tpu.memory_space<hbm>>
        %dma_wait3A_71 = tpu.memref_squeeze %dma_wait3A_70 : memref<1x104x128xi32, #tpu.memory_space<hbm>> -> memref<104x128xi32, #tpu.memory_space<hbm>>
        tpu.wait_dma2 semaphore(%run_scoped3A : memref<!tpu.dma_semaphore, #tpu.memory_space<semaphore_mem>>) src(%dma_wait3A_71 : memref<104x128xi32, #tpu.memory_space<hbm>>) dst(%dma_wait3A_67 : memref<104x128xi32, #tpu.memory_space<vmem>>)
        tpu.yield
      }) : () -> ()
      "tpu.region"() ({
        %run_scoped3A = tpu.sem_alloc : memref<!tpu.dma_semaphore, #tpu.memory_space<semaphore_mem>>
        %dma_start3A = arith.constant 0 : i32
        %dma_start3A_46 = arith.constant 0 : i32
        %dma_start3A_47 = tpu.memref_slice %arg9[%dma_start3A, %dma_start3A_46] : memref<104x128xi32, #tpu.memory_space<vmem>> -> memref<104x128xi32, #tpu.memory_space<vmem>>
        %dma_start3A_48 = arith.constant 0 : i32
        %dma_start3A_49 = arith.constant 0 : i32
        %dma_start3A_50 = tpu.memref_slice %arg4[%arg1, %dma_start3A_48, %dma_start3A_49] : memref<16x104x128xi32, #tpu.memory_space<hbm>> -> memref<1x104x128xi32, #tpu.memory_space<hbm>>
        %dma_start3A_51 = tpu.memref_squeeze %dma_start3A_50 : memref<1x104x128xi32, #tpu.memory_space<hbm>> -> memref<104x128xi32, #tpu.memory_space<hbm>>
        %dma_start3A_52 = arith.constant 0 : i32
        %dma_start3A_53 = arith.constant 0 : i32
        %dma_start3A_54 = tpu.memref_slice %arg9[%dma_start3A_52, %dma_start3A_53] : memref<104x128xi32, #tpu.memory_space<vmem>> -> memref<104x128xi32, #tpu.memory_space<vmem>>
        %dma_start3A_55 = arith.constant 0 : i32
        %dma_start3A_56 = arith.constant 0 : i32
        %dma_start3A_57 = tpu.memref_slice %arg4[%arg1, %dma_start3A_55, %dma_start3A_56] : memref<16x104x128xi32, #tpu.memory_space<hbm>> -> memref<1x104x128xi32, #tpu.memory_space<hbm>>
        %dma_start3A_58 = tpu.memref_squeeze %dma_start3A_57 : memref<1x104x128xi32, #tpu.memory_space<hbm>> -> memref<104x128xi32, #tpu.memory_space<hbm>>
        tpu.enqueue_dma source(%dma_start3A_58 : memref<104x128xi32, #tpu.memory_space<hbm>>) target(%dma_start3A_54 : memref<104x128xi32, #tpu.memory_space<vmem>>) target_semaphore(%run_scoped3A : memref<!tpu.dma_semaphore, #tpu.memory_space<semaphore_mem>>)
        %dma_wait3A = arith.constant 0 : i32
        %dma_wait3A_59 = arith.constant 0 : i32
        %dma_wait3A_60 = tpu.memref_slice %arg9[%dma_wait3A, %dma_wait3A_59] : memref<104x128xi32, #tpu.memory_space<vmem>> -> memref<104x128xi32, #tpu.memory_space<vmem>>
        %dma_wait3A_61 = arith.constant 0 : i32
        %dma_wait3A_62 = arith.constant 0 : i32
        %dma_wait3A_63 = tpu.memref_slice %arg4[%arg1, %dma_wait3A_61, %dma_wait3A_62] : memref<16x104x128xi32, #tpu.memory_space<hbm>> -> memref<1x104x128xi32, #tpu.memory_space<hbm>>
        %dma_wait3A_64 = tpu.memref_squeeze %dma_wait3A_63 : memref<1x104x128xi32, #tpu.memory_space<hbm>> -> memref<104x128xi32, #tpu.memory_space<hbm>>
        %dma_wait3A_65 = arith.constant 0 : i32
        %dma_wait3A_66 = arith.constant 0 : i32
        %dma_wait3A_67 = tpu.memref_slice %arg9[%dma_wait3A_65, %dma_wait3A_66] : memref<104x128xi32, #tpu.memory_space<vmem>> -> memref<104x128xi32, #tpu.memory_space<vmem>>
        %dma_wait3A_68 = arith.constant 0 : i32
        %dma_wait3A_69 = arith.constant 0 : i32
        %dma_wait3A_70 = tpu.memref_slice %arg4[%arg1, %dma_wait3A_68, %dma_wait3A_69] : memref<16x104x128xi32, #tpu.memory_space<hbm>> -> memref<1x104x128xi32, #tpu.memory_space<hbm>>
        %dma_wait3A_71 = tpu.memref_squeeze %dma_wait3A_70 : memref<1x104x128xi32, #tpu.memory_space<hbm>> -> memref<104x128xi32, #tpu.memory_space<hbm>>
        tpu.wait_dma2 semaphore(%run_scoped3A : memref<!tpu.dma_semaphore, #tpu.memory_space<semaphore_mem>>) src(%dma_wait3A_71 : memref<104x128xi32, #tpu.memory_space<hbm>>) dst(%dma_wait3A_67 : memref<104x128xi32, #tpu.memory_space<vmem>>)
        tpu.yield
      }) : () -> ()
    } else {
    }
    %eq3A_26 = arith.constant 1 : i32
    %eq3A_27 = arith.cmpi eq, %arg0, %eq3A_26 : i32
    %convert_element_type3A_28 = arith.extui %eq3A_27 : i1 to i32
    %cond3A_29 = arith.constant 0 : i32
    %cond3A_30 = arith.cmpi ne, %convert_element_type3A_28, %cond3A_29 : i32
    scf.if %cond3A_30 {
      "tpu.region"() ({
        %run_scoped3A = tpu.sem_alloc : memref<!tpu.dma_semaphore, #tpu.memory_space<semaphore_mem>>
        %dma_start3A = arith.constant 0 : i32
        %dma_start3A_46 = arith.constant 0 : i32
        %dma_start3A_47 = tpu.memref_slice %arg8[%dma_start3A, %dma_start3A_46] : memref<104x128xi32, #tpu.memory_space<vmem>> -> memref<56x128xi32, #tpu.memory_space<vmem>>
        %dma_start3A_48 = arith.constant 0 : i32
        %dma_start3A_49 = arith.constant 0 : i32
        %dma_start3A_50 = tpu.memref_slice %arg5[%arg1, %dma_start3A_48, %dma_start3A_49] : memref<16x56x128xi32, #tpu.memory_space<hbm>> -> memref<1x56x128xi32, #tpu.memory_space<hbm>>
        %dma_start3A_51 = tpu.memref_squeeze %dma_start3A_50 : memref<1x56x128xi32, #tpu.memory_space<hbm>> -> memref<56x128xi32, #tpu.memory_space<hbm>>
        %dma_start3A_52 = arith.constant 0 : i32
        %dma_start3A_53 = arith.constant 0 : i32
        %dma_start3A_54 = tpu.memref_slice %arg8[%dma_start3A_52, %dma_start3A_53] : memref<104x128xi32, #tpu.memory_space<vmem>> -> memref<56x128xi32, #tpu.memory_space<vmem>>
        %dma_start3A_55 = arith.constant 0 : i32
        %dma_start3A_56 = arith.constant 0 : i32
        %dma_start3A_57 = tpu.memref_slice %arg5[%arg1, %dma_start3A_55, %dma_start3A_56] : memref<16x56x128xi32, #tpu.memory_space<hbm>> -> memref<1x56x128xi32, #tpu.memory_space<hbm>>
        %dma_start3A_58 = tpu.memref_squeeze %dma_start3A_57 : memref<1x56x128xi32, #tpu.memory_space<hbm>> -> memref<56x128xi32, #tpu.memory_space<hbm>>
        tpu.enqueue_dma source(%dma_start3A_58 : memref<56x128xi32, #tpu.memory_space<hbm>>) target(%dma_start3A_54 : memref<56x128xi32, #tpu.memory_space<vmem>>) target_semaphore(%run_scoped3A : memref<!tpu.dma_semaphore, #tpu.memory_space<semaphore_mem>>)
        %dma_wait3A = arith.constant 0 : i32
        %dma_wait3A_59 = arith.constant 0 : i32
        %dma_wait3A_60 = tpu.memref_slice %arg8[%dma_wait3A, %dma_wait3A_59] : memref<104x128xi32, #tpu.memory_space<vmem>> -> memref<56x128xi32, #tpu.memory_space<vmem>>
        %dma_wait3A_61 = arith.constant 0 : i32
        %dma_wait3A_62 = arith.constant 0 : i32
        %dma_wait3A_63 = tpu.memref_slice %arg5[%arg1, %dma_wait3A_61, %dma_wait3A_62] : memref<16x56x128xi32, #tpu.memory_space<hbm>> -> memref<1x56x128xi32, #tpu.memory_space<hbm>>
        %dma_wait3A_64 = tpu.memref_squeeze %dma_wait3A_63 : memref<1x56x128xi32, #tpu.memory_space<hbm>> -> memref<56x128xi32, #tpu.memory_space<hbm>>
        %dma_wait3A_65 = arith.constant 0 : i32
        %dma_wait3A_66 = arith.constant 0 : i32
        %dma_wait3A_67 = tpu.memref_slice %arg8[%dma_wait3A_65, %dma_wait3A_66] : memref<104x128xi32, #tpu.memory_space<vmem>> -> memref<56x128xi32, #tpu.memory_space<vmem>>
        %dma_wait3A_68 = arith.constant 0 : i32
        %dma_wait3A_69 = arith.constant 0 : i32
        %dma_wait3A_70 = tpu.memref_slice %arg5[%arg1, %dma_wait3A_68, %dma_wait3A_69] : memref<16x56x128xi32, #tpu.memory_space<hbm>> -> memref<1x56x128xi32, #tpu.memory_space<hbm>>
        %dma_wait3A_71 = tpu.memref_squeeze %dma_wait3A_70 : memref<1x56x128xi32, #tpu.memory_space<hbm>> -> memref<56x128xi32, #tpu.memory_space<hbm>>
        tpu.wait_dma2 semaphore(%run_scoped3A : memref<!tpu.dma_semaphore, #tpu.memory_space<semaphore_mem>>) src(%dma_wait3A_71 : memref<56x128xi32, #tpu.memory_space<hbm>>) dst(%dma_wait3A_67 : memref<56x128xi32, #tpu.memory_space<vmem>>)
        tpu.yield
      }) : () -> ()
      "tpu.region"() ({
        %run_scoped3A = tpu.sem_alloc : memref<!tpu.dma_semaphore, #tpu.memory_space<semaphore_mem>>
        %dma_start3A = arith.constant 0 : i32
        %dma_start3A_46 = arith.constant 0 : i32
        %dma_start3A_47 = tpu.memref_slice %arg9[%dma_start3A, %dma_start3A_46] : memref<104x128xi32, #tpu.memory_space<vmem>> -> memref<56x128xi32, #tpu.memory_space<vmem>>
        %dma_start3A_48 = arith.constant 0 : i32
        %dma_start3A_49 = arith.constant 0 : i32
        %dma_start3A_50 = tpu.memref_slice %arg6[%arg1, %dma_start3A_48, %dma_start3A_49] : memref<16x56x128xi32, #tpu.memory_space<hbm>> -> memref<1x56x128xi32, #tpu.memory_space<hbm>>
        %dma_start3A_51 = tpu.memref_squeeze %dma_start3A_50 : memref<1x56x128xi32, #tpu.memory_space<hbm>> -> memref<56x128xi32, #tpu.memory_space<hbm>>
        %dma_start3A_52 = arith.constant 0 : i32
        %dma_start3A_53 = arith.constant 0 : i32
        %dma_start3A_54 = tpu.memref_slice %arg9[%dma_start3A_52, %dma_start3A_53] : memref<104x128xi32, #tpu.memory_space<vmem>> -> memref<56x128xi32, #tpu.memory_space<vmem>>
        %dma_start3A_55 = arith.constant 0 : i32
        %dma_start3A_56 = arith.constant 0 : i32
        %dma_start3A_57 = tpu.memref_slice %arg6[%arg1, %dma_start3A_55, %dma_start3A_56] : memref<16x56x128xi32, #tpu.memory_space<hbm>> -> memref<1x56x128xi32, #tpu.memory_space<hbm>>
        %dma_start3A_58 = tpu.memref_squeeze %dma_start3A_57 : memref<1x56x128xi32, #tpu.memory_space<hbm>> -> memref<56x128xi32, #tpu.memory_space<hbm>>
        tpu.enqueue_dma source(%dma_start3A_58 : memref<56x128xi32, #tpu.memory_space<hbm>>) target(%dma_start3A_54 : memref<56x128xi32, #tpu.memory_space<vmem>>) target_semaphore(%run_scoped3A : memref<!tpu.dma_semaphore, #tpu.memory_space<semaphore_mem>>)
        %dma_wait3A = arith.constant 0 : i32
        %dma_wait3A_59 = arith.constant 0 : i32
        %dma_wait3A_60 = tpu.memref_slice %arg9[%dma_wait3A, %dma_wait3A_59] : memref<104x128xi32, #tpu.memory_space<vmem>> -> memref<56x128xi32, #tpu.memory_space<vmem>>
        %dma_wait3A_61 = arith.constant 0 : i32
        %dma_wait3A_62 = arith.constant 0 : i32
        %dma_wait3A_63 = tpu.memref_slice %arg6[%arg1, %dma_wait3A_61, %dma_wait3A_62] : memref<16x56x128xi32, #tpu.memory_space<hbm>> -> memref<1x56x128xi32, #tpu.memory_space<hbm>>
        %dma_wait3A_64 = tpu.memref_squeeze %dma_wait3A_63 : memref<1x56x128xi32, #tpu.memory_space<hbm>> -> memref<56x128xi32, #tpu.memory_space<hbm>>
        %dma_wait3A_65 = arith.constant 0 : i32
        %dma_wait3A_66 = arith.constant 0 : i32
        %dma_wait3A_67 = tpu.memref_slice %arg9[%dma_wait3A_65, %dma_wait3A_66] : memref<104x128xi32, #tpu.memory_space<vmem>> -> memref<56x128xi32, #tpu.memory_space<vmem>>
        %dma_wait3A_68 = arith.constant 0 : i32
        %dma_wait3A_69 = arith.constant 0 : i32
        %dma_wait3A_70 = tpu.memref_slice %arg6[%arg1, %dma_wait3A_68, %dma_wait3A_69] : memref<16x56x128xi32, #tpu.memory_space<hbm>> -> memref<1x56x128xi32, #tpu.memory_space<hbm>>
        %dma_wait3A_71 = tpu.memref_squeeze %dma_wait3A_70 : memref<1x56x128xi32, #tpu.memory_space<hbm>> -> memref<56x128xi32, #tpu.memory_space<hbm>>
        tpu.wait_dma2 semaphore(%run_scoped3A : memref<!tpu.dma_semaphore, #tpu.memory_space<semaphore_mem>>) src(%dma_wait3A_71 : memref<56x128xi32, #tpu.memory_space<hbm>>) dst(%dma_wait3A_67 : memref<56x128xi32, #tpu.memory_space<vmem>>)
        tpu.yield
      }) : () -> ()
    } else {
    }
    %eq3A_31 = arith.constant 0 : i32
    %eq3A_32 = arith.cmpi eq, %arg0, %eq3A_31 : i32
    %convert_element_type3A_33 = arith.extui %eq3A_32 : i1 to i32
    %cond3A_34 = arith.constant 0 : i32
    %cond3A_35 = arith.cmpi ne, %convert_element_type3A_33, %cond3A_34 : i32
    scf.if %cond3A_35 {
      %scan3A_46 = arith.constant 0 : i32
      %scan3A_47 = arith.constant 0 : i32
      %scan3A_48 = arith.constant 104 : i32
      %scan3A_49 = arith.addi %scan3A_47, %scan3A_48 : i32
      %scan3A_50 = arith.constant 1 : i32
      scf.for %scan3A_52 = %scan3A_47 to %scan3A_49 step %scan3A_50  : i32 {
        %dma_start3A = arith.constant 0 : i32
        %dma_start3A_53 = tpu.memref_slice %arg8[%scan3A_52, %dma_start3A] : memref<104x128xi32, #tpu.memory_space<vmem>> -> memref<1x128xi32, #tpu.memory_space<vmem>>
        %dma_start3A_54 = tpu.memref_squeeze %dma_start3A_53 : memref<1x128xi32, #tpu.memory_space<vmem>> -> memref<128xi32, #tpu.memory_space<vmem>>
        %dma_start3A_55 = arith.constant 0 : i32
        %dma_start3A_56 = arith.constant 0 : i32
        %dma_start3A_57 = tpu.memref_slice %arg2[%dma_start3A_55, %dma_start3A_56] : memref<10000x128xf32, #tpu.memory_space<hbm>> -> memref<10000x128xf32, #tpu.memory_space<hbm>>
        tpu.enqueue_indirect_dma source(%dma_start3A_57 : memref<10000x128xf32, #tpu.memory_space<hbm>>) target(%arg10 : memref<128x128xf32, #tpu.memory_space<vmem>>) offsets(%dma_start3A_54 : memref<128xi32, #tpu.memory_space<vmem>>) semaphore(%arg12 : memref<!tpu.dma_semaphore, #tpu.memory_space<semaphore_mem>>)
        %dma_wait3A = arith.constant 0 : i32
        %dma_wait3A_58 = tpu.memref_slice %arg8[%scan3A_52, %dma_wait3A] : memref<104x128xi32, #tpu.memory_space<vmem>> -> memref<1x128xi32, #tpu.memory_space<vmem>>
        %dma_wait3A_59 = tpu.memref_squeeze %dma_wait3A_58 : memref<1x128xi32, #tpu.memory_space<vmem>> -> memref<128xi32, #tpu.memory_space<vmem>>
        %dma_wait3A_60 = arith.constant 0 : i32
        %dma_wait3A_61 = arith.constant 0 : i32
        %dma_wait3A_62 = tpu.memref_slice %arg2[%dma_wait3A_60, %dma_wait3A_61] : memref<10000x128xf32, #tpu.memory_space<hbm>> -> memref<10000x128xf32, #tpu.memory_space<hbm>>
        tpu.wait_indirect_dma semaphore(%arg12 : memref<!tpu.dma_semaphore, #tpu.memory_space<semaphore_mem>>) src(%dma_wait3A_62 : memref<10000x128xf32, #tpu.memory_space<hbm>>) dst(%arg10 : memref<128x128xf32, #tpu.memory_space<vmem>>)
        "tpu.region"() ({
          %run_scoped3A = tpu.sem_alloc : memref<!tpu.dma_semaphore, #tpu.memory_space<semaphore_mem>>
          %dma_start3A_63 = arith.constant 0 : i32
          %dma_start3A_64 = tpu.memref_slice %arg9[%scan3A_52, %dma_start3A_63] : memref<104x128xi32, #tpu.memory_space<vmem>> -> memref<1x128xi32, #tpu.memory_space<vmem>>
          %dma_start3A_65 = tpu.memref_squeeze %dma_start3A_64 : memref<1x128xi32, #tpu.memory_space<vmem>> -> memref<128xi32, #tpu.memory_space<vmem>>
          %dma_start3A_66 = arith.constant 0 : i32
          %dma_start3A_67 = arith.constant 0 : i32
          %dma_start3A_68 = tpu.memref_slice %arg11[%dma_start3A_66, %dma_start3A_67] : memref<10112x128xf32, #tpu.memory_space<vmem_shared>> -> memref<10112x128xf32, #tpu.memory_space<vmem_shared>>
          tpu.enqueue_indirect_dma source(%arg10 : memref<128x128xf32, #tpu.memory_space<vmem>>) target(%dma_start3A_68 : memref<10112x128xf32, #tpu.memory_space<vmem_shared>>) offsets(%dma_start3A_65 : memref<128xi32, #tpu.memory_space<vmem>>) semaphore(%run_scoped3A : memref<!tpu.dma_semaphore, #tpu.memory_space<semaphore_mem>>) {add = true}
          %dma_wait3A_69 = arith.constant 0 : i32
          %dma_wait3A_70 = tpu.memref_slice %arg9[%scan3A_52, %dma_wait3A_69] : memref<104x128xi32, #tpu.memory_space<vmem>> -> memref<1x128xi32, #tpu.memory_space<vmem>>
          %dma_wait3A_71 = tpu.memref_squeeze %dma_wait3A_70 : memref<1x128xi32, #tpu.memory_space<vmem>> -> memref<128xi32, #tpu.memory_space<vmem>>
          %dma_wait3A_72 = arith.constant 0 : i32
          %dma_wait3A_73 = arith.constant 0 : i32
          %dma_wait3A_74 = tpu.memref_slice %arg11[%dma_wait3A_72, %dma_wait3A_73] : memref<10112x128xf32, #tpu.memory_space<vmem_shared>> -> memref<10112x128xf32, #tpu.memory_space<vmem_shared>>
          tpu.wait_indirect_dma semaphore(%run_scoped3A : memref<!tpu.dma_semaphore, #tpu.memory_space<semaphore_mem>>) src(%arg10 : memref<128x128xf32, #tpu.memory_space<vmem>>) dst(%dma_wait3A_74 : memref<10112x128xf32, #tpu.memory_space<vmem_shared>>)
          tpu.yield
        }) : () -> ()
      }
      %scan3A_51 = arith.constant 104 : i32
    } else {
    }
    %eq3A_36 = arith.constant 1 : i32
    %eq3A_37 = arith.cmpi eq, %arg0, %eq3A_36 : i32
    %convert_element_type3A_38 = arith.extui %eq3A_37 : i1 to i32
    %cond3A_39 = arith.constant 0 : i32
    %cond3A_40 = arith.cmpi ne, %convert_element_type3A_38, %cond3A_39 : i32
    scf.if %cond3A_40 {
      %scan3A_46 = arith.constant 0 : i32
      %scan3A_47 = arith.constant 0 : i32
      %scan3A_48 = arith.constant 56 : i32
      %scan3A_49 = arith.addi %scan3A_47, %scan3A_48 : i32
      %scan3A_50 = arith.constant 1 : i32
      scf.for %scan3A_52 = %scan3A_47 to %scan3A_49 step %scan3A_50  : i32 {
        %dma_start3A = arith.constant 0 : i32
        %dma_start3A_53 = tpu.memref_slice %arg8[%scan3A_52, %dma_start3A] : memref<104x128xi32, #tpu.memory_space<vmem>> -> memref<1x128xi32, #tpu.memory_space<vmem>>
        %dma_start3A_54 = tpu.memref_squeeze %dma_start3A_53 : memref<1x128xi32, #tpu.memory_space<vmem>> -> memref<128xi32, #tpu.memory_space<vmem>>
        %dma_start3A_55 = arith.constant 0 : i32
        %dma_start3A_56 = arith.constant 0 : i32
        %dma_start3A_57 = tpu.memref_slice %arg2[%dma_start3A_55, %dma_start3A_56] : memref<10000x128xf32, #tpu.memory_space<hbm>> -> memref<10000x128xf32, #tpu.memory_space<hbm>>
        tpu.enqueue_indirect_dma source(%dma_start3A_57 : memref<10000x128xf32, #tpu.memory_space<hbm>>) target(%arg10 : memref<128x128xf32, #tpu.memory_space<vmem>>) offsets(%dma_start3A_54 : memref<128xi32, #tpu.memory_space<vmem>>) semaphore(%arg12 : memref<!tpu.dma_semaphore, #tpu.memory_space<semaphore_mem>>)
        %dma_wait3A = arith.constant 0 : i32
        %dma_wait3A_58 = tpu.memref_slice %arg8[%scan3A_52, %dma_wait3A] : memref<104x128xi32, #tpu.memory_space<vmem>> -> memref<1x128xi32, #tpu.memory_space<vmem>>
        %dma_wait3A_59 = tpu.memref_squeeze %dma_wait3A_58 : memref<1x128xi32, #tpu.memory_space<vmem>> -> memref<128xi32, #tpu.memory_space<vmem>>
        %dma_wait3A_60 = arith.constant 0 : i32
        %dma_wait3A_61 = arith.constant 0 : i32
        %dma_wait3A_62 = tpu.memref_slice %arg2[%dma_wait3A_60, %dma_wait3A_61] : memref<10000x128xf32, #tpu.memory_space<hbm>> -> memref<10000x128xf32, #tpu.memory_space<hbm>>
        tpu.wait_indirect_dma semaphore(%arg12 : memref<!tpu.dma_semaphore, #tpu.memory_space<semaphore_mem>>) src(%dma_wait3A_62 : memref<10000x128xf32, #tpu.memory_space<hbm>>) dst(%arg10 : memref<128x128xf32, #tpu.memory_space<vmem>>)
        "tpu.region"() ({
          %run_scoped3A = tpu.sem_alloc : memref<!tpu.dma_semaphore, #tpu.memory_space<semaphore_mem>>
          %dma_start3A_63 = arith.constant 0 : i32
          %dma_start3A_64 = tpu.memref_slice %arg9[%scan3A_52, %dma_start3A_63] : memref<104x128xi32, #tpu.memory_space<vmem>> -> memref<1x128xi32, #tpu.memory_space<vmem>>
          %dma_start3A_65 = tpu.memref_squeeze %dma_start3A_64 : memref<1x128xi32, #tpu.memory_space<vmem>> -> memref<128xi32, #tpu.memory_space<vmem>>
          %dma_start3A_66 = arith.constant 0 : i32
          %dma_start3A_67 = arith.constant 0 : i32
          %dma_start3A_68 = tpu.memref_slice %arg11[%dma_start3A_66, %dma_start3A_67] : memref<10112x128xf32, #tpu.memory_space<vmem_shared>> -> memref<10112x128xf32, #tpu.memory_space<vmem_shared>>
          tpu.enqueue_indirect_dma source(%arg10 : memref<128x128xf32, #tpu.memory_space<vmem>>) target(%dma_start3A_68 : memref<10112x128xf32, #tpu.memory_space<vmem_shared>>) offsets(%dma_start3A_65 : memref<128xi32, #tpu.memory_space<vmem>>) semaphore(%run_scoped3A : memref<!tpu.dma_semaphore, #tpu.memory_space<semaphore_mem>>) {add = true}
          %dma_wait3A_69 = arith.constant 0 : i32
          %dma_wait3A_70 = tpu.memref_slice %arg9[%scan3A_52, %dma_wait3A_69] : memref<104x128xi32, #tpu.memory_space<vmem>> -> memref<1x128xi32, #tpu.memory_space<vmem>>
          %dma_wait3A_71 = tpu.memref_squeeze %dma_wait3A_70 : memref<1x128xi32, #tpu.memory_space<vmem>> -> memref<128xi32, #tpu.memory_space<vmem>>
          %dma_wait3A_72 = arith.constant 0 : i32
          %dma_wait3A_73 = arith.constant 0 : i32
          %dma_wait3A_74 = tpu.memref_slice %arg11[%dma_wait3A_72, %dma_wait3A_73] : memref<10112x128xf32, #tpu.memory_space<vmem_shared>> -> memref<10112x128xf32, #tpu.memory_space<vmem_shared>>
          tpu.wait_indirect_dma semaphore(%run_scoped3A : memref<!tpu.dma_semaphore, #tpu.memory_space<semaphore_mem>>) src(%arg10 : memref<128x128xf32, #tpu.memory_space<vmem>>) dst(%dma_wait3A_74 : memref<10112x128xf32, #tpu.memory_space<vmem_shared>>)
          tpu.yield
        }) : () -> ()
      }
      %scan3A_51 = arith.constant 56 : i32
    } else {
    }
    %barrier3A_41 = arith.constant 0 : index
    tpu.barrier barrier_id(%barrier3A_41)
    %mul3A_42 = arith.constant 632 : i32
    %mul3A_43 = arith.muli %arg1, %mul3A_42 : i32
    %mul3A_44 = arith.constant 632 : i32
    %mul3A_45 = arith.muli %arg1, %mul3A_44 : i32
    "tpu.region"() ({
      %run_scoped3A = tpu.sem_alloc : memref<!tpu.dma_semaphore, #tpu.memory_space<semaphore_mem>>
      %dma_start3A = arith.constant 0 : i32
      %dma_start3A_46 = tpu.memref_slice %arg7[%arg0, %mul3A_45, %dma_start3A] : memref<2x10112x128xf32, #tpu.memory_space<hbm>> -> memref<1x632x128xf32, #tpu.memory_space<hbm>>
      %dma_start3A_47 = tpu.memref_squeeze %dma_start3A_46 : memref<1x632x128xf32, #tpu.memory_space<hbm>> -> memref<632x128xf32, #tpu.memory_space<hbm>>
      %dma_start3A_48 = arith.constant 0 : i32
      %dma_start3A_49 = tpu.memref_slice %arg11[%mul3A_43, %dma_start3A_48] : memref<10112x128xf32, #tpu.memory_space<vmem_shared>> -> memref<632x128xf32, #tpu.memory_space<vmem_shared>>
      tpu.enqueue_dma source(%dma_start3A_49 : memref<632x128xf32, #tpu.memory_space<vmem_shared>>) target(%dma_start3A_47 : memref<632x128xf32, #tpu.memory_space<hbm>>) target_semaphore(%run_scoped3A : memref<!tpu.dma_semaphore, #tpu.memory_space<semaphore_mem>>)
      %dma_wait3A = arith.constant 0 : i32
      %dma_wait3A_50 = tpu.memref_slice %arg7[%arg0, %mul3A_45, %dma_wait3A] : memref<2x10112x128xf32, #tpu.memory_space<hbm>> -> memref<1x632x128xf32, #tpu.memory_space<hbm>>
      %dma_wait3A_51 = tpu.memref_squeeze %dma_wait3A_50 : memref<1x632x128xf32, #tpu.memory_space<hbm>> -> memref<632x128xf32, #tpu.memory_space<hbm>>
      %dma_wait3A_52 = arith.constant 0 : i32
      %dma_wait3A_53 = tpu.memref_slice %arg11[%mul3A_43, %dma_wait3A_52] : memref<10112x128xf32, #tpu.memory_space<vmem_shared>> -> memref<632x128xf32, #tpu.memory_space<vmem_shared>>
      tpu.wait_dma2 semaphore(%run_scoped3A : memref<!tpu.dma_semaphore, #tpu.memory_space<semaphore_mem>>) src(%dma_wait3A_53 : memref<632x128xf32, #tpu.memory_space<vmem_shared>>) dst(%dma_wait3A_51 : memref<632x128xf32, #tpu.memory_space<hbm>>)
      tpu.yield
    }) : () -> ()
    return
  }
}

#map = affine_map<(d0, d1) -> (0, 0)>
#map1 = affine_map<(d0, d1) -> (0, 0, 0)>
module attributes {stable_mosaic.version = 14 : i64} {
  func.func @body(%arg0: i32, %arg1: i32, %arg2: memref<10000x128xf32, #tpu.memory_space<hbm>>, %arg3: memref<16x104x128xi32, #tpu.memory_space<hbm>>, %arg4: memref<16x104x128xi32, #tpu.memory_space<hbm>>, %arg5: memref<16x56x128xi32, #tpu.memory_space<hbm>>, %arg6: memref<16x56x128xi32, #tpu.memory_space<hbm>>, %arg7: memref<2x10112x128xf32, #tpu.memory_space<hbm>>, %arg8: memref<104x128xi32, #tpu.memory_space<vmem>>, %arg9: memref<104x128xi32, #tpu.memory_space<vmem>>, %arg10: memref<128x128xf32, #tpu.memory_space<vmem>>, %arg11: memref<10112x128xf32, #tpu.memory_space<vmem_shared>>, %arg12: memref<!tpu.dma_semaphore, #tpu.memory_space<semaphore_mem>>) attributes {dimension_semantics = [#tpu.dimension_semantics<core_parallel>, #tpu.dimension_semantics<subcore_parallel>], iteration_bounds = array<i64: 2, 16>, scalar_prefetch = 0 : i64, scratch_operands = 5 : i64, tpu.core_type = #tpu.core_type<sc_vector_subcore>, window_params = [{transform_indices = #map}, {transform_indices = #map1}, {transform_indices = #map1}, {transform_indices = #map1}, {transform_indices = #map1}, {transform_indices = #map1}]} {
    %scan3A = arith.constant 0 : i32
    %scan3A_0 = arith.constant 0 : i32
    %scan3A_1 = arith.constant 128 : i32
    %scan3A_2 = arith.addi %scan3A_0, %scan3A_1 : i32
    %scan3A_3 = arith.constant 1 : i32
    scf.for %scan3A_46 = %scan3A_0 to %scan3A_2 step %scan3A_3  : i32 {
      %broadcast_in_dim3A = arith.constant 0.000000e+00 : f32
      %broadcast_in_dim3A_47 = vector.broadcast %broadcast_in_dim3A : f32 to vector<16xf32>
      %swap3A = arith.index_cast %scan3A_46 : i32 to index
      %swap3A_48 = arith.constant 0 : index
      %swap3A_49 = tpu.vector_load %arg10[%swap3A, %swap3A_48] {strides = array<i32>} : memref<128x128xf32, #tpu.memory_space<vmem>>, vector<1x16xf32>,
      %swap3A_50 = vector.shape_cast %swap3A_49 : vector<1x16xf32> to vector<16xf32>
      %swap3A_51 = vector.shape_cast %broadcast_in_dim3A_47 : vector<16xf32> to vector<1x16xf32>
      tpu.vector_store %arg10[%swap3A, %swap3A_48], %swap3A_51 {strides = array<i32>} : memref<128x128xf32, #tpu.memory_space<vmem>>, vector<1x16xf32>,
      %broadcast_in_dim3A_52 = arith.constant 0.000000e+00 : f32
      %broadcast_in_dim3A_53 = vector.broadcast %broadcast_in_dim3A_52 : f32 to vector<16xf32>
      %swap3A_54 = arith.index_cast %scan3A_46 : i32 to index
      %swap3A_55 = arith.constant 16 : index
      %swap3A_56 = tpu.vector_load %arg10[%swap3A_54, %swap3A_55] {strides = array<i32>} : memref<128x128xf32, #tpu.memory_space<vmem>>, vector<1x16xf32>,
      %swap3A_57 = vector.shape_cast %swap3A_56 : vector<1x16xf32> to vector<16xf32>
      %swap3A_58 = vector.shape_cast %broadcast_in_dim3A_53 : vector<16xf32> to vector<1x16xf32>
      tpu.vector_store %arg10[%swap3A_54, %swap3A_55], %swap3A_58 {strides = array<i32>} : memref<128x128xf32, #tpu.memory_space<vmem>>, vector<1x16xf32>,
      %broadcast_in_dim3A_59 = arith.constant 0.000000e+00 : f32
      %broadcast_in_dim3A_60 = vector.broadcast %broadcast_in_dim3A_59 : f32 to vector<16xf32>
      %swap3A_61 = arith.index_cast %scan3A_46 : i32 to index
      %swap3A_62 = arith.constant 32 : index
      %swap3A_63 = tpu.vector_load %arg10[%swap3A_61, %swap3A_62] {strides = array<i32>} : memref<128x128xf32, #tpu.memory_space<vmem>>, vector<1x16xf32>,
      %swap3A_64 = vector.shape_cast %swap3A_63 : vector<1x16xf32> to vector<16xf32>
      %swap3A_65 = vector.shape_cast %broadcast_in_dim3A_60 : vector<16xf32> to vector<1x16xf32>
      tpu.vector_store %arg10[%swap3A_61, %swap3A_62], %swap3A_65 {strides = array<i32>} : memref<128x128xf32, #tpu.memory_space<vmem>>, vector<1x16xf32>,
      %broadcast_in_dim3A_66 = arith.constant 0.000000e+00 : f32
      %broadcast_in_dim3A_67 = vector.broadcast %broadcast_in_dim3A_66 : f32 to vector<16xf32>
      %swap3A_68 = arith.index_cast %scan3A_46 : i32 to index
      %swap3A_69 = arith.constant 48 : index
      %swap3A_70 = tpu.vector_load %arg10[%swap3A_68, %swap3A_69] {strides = array<i32>} : memref<128x128xf32, #tpu.memory_space<vmem>>, vector<1x16xf32>,
      %swap3A_71 = vector.shape_cast %swap3A_70 : vector<1x16xf32> to vector<16xf32>
      %swap3A_72 = vector.shape_cast %broadcast_in_dim3A_67 : vector<16xf32> to vector<1x16xf32>
      tpu.vector_store %arg10[%swap3A_68, %swap3A_69], %swap3A_72 {strides = array<i32>} : memref<128x128xf32, #tpu.memory_space<vmem>>, vector<1x16xf32>,
      %broadcast_in_dim3A_73 = arith.constant 0.000000e+00 : f32
      %broadcast_in_dim3A_74 = vector.broadcast %broadcast_in_dim3A_73 : f32 to vector<16xf32>
      %swap3A_75 = arith.index_cast %scan3A_46 : i32 to index
      %swap3A_76 = arith.constant 64 : index
      %swap3A_77 = tpu.vector_load %arg10[%swap3A_75, %swap3A_76] {strides = array<i32>} : memref<128x128xf32, #tpu.memory_space<vmem>>, vector<1x16xf32>,
      %swap3A_78 = vector.shape_cast %swap3A_77 : vector<1x16xf32> to vector<16xf32>
      %swap3A_79 = vector.shape_cast %broadcast_in_dim3A_74 : vector<16xf32> to vector<1x16xf32>
      tpu.vector_store %arg10[%swap3A_75, %swap3A_76], %swap3A_79 {strides = array<i32>} : memref<128x128xf32, #tpu.memory_space<vmem>>, vector<1x16xf32>,
      %broadcast_in_dim3A_80 = arith.constant 0.000000e+00 : f32
      %broadcast_in_dim3A_81 = vector.broadcast %broadcast_in_dim3A_80 : f32 to vector<16xf32>
      %swap3A_82 = arith.index_cast %scan3A_46 : i32 to index
      %swap3A_83 = arith.constant 80 : index
      %swap3A_84 = tpu.vector_load %arg10[%swap3A_82, %swap3A_83] {strides = array<i32>} : memref<128x128xf32, #tpu.memory_space<vmem>>, vector<1x16xf32>,
      %swap3A_85 = vector.shape_cast %swap3A_84 : vector<1x16xf32> to vector<16xf32>
      %swap3A_86 = vector.shape_cast %broadcast_in_dim3A_81 : vector<16xf32> to vector<1x16xf32>
      tpu.vector_store %arg10[%swap3A_82, %swap3A_83], %swap3A_86 {strides = array<i32>} : memref<128x128xf32, #tpu.memory_space<vmem>>, vector<1x16xf32>,
      %broadcast_in_dim3A_87 = arith.constant 0.000000e+00 : f32
      %broadcast_in_dim3A_88 = vector.broadcast %broadcast_in_dim3A_87 : f32 to vector<16xf32>
      %swap3A_89 = arith.index_cast %scan3A_46 : i32 to index
      %swap3A_90 = arith.constant 96 : index
      %swap3A_91 = tpu.vector_load %arg10[%swap3A_89, %swap3A_90] {strides = array<i32>} : memref<128x128xf32, #tpu.memory_space<vmem>>, vector<1x16xf32>,
      %swap3A_92 = vector.shape_cast %swap3A_91 : vector<1x16xf32> to vector<16xf32>
      %swap3A_93 = vector.shape_cast %broadcast_in_dim3A_88 : vector<16xf32> to vector<1x16xf32>
      tpu.vector_store %arg10[%swap3A_89, %swap3A_90], %swap3A_93 {strides = array<i32>} : memref<128x128xf32, #tpu.memory_space<vmem>>, vector<1x16xf32>,
      %broadcast_in_dim3A_94 = arith.constant 0.000000e+00 : f32
      %broadcast_in_dim3A_95 = vector.broadcast %broadcast_in_dim3A_94 : f32 to vector<16xf32>
      %swap3A_96 = arith.index_cast %scan3A_46 : i32 to index
      %swap3A_97 = arith.constant 112 : index
      %swap3A_98 = tpu.vector_load %arg10[%swap3A_96, %swap3A_97] {strides = array<i32>} : memref<128x128xf32, #tpu.memory_space<vmem>>, vector<1x16xf32>,
      %swap3A_99 = vector.shape_cast %swap3A_98 : vector<1x16xf32> to vector<16xf32>
      %swap3A_100 = vector.shape_cast %broadcast_in_dim3A_95 : vector<16xf32> to vector<1x16xf32>
      tpu.vector_store %arg10[%swap3A_96, %swap3A_97], %swap3A_100 {strides = array<i32>} : memref<128x128xf32, #tpu.memory_space<vmem>>, vector<1x16xf32>,
    }
    %scan3A_4 = arith.constant 128 : i32
    %mul3A = arith.constant 632 : i32
    %mul3A_5 = arith.muli %arg1, %mul3A : i32
    %add3A = arith.constant 0 : i32
    %add3A_6 = arith.addi %mul3A_5, %add3A : i32
    "tpu.region"() ({
      %run_scoped3A = tpu.sem_alloc : memref<!tpu.dma_semaphore, #tpu.memory_space<semaphore_mem>>
      %dma_start3A = arith.constant 0 : i32
      %dma_start3A_46 = tpu.memref_slice %arg11[%add3A_6, %dma_start3A] : memref<10112x128xf32, #tpu.memory_space<vmem_shared>> -> memref<128x128xf32, #tpu.memory_space<vmem_shared>>
      %dma_start3A_47 = arith.constant 0 : i32
      %dma_start3A_48 = tpu.memref_slice %arg11[%add3A_6, %dma_start3A_47] : memref<10112x128xf32, #tpu.memory_space<vmem_shared>> -> memref<128x128xf32, #tpu.memory_space<vmem_shared>>
      tpu.enqueue_dma source(%arg10 : memref<128x128xf32, #tpu.memory_space<vmem>>) target(%dma_start3A_48 : memref<128x128xf32, #tpu.memory_space<vmem_shared>>) target_semaphore(%run_scoped3A : memref<!tpu.dma_semaphore, #tpu.memory_space<semaphore_mem>>)
      %dma_wait3A = arith.constant 0 : i32
      %dma_wait3A_49 = tpu.memref_slice %arg11[%add3A_6, %dma_wait3A] : memref<10112x128xf32, #tpu.memory_space<vmem_shared>> -> memref<128x128xf32, #tpu.memory_space<vmem_shared>>
      %dma_wait3A_50 = arith.constant 0 : i32
      %dma_wait3A_51 = tpu.memref_slice %arg11[%add3A_6, %dma_wait3A_50] : memref<10112x128xf32, #tpu.memory_space<vmem_shared>> -> memref<128x128xf32, #tpu.memory_space<vmem_shared>>
      tpu.wait_dma2 semaphore(%run_scoped3A : memref<!tpu.dma_semaphore, #tpu.memory_space<semaphore_mem>>) src(%arg10 : memref<128x128xf32, #tpu.memory_space<vmem>>) dst(%dma_wait3A_51 : memref<128x128xf32, #tpu.memory_space<vmem_shared>>)
      tpu.yield
    }) : () -> ()
    %mul3A_7 = arith.constant 632 : i32
    %mul3A_8 = arith.muli %arg1, %mul3A_7 : i32
    %add3A_9 = arith.constant 128 : i32
    %add3A_10 = arith.addi %mul3A_8, %add3A_9 : i32
    "tpu.region"() ({
      %run_scoped3A = tpu.sem_alloc : memref<!tpu.dma_semaphore, #tpu.memory_space<semaphore_mem>>
      %dma_start3A = arith.constant 0 : i32
      %dma_start3A_46 = tpu.memref_slice %arg11[%add3A_10, %dma_start3A] : memref<10112x128xf32, #tpu.memory_space<vmem_shared>> -> memref<128x128xf32, #tpu.memory_space<vmem_shared>>
      %dma_start3A_47 = arith.constant 0 : i32
      %dma_start3A_48 = tpu.memref_slice %arg11[%add3A_10, %dma_start3A_47] : memref<10112x128xf32, #tpu.memory_space<vmem_shared>> -> memref<128x128xf32, #tpu.memory_space<vmem_shared>>
      tpu.enqueue_dma source(%arg10 : memref<128x128xf32, #tpu.memory_space<vmem>>) target(%dma_start3A_48 : memref<128x128xf32, #tpu.memory_space<vmem_shared>>) target_semaphore(%run_scoped3A : memref<!tpu.dma_semaphore, #tpu.memory_space<semaphore_mem>>)
      %dma_wait3A = arith.constant 0 : i32
      %dma_wait3A_49 = tpu.memref_slice %arg11[%add3A_10, %dma_wait3A] : memref<10112x128xf32, #tpu.memory_space<vmem_shared>> -> memref<128x128xf32, #tpu.memory_space<vmem_shared>>
      %dma_wait3A_50 = arith.constant 0 : i32
      %dma_wait3A_51 = tpu.memref_slice %arg11[%add3A_10, %dma_wait3A_50] : memref<10112x128xf32, #tpu.memory_space<vmem_shared>> -> memref<128x128xf32, #tpu.memory_space<vmem_shared>>
      tpu.wait_dma2 semaphore(%run_scoped3A : memref<!tpu.dma_semaphore, #tpu.memory_space<semaphore_mem>>) src(%arg10 : memref<128x128xf32, #tpu.memory_space<vmem>>) dst(%dma_wait3A_51 : memref<128x128xf32, #tpu.memory_space<vmem_shared>>)
      tpu.yield
    }) : () -> ()
    %mul3A_11 = arith.constant 632 : i32
    %mul3A_12 = arith.muli %arg1, %mul3A_11 : i32
    %add3A_13 = arith.constant 256 : i32
    %add3A_14 = arith.addi %mul3A_12, %add3A_13 : i32
    "tpu.region"() ({
      %run_scoped3A = tpu.sem_alloc : memref<!tpu.dma_semaphore, #tpu.memory_space<semaphore_mem>>
      %dma_start3A = arith.constant 0 : i32
      %dma_start3A_46 = tpu.memref_slice %arg11[%add3A_14, %dma_start3A] : memref<10112x128xf32, #tpu.memory_space<vmem_shared>> -> memref<128x128xf32, #tpu.memory_space<vmem_shared>>
      %dma_start3A_47 = arith.constant 0 : i32
      %dma_start3A_48 = tpu.memref_slice %arg11[%add3A_14, %dma_start3A_47] : memref<10112x128xf32, #tpu.memory_space<vmem_shared>> -> memref<128x128xf32, #tpu.memory_space<vmem_shared>>
      tpu.enqueue_dma source(%arg10 : memref<128x128xf32, #tpu.memory_space<vmem>>) target(%dma_start3A_48 : memref<128x128xf32, #tpu.memory_space<vmem_shared>>) target_semaphore(%run_scoped3A : memref<!tpu.dma_semaphore, #tpu.memory_space<semaphore_mem>>)
      %dma_wait3A = arith.constant 0 : i32
      %dma_wait3A_49 = tpu.memref_slice %arg11[%add3A_14, %dma_wait3A] : memref<10112x128xf32, #tpu.memory_space<vmem_shared>> -> memref<128x128xf32, #tpu.memory_space<vmem_shared>>
      %dma_wait3A_50 = arith.constant 0 : i32
      %dma_wait3A_51 = tpu.memref_slice %arg11[%add3A_14, %dma_wait3A_50] : memref<10112x128xf32, #tpu.memory_space<vmem_shared>> -> memref<128x128xf32, #tpu.memory_space<vmem_shared>>
      tpu.wait_dma2 semaphore(%run_scoped3A : memref<!tpu.dma_semaphore, #tpu.memory_space<semaphore_mem>>) src(%arg10 : memref<128x128xf32, #tpu.memory_space<vmem>>) dst(%dma_wait3A_51 : memref<128x128xf32, #tpu.memory_space<vmem_shared>>)
      tpu.yield
    }) : () -> ()
    %mul3A_15 = arith.constant 632 : i32
    %mul3A_16 = arith.muli %arg1, %mul3A_15 : i32
    %add3A_17 = arith.constant 384 : i32
    %add3A_18 = arith.addi %mul3A_16, %add3A_17 : i32
    "tpu.region"() ({
      %run_scoped3A = tpu.sem_alloc : memref<!tpu.dma_semaphore, #tpu.memory_space<semaphore_mem>>
      %dma_start3A = arith.constant 0 : i32
      %dma_start3A_46 = tpu.memref_slice %arg11[%add3A_18, %dma_start3A] : memref<10112x128xf32, #tpu.memory_space<vmem_shared>> -> memref<128x128xf32, #tpu.memory_space<vmem_shared>>
      %dma_start3A_47 = arith.constant 0 : i32
      %dma_start3A_48 = tpu.memref_slice %arg11[%add3A_18, %dma_start3A_47] : memref<10112x128xf32, #tpu.memory_space<vmem_shared>> -> memref<128x128xf32, #tpu.memory_space<vmem_shared>>
      tpu.enqueue_dma source(%arg10 : memref<128x128xf32, #tpu.memory_space<vmem>>) target(%dma_start3A_48 : memref<128x128xf32, #tpu.memory_space<vmem_shared>>) target_semaphore(%run_scoped3A : memref<!tpu.dma_semaphore, #tpu.memory_space<semaphore_mem>>)
      %dma_wait3A = arith.constant 0 : i32
      %dma_wait3A_49 = tpu.memref_slice %arg11[%add3A_18, %dma_wait3A] : memref<10112x128xf32, #tpu.memory_space<vmem_shared>> -> memref<128x128xf32, #tpu.memory_space<vmem_shared>>
      %dma_wait3A_50 = arith.constant 0 : i32
      %dma_wait3A_51 = tpu.memref_slice %arg11[%add3A_18, %dma_wait3A_50] : memref<10112x128xf32, #tpu.memory_space<vmem_shared>> -> memref<128x128xf32, #tpu.memory_space<vmem_shared>>
      tpu.wait_dma2 semaphore(%run_scoped3A : memref<!tpu.dma_semaphore, #tpu.memory_space<semaphore_mem>>) src(%arg10 : memref<128x128xf32, #tpu.memory_space<vmem>>) dst(%dma_wait3A_51 : memref<128x128xf32, #tpu.memory_space<vmem_shared>>)
      tpu.yield
    }) : () -> ()
    %mul3A_19 = arith.constant 632 : i32
    %mul3A_20 = arith.muli %arg1, %mul3A_19 : i32
    %add3A_21 = arith.constant 632 : i32
    %add3A_22 = arith.addi %mul3A_20, %add3A_21 : i32
    %sub3A = arith.constant 120 : i32
    %sub3A_23 = arith.subi %add3A_22, %sub3A : i32
    "tpu.region"() ({
      %run_scoped3A = tpu.sem_alloc : memref<!tpu.dma_semaphore, #tpu.memory_space<semaphore_mem>>
      %dma_start3A = arith.constant 0 : i32
      %dma_start3A_46 = arith.constant 0 : i32
      %dma_start3A_47 = tpu.memref_slice %arg10[%dma_start3A, %dma_start3A_46] : memref<128x128xf32, #tpu.memory_space<vmem>> -> memref<120x128xf32, #tpu.memory_space<vmem>>
      %dma_start3A_48 = arith.constant 0 : i32
      %dma_start3A_49 = tpu.memref_slice %arg11[%sub3A_23, %dma_start3A_48] : memref<10112x128xf32, #tpu.memory_space<vmem_shared>> -> memref<120x128xf32, #tpu.memory_space<vmem_shared>>
      %dma_start3A_50 = arith.constant 0 : i32
      %dma_start3A_51 = tpu.memref_slice %arg11[%sub3A_23, %dma_start3A_50] : memref<10112x128xf32, #tpu.memory_space<vmem_shared>> -> memref<120x128xf32, #tpu.memory_space<vmem_shared>>
      %dma_start3A_52 = arith.constant 0 : i32
      %dma_start3A_53 = arith.constant 0 : i32
      %dma_start3A_54 = tpu.memref_slice %arg10[%dma_start3A_52, %dma_start3A_53] : memref<128x128xf32, #tpu.memory_space<vmem>> -> memref<120x128xf32, #tpu.memory_space<vmem>>
      tpu.enqueue_dma source(%dma_start3A_54 : memref<120x128xf32, #tpu.memory_space<vmem>>) target(%dma_start3A_51 : memref<120x128xf32, #tpu.memory_space<vmem_shared>>) target_semaphore(%run_scoped3A : memref<!tpu.dma_semaphore, #tpu.memory_space<semaphore_mem>>)
      %dma_wait3A = arith.constant 0 : i32
      %dma_wait3A_55 = arith.constant 0 : i32
      %dma_wait3A_56 = tpu.memref_slice %arg10[%dma_wait3A, %dma_wait3A_55] : memref<128x128xf32, #tpu.memory_space<vmem>> -> memref<120x128xf32, #tpu.memory_space<vmem>>
      %dma_wait3A_57 = arith.constant 0 : i32
      %dma_wait3A_58 = tpu.memref_slice %arg11[%sub3A_23, %dma_wait3A_57] : memref<10112x128xf32, #tpu.memory_space<vmem_shared>> -> memref<120x128xf32, #tpu.memory_space<vmem_shared>>
      %dma_wait3A_59 = arith.constant 0 : i32
      %dma_wait3A_60 = tpu.memref_slice %arg11[%sub3A_23, %dma_wait3A_59] : memref<10112x128xf32, #tpu.memory_space<vmem_shared>> -> memref<120x128xf32, #tpu.memory_space<vmem_shared>>
      %dma_wait3A_61 = arith.constant 0 : i32
      %dma_wait3A_62 = arith.constant 0 : i32
      %dma_wait3A_63 = tpu.memref_slice %arg10[%dma_wait3A_61, %dma_wait3A_62] : memref<128x128xf32, #tpu.memory_space<vmem>> -> memref<120x128xf32, #tpu.memory_space<vmem>>
      tpu.wait_dma2 semaphore(%run_scoped3A : memref<!tpu.dma_semaphore, #tpu.memory_space<semaphore_mem>>) src(%dma_wait3A_63 : memref<120x128xf32, #tpu.memory_space<vmem>>) dst(%dma_wait3A_60 : memref<120x128xf32, #tpu.memory_space<vmem_shared>>)
      tpu.yield
    }) : () -> ()
    %barrier3A = arith.constant 0 : index
    tpu.barrier barrier_id(%barrier3A)
    %eq3A = arith.constant 0 : i32
    %eq3A_24 = arith.cmpi eq, %arg0, %eq3A : i32
    %convert_element_type3A = arith.extui %eq3A_24 : i1 to i32
    %cond3A = arith.constant 0 : i32
    %cond3A_25 = arith.cmpi ne, %convert_element_type3A, %cond3A : i32
    scf.if %cond3A_25 {
      "tpu.region"() ({
        %run_scoped3A = tpu.sem_alloc : memref<!tpu.dma_semaphore, #tpu.memory_space<semaphore_mem>>
        %dma_start3A = arith.constant 0 : i32
        %dma_start3A_46 = arith.constant 0 : i32
        %dma_start3A_47 = tpu.memref_slice %arg8[%dma_start3A, %dma_start3A_46] : memref<104x128xi32, #tpu.memory_space<vmem>> -> memref<104x128xi32, #tpu.memory_space<vmem>>
        %dma_start3A_48 = arith.constant 0 : i32
        %dma_start3A_49 = arith.constant 0 : i32
        %dma_start3A_50 = tpu.memref_slice %arg3[%arg1, %dma_start3A_48, %dma_start3A_49] : memref<16x104x128xi32, #tpu.memory_space<hbm>> -> memref<1x104x128xi32, #tpu.memory_space<hbm>>
        %dma_start3A_51 = tpu.memref_squeeze %dma_start3A_50 : memref<1x104x128xi32, #tpu.memory_space<hbm>> -> memref<104x128xi32, #tpu.memory_space<hbm>>
        %dma_start3A_52 = arith.constant 0 : i32
        %dma_start3A_53 = arith.constant 0 : i32
        %dma_start3A_54 = tpu.memref_slice %arg8[%dma_start3A_52, %dma_start3A_53] : memref<104x128xi32, #tpu.memory_space<vmem>> -> memref<104x128xi32, #tpu.memory_space<vmem>>
        %dma_start3A_55 = arith.constant 0 : i32
        %dma_start3A_56 = arith.constant 0 : i32
        %dma_start3A_57 = tpu.memref_slice %arg3[%arg1, %dma_start3A_55, %dma_start3A_56] : memref<16x104x128xi32, #tpu.memory_space<hbm>> -> memref<1x104x128xi32, #tpu.memory_space<hbm>>
        %dma_start3A_58 = tpu.memref_squeeze %dma_start3A_57 : memref<1x104x128xi32, #tpu.memory_space<hbm>> -> memref<104x128xi32, #tpu.memory_space<hbm>>
        tpu.enqueue_dma source(%dma_start3A_58 : memref<104x128xi32, #tpu.memory_space<hbm>>) target(%dma_start3A_54 : memref<104x128xi32, #tpu.memory_space<vmem>>) target_semaphore(%run_scoped3A : memref<!tpu.dma_semaphore, #tpu.memory_space<semaphore_mem>>)
        %dma_wait3A = arith.constant 0 : i32
        %dma_wait3A_59 = arith.constant 0 : i32
        %dma_wait3A_60 = tpu.memref_slice %arg8[%dma_wait3A, %dma_wait3A_59] : memref<104x128xi32, #tpu.memory_space<vmem>> -> memref<104x128xi32, #tpu.memory_space<vmem>>
        %dma_wait3A_61 = arith.constant 0 : i32
        %dma_wait3A_62 = arith.constant 0 : i32
        %dma_wait3A_63 = tpu.memref_slice %arg3[%arg1, %dma_wait3A_61, %dma_wait3A_62] : memref<16x104x128xi32, #tpu.memory_space<hbm>> -> memref<1x104x128xi32, #tpu.memory_space<hbm>>
        %dma_wait3A_64 = tpu.memref_squeeze %dma_wait3A_63 : memref<1x104x128xi32, #tpu.memory_space<hbm>> -> memref<104x128xi32, #tpu.memory_space<hbm>>
        %dma_wait3A_65 = arith.constant 0 : i32
        %dma_wait3A_66 = arith.constant 0 : i32
        %dma_wait3A_67 = tpu.memref_slice %arg8[%dma_wait3A_65, %dma_wait3A_66] : memref<104x128xi32, #tpu.memory_space<vmem>> -> memref<104x128xi32, #tpu.memory_space<vmem>>
        %dma_wait3A_68 = arith.constant 0 : i32
        %dma_wait3A_69 = arith.constant 0 : i32
        %dma_wait3A_70 = tpu.memref_slice %arg3[%arg1, %dma_wait3A_68, %dma_wait3A_69] : memref<16x104x128xi32, #tpu.memory_space<hbm>> -> memref<1x104x128xi32, #tpu.memory_space<hbm>>
        %dma_wait3A_71 = tpu.memref_squeeze %dma_wait3A_70 : memref<1x104x128xi32, #tpu.memory_space<hbm>> -> memref<104x128xi32, #tpu.memory_space<hbm>>
        tpu.wait_dma2 semaphore(%run_scoped3A : memref<!tpu.dma_semaphore, #tpu.memory_space<semaphore_mem>>) src(%dma_wait3A_71 : memref<104x128xi32, #tpu.memory_space<hbm>>) dst(%dma_wait3A_67 : memref<104x128xi32, #tpu.memory_space<vmem>>)
        tpu.yield
      }) : () -> ()
      "tpu.region"() ({
        %run_scoped3A = tpu.sem_alloc : memref<!tpu.dma_semaphore, #tpu.memory_space<semaphore_mem>>
        %dma_start3A = arith.constant 0 : i32
        %dma_start3A_46 = arith.constant 0 : i32
        %dma_start3A_47 = tpu.memref_slice %arg9[%dma_start3A, %dma_start3A_46] : memref<104x128xi32, #tpu.memory_space<vmem>> -> memref<104x128xi32, #tpu.memory_space<vmem>>
        %dma_start3A_48 = arith.constant 0 : i32
        %dma_start3A_49 = arith.constant 0 : i32
        %dma_start3A_50 = tpu.memref_slice %arg4[%arg1, %dma_start3A_48, %dma_start3A_49] : memref<16x104x128xi32, #tpu.memory_space<hbm>> -> memref<1x104x128xi32, #tpu.memory_space<hbm>>
        %dma_start3A_51 = tpu.memref_squeeze %dma_start3A_50 : memref<1x104x128xi32, #tpu.memory_space<hbm>> -> memref<104x128xi32, #tpu.memory_space<hbm>>
        %dma_start3A_52 = arith.constant 0 : i32
        %dma_start3A_53 = arith.constant 0 : i32
        %dma_start3A_54 = tpu.memref_slice %arg9[%dma_start3A_52, %dma_start3A_53] : memref<104x128xi32, #tpu.memory_space<vmem>> -> memref<104x128xi32, #tpu.memory_space<vmem>>
        %dma_start3A_55 = arith.constant 0 : i32
        %dma_start3A_56 = arith.constant 0 : i32
        %dma_start3A_57 = tpu.memref_slice %arg4[%arg1, %dma_start3A_55, %dma_start3A_56] : memref<16x104x128xi32, #tpu.memory_space<hbm>> -> memref<1x104x128xi32, #tpu.memory_space<hbm>>
        %dma_start3A_58 = tpu.memref_squeeze %dma_start3A_57 : memref<1x104x128xi32, #tpu.memory_space<hbm>> -> memref<104x128xi32, #tpu.memory_space<hbm>>
        tpu.enqueue_dma source(%dma_start3A_58 : memref<104x128xi32, #tpu.memory_space<hbm>>) target(%dma_start3A_54 : memref<104x128xi32, #tpu.memory_space<vmem>>) target_semaphore(%run_scoped3A : memref<!tpu.dma_semaphore, #tpu.memory_space<semaphore_mem>>)
        %dma_wait3A = arith.constant 0 : i32
        %dma_wait3A_59 = arith.constant 0 : i32
        %dma_wait3A_60 = tpu.memref_slice %arg9[%dma_wait3A, %dma_wait3A_59] : memref<104x128xi32, #tpu.memory_space<vmem>> -> memref<104x128xi32, #tpu.memory_space<vmem>>
        %dma_wait3A_61 = arith.constant 0 : i32
        %dma_wait3A_62 = arith.constant 0 : i32
        %dma_wait3A_63 = tpu.memref_slice %arg4[%arg1, %dma_wait3A_61, %dma_wait3A_62] : memref<16x104x128xi32, #tpu.memory_space<hbm>> -> memref<1x104x128xi32, #tpu.memory_space<hbm>>
        %dma_wait3A_64 = tpu.memref_squeeze %dma_wait3A_63 : memref<1x104x128xi32, #tpu.memory_space<hbm>> -> memref<104x128xi32, #tpu.memory_space<hbm>>
        %dma_wait3A_65 = arith.constant 0 : i32
        %dma_wait3A_66 = arith.constant 0 : i32
        %dma_wait3A_67 = tpu.memref_slice %arg9[%dma_wait3A_65, %dma_wait3A_66] : memref<104x128xi32, #tpu.memory_space<vmem>> -> memref<104x128xi32, #tpu.memory_space<vmem>>
        %dma_wait3A_68 = arith.constant 0 : i32
        %dma_wait3A_69 = arith.constant 0 : i32
        %dma_wait3A_70 = tpu.memref_slice %arg4[%arg1, %dma_wait3A_68, %dma_wait3A_69] : memref<16x104x128xi32, #tpu.memory_space<hbm>> -> memref<1x104x128xi32, #tpu.memory_space<hbm>>
        %dma_wait3A_71 = tpu.memref_squeeze %dma_wait3A_70 : memref<1x104x128xi32, #tpu.memory_space<hbm>> -> memref<104x128xi32, #tpu.memory_space<hbm>>
        tpu.wait_dma2 semaphore(%run_scoped3A : memref<!tpu.dma_semaphore, #tpu.memory_space<semaphore_mem>>) src(%dma_wait3A_71 : memref<104x128xi32, #tpu.memory_space<hbm>>) dst(%dma_wait3A_67 : memref<104x128xi32, #tpu.memory_space<vmem>>)
        tpu.yield
      }) : () -> ()
    } else {
    }
    %eq3A_26 = arith.constant 1 : i32
    %eq3A_27 = arith.cmpi eq, %arg0, %eq3A_26 : i32
    %convert_element_type3A_28 = arith.extui %eq3A_27 : i1 to i32
    %cond3A_29 = arith.constant 0 : i32
    %cond3A_30 = arith.cmpi ne, %convert_element_type3A_28, %cond3A_29 : i32
    scf.if %cond3A_30 {
      "tpu.region"() ({
        %run_scoped3A = tpu.sem_alloc : memref<!tpu.dma_semaphore, #tpu.memory_space<semaphore_mem>>
        %dma_start3A = arith.constant 0 : i32
        %dma_start3A_46 = arith.constant 0 : i32
        %dma_start3A_47 = tpu.memref_slice %arg8[%dma_start3A, %dma_start3A_46] : memref<104x128xi32, #tpu.memory_space<vmem>> -> memref<56x128xi32, #tpu.memory_space<vmem>>
        %dma_start3A_48 = arith.constant 0 : i32
        %dma_start3A_49 = arith.constant 0 : i32
        %dma_start3A_50 = tpu.memref_slice %arg5[%arg1, %dma_start3A_48, %dma_start3A_49] : memref<16x56x128xi32, #tpu.memory_space<hbm>> -> memref<1x56x128xi32, #tpu.memory_space<hbm>>
        %dma_start3A_51 = tpu.memref_squeeze %dma_start3A_50 : memref<1x56x128xi32, #tpu.memory_space<hbm>> -> memref<56x128xi32, #tpu.memory_space<hbm>>
        %dma_start3A_52 = arith.constant 0 : i32
        %dma_start3A_53 = arith.constant 0 : i32
        %dma_start3A_54 = tpu.memref_slice %arg8[%dma_start3A_52, %dma_start3A_53] : memref<104x128xi32, #tpu.memory_space<vmem>> -> memref<56x128xi32, #tpu.memory_space<vmem>>
        %dma_start3A_55 = arith.constant 0 : i32
        %dma_start3A_56 = arith.constant 0 : i32
        %dma_start3A_57 = tpu.memref_slice %arg5[%arg1, %dma_start3A_55, %dma_start3A_56] : memref<16x56x128xi32, #tpu.memory_space<hbm>> -> memref<1x56x128xi32, #tpu.memory_space<hbm>>
        %dma_start3A_58 = tpu.memref_squeeze %dma_start3A_57 : memref<1x56x128xi32, #tpu.memory_space<hbm>> -> memref<56x128xi32, #tpu.memory_space<hbm>>
        tpu.enqueue_dma source(%dma_start3A_58 : memref<56x128xi32, #tpu.memory_space<hbm>>) target(%dma_start3A_54 : memref<56x128xi32, #tpu.memory_space<vmem>>) target_semaphore(%run_scoped3A : memref<!tpu.dma_semaphore, #tpu.memory_space<semaphore_mem>>)
        %dma_wait3A = arith.constant 0 : i32
        %dma_wait3A_59 = arith.constant 0 : i32
        %dma_wait3A_60 = tpu.memref_slice %arg8[%dma_wait3A, %dma_wait3A_59] : memref<104x128xi32, #tpu.memory_space<vmem>> -> memref<56x128xi32, #tpu.memory_space<vmem>>
        %dma_wait3A_61 = arith.constant 0 : i32
        %dma_wait3A_62 = arith.constant 0 : i32
        %dma_wait3A_63 = tpu.memref_slice %arg5[%arg1, %dma_wait3A_61, %dma_wait3A_62] : memref<16x56x128xi32, #tpu.memory_space<hbm>> -> memref<1x56x128xi32, #tpu.memory_space<hbm>>
        %dma_wait3A_64 = tpu.memref_squeeze %dma_wait3A_63 : memref<1x56x128xi32, #tpu.memory_space<hbm>> -> memref<56x128xi32, #tpu.memory_space<hbm>>
        %dma_wait3A_65 = arith.constant 0 : i32
        %dma_wait3A_66 = arith.constant 0 : i32
        %dma_wait3A_67 = tpu.memref_slice %arg8[%dma_wait3A_65, %dma_wait3A_66] : memref<104x128xi32, #tpu.memory_space<vmem>> -> memref<56x128xi32, #tpu.memory_space<vmem>>
        %dma_wait3A_68 = arith.constant 0 : i32
        %dma_wait3A_69 = arith.constant 0 : i32
        %dma_wait3A_70 = tpu.memref_slice %arg5[%arg1, %dma_wait3A_68, %dma_wait3A_69] : memref<16x56x128xi32, #tpu.memory_space<hbm>> -> memref<1x56x128xi32, #tpu.memory_space<hbm>>
        %dma_wait3A_71 = tpu.memref_squeeze %dma_wait3A_70 : memref<1x56x128xi32, #tpu.memory_space<hbm>> -> memref<56x128xi32, #tpu.memory_space<hbm>>
        tpu.wait_dma2 semaphore(%run_scoped3A : memref<!tpu.dma_semaphore, #tpu.memory_space<semaphore_mem>>) src(%dma_wait3A_71 : memref<56x128xi32, #tpu.memory_space<hbm>>) dst(%dma_wait3A_67 : memref<56x128xi32, #tpu.memory_space<vmem>>)
        tpu.yield
      }) : () -> ()
      "tpu.region"() ({
        %run_scoped3A = tpu.sem_alloc : memref<!tpu.dma_semaphore, #tpu.memory_space<semaphore_mem>>
        %dma_start3A = arith.constant 0 : i32
        %dma_start3A_46 = arith.constant 0 : i32
        %dma_start3A_47 = tpu.memref_slice %arg9[%dma_start3A, %dma_start3A_46] : memref<104x128xi32, #tpu.memory_space<vmem>> -> memref<56x128xi32, #tpu.memory_space<vmem>>
        %dma_start3A_48 = arith.constant 0 : i32
        %dma_start3A_49 = arith.constant 0 : i32
        %dma_start3A_50 = tpu.memref_slice %arg6[%arg1, %dma_start3A_48, %dma_start3A_49] : memref<16x56x128xi32, #tpu.memory_space<hbm>> -> memref<1x56x128xi32, #tpu.memory_space<hbm>>
        %dma_start3A_51 = tpu.memref_squeeze %dma_start3A_50 : memref<1x56x128xi32, #tpu.memory_space<hbm>> -> memref<56x128xi32, #tpu.memory_space<hbm>>
        %dma_start3A_52 = arith.constant 0 : i32
        %dma_start3A_53 = arith.constant 0 : i32
        %dma_start3A_54 = tpu.memref_slice %arg9[%dma_start3A_52, %dma_start3A_53] : memref<104x128xi32, #tpu.memory_space<vmem>> -> memref<56x128xi32, #tpu.memory_space<vmem>>
        %dma_start3A_55 = arith.constant 0 : i32
        %dma_start3A_56 = arith.constant 0 : i32
        %dma_start3A_57 = tpu.memref_slice %arg6[%arg1, %dma_start3A_55, %dma_start3A_56] : memref<16x56x128xi32, #tpu.memory_space<hbm>> -> memref<1x56x128xi32, #tpu.memory_space<hbm>>
        %dma_start3A_58 = tpu.memref_squeeze %dma_start3A_57 : memref<1x56x128xi32, #tpu.memory_space<hbm>> -> memref<56x128xi32, #tpu.memory_space<hbm>>
        tpu.enqueue_dma source(%dma_start3A_58 : memref<56x128xi32, #tpu.memory_space<hbm>>) target(%dma_start3A_54 : memref<56x128xi32, #tpu.memory_space<vmem>>) target_semaphore(%run_scoped3A : memref<!tpu.dma_semaphore, #tpu.memory_space<semaphore_mem>>)
        %dma_wait3A = arith.constant 0 : i32
        %dma_wait3A_59 = arith.constant 0 : i32
        %dma_wait3A_60 = tpu.memref_slice %arg9[%dma_wait3A, %dma_wait3A_59] : memref<104x128xi32, #tpu.memory_space<vmem>> -> memref<56x128xi32, #tpu.memory_space<vmem>>
        %dma_wait3A_61 = arith.constant 0 : i32
        %dma_wait3A_62 = arith.constant 0 : i32
        %dma_wait3A_63 = tpu.memref_slice %arg6[%arg1, %dma_wait3A_61, %dma_wait3A_62] : memref<16x56x128xi32, #tpu.memory_space<hbm>> -> memref<1x56x128xi32, #tpu.memory_space<hbm>>
        %dma_wait3A_64 = tpu.memref_squeeze %dma_wait3A_63 : memref<1x56x128xi32, #tpu.memory_space<hbm>> -> memref<56x128xi32, #tpu.memory_space<hbm>>
        %dma_wait3A_65 = arith.constant 0 : i32
        %dma_wait3A_66 = arith.constant 0 : i32
        %dma_wait3A_67 = tpu.memref_slice %arg9[%dma_wait3A_65, %dma_wait3A_66] : memref<104x128xi32, #tpu.memory_space<vmem>> -> memref<56x128xi32, #tpu.memory_space<vmem>>
        %dma_wait3A_68 = arith.constant 0 : i32
        %dma_wait3A_69 = arith.constant 0 : i32
        %dma_wait3A_70 = tpu.memref_slice %arg6[%arg1, %dma_wait3A_68, %dma_wait3A_69] : memref<16x56x128xi32, #tpu.memory_space<hbm>> -> memref<1x56x128xi32, #tpu.memory_space<hbm>>
        %dma_wait3A_71 = tpu.memref_squeeze %dma_wait3A_70 : memref<1x56x128xi32, #tpu.memory_space<hbm>> -> memref<56x128xi32, #tpu.memory_space<hbm>>
        tpu.wait_dma2 semaphore(%run_scoped3A : memref<!tpu.dma_semaphore, #tpu.memory_space<semaphore_mem>>) src(%dma_wait3A_71 : memref<56x128xi32, #tpu.memory_space<hbm>>) dst(%dma_wait3A_67 : memref<56x128xi32, #tpu.memory_space<vmem>>)
        tpu.yield
      }) : () -> ()
    } else {
    }
    %eq3A_31 = arith.constant 0 : i32
    %eq3A_32 = arith.cmpi eq, %arg0, %eq3A_31 : i32
    %convert_element_type3A_33 = arith.extui %eq3A_32 : i1 to i32
    %cond3A_34 = arith.constant 0 : i32
    %cond3A_35 = arith.cmpi ne, %convert_element_type3A_33, %cond3A_34 : i32
    scf.if %cond3A_35 {
      %scan3A_46 = arith.constant 0 : i32
      %scan3A_47 = arith.constant 0 : i32
      %scan3A_48 = arith.constant 104 : i32
      %scan3A_49 = arith.addi %scan3A_47, %scan3A_48 : i32
      %scan3A_50 = arith.constant 1 : i32
      scf.for %scan3A_52 = %scan3A_47 to %scan3A_49 step %scan3A_50  : i32 {
        %dma_start3A = arith.constant 0 : i32
        %dma_start3A_53 = tpu.memref_slice %arg8[%scan3A_52, %dma_start3A] : memref<104x128xi32, #tpu.memory_space<vmem>> -> memref<1x128xi32, #tpu.memory_space<vmem>>
        %dma_start3A_54 = tpu.memref_squeeze %dma_start3A_53 : memref<1x128xi32, #tpu.memory_space<vmem>> -> memref<128xi32, #tpu.memory_space<vmem>>
        %dma_start3A_55 = arith.constant 0 : i32
        %dma_start3A_56 = arith.constant 0 : i32
        %dma_start3A_57 = tpu.memref_slice %arg2[%dma_start3A_55, %dma_start3A_56] : memref<10000x128xf32, #tpu.memory_space<hbm>> -> memref<10000x128xf32, #tpu.memory_space<hbm>>
        tpu.enqueue_indirect_dma source(%dma_start3A_57 : memref<10000x128xf32, #tpu.memory_space<hbm>>) target(%arg10 : memref<128x128xf32, #tpu.memory_space<vmem>>) offsets(%dma_start3A_54 : memref<128xi32, #tpu.memory_space<vmem>>) semaphore(%arg12 : memref<!tpu.dma_semaphore, #tpu.memory_space<semaphore_mem>>)
        %dma_wait3A = arith.constant 0 : i32
        %dma_wait3A_58 = tpu.memref_slice %arg8[%scan3A_52, %dma_wait3A] : memref<104x128xi32, #tpu.memory_space<vmem>> -> memref<1x128xi32, #tpu.memory_space<vmem>>
        %dma_wait3A_59 = tpu.memref_squeeze %dma_wait3A_58 : memref<1x128xi32, #tpu.memory_space<vmem>> -> memref<128xi32, #tpu.memory_space<vmem>>
        %dma_wait3A_60 = arith.constant 0 : i32
        %dma_wait3A_61 = arith.constant 0 : i32
        %dma_wait3A_62 = tpu.memref_slice %arg2[%dma_wait3A_60, %dma_wait3A_61] : memref<10000x128xf32, #tpu.memory_space<hbm>> -> memref<10000x128xf32, #tpu.memory_space<hbm>>
        tpu.wait_indirect_dma semaphore(%arg12 : memref<!tpu.dma_semaphore, #tpu.memory_space<semaphore_mem>>) src(%dma_wait3A_62 : memref<10000x128xf32, #tpu.memory_space<hbm>>) dst(%arg10 : memref<128x128xf32, #tpu.memory_space<vmem>>)
        "tpu.region"() ({
          %run_scoped3A = tpu.sem_alloc : memref<!tpu.dma_semaphore, #tpu.memory_space<semaphore_mem>>
          %dma_start3A_63 = arith.constant 0 : i32
          %dma_start3A_64 = tpu.memref_slice %arg9[%scan3A_52, %dma_start3A_63] : memref<104x128xi32, #tpu.memory_space<vmem>> -> memref<1x128xi32, #tpu.memory_space<vmem>>
          %dma_start3A_65 = tpu.memref_squeeze %dma_start3A_64 : memref<1x128xi32, #tpu.memory_space<vmem>> -> memref<128xi32, #tpu.memory_space<vmem>>
          %dma_start3A_66 = arith.constant 0 : i32
          %dma_start3A_67 = arith.constant 0 : i32
          %dma_start3A_68 = tpu.memref_slice %arg11[%dma_start3A_66, %dma_start3A_67] : memref<10112x128xf32, #tpu.memory_space<vmem_shared>> -> memref<10112x128xf32, #tpu.memory_space<vmem_shared>>
          tpu.enqueue_indirect_dma source(%arg10 : memref<128x128xf32, #tpu.memory_space<vmem>>) target(%dma_start3A_68 : memref<10112x128xf32, #tpu.memory_space<vmem_shared>>) offsets(%dma_start3A_65 : memref<128xi32, #tpu.memory_space<vmem>>) semaphore(%run_scoped3A : memref<!tpu.dma_semaphore, #tpu.memory_space<semaphore_mem>>) {add = true}
          %dma_wait3A_69 = arith.constant 0 : i32
          %dma_wait3A_70 = tpu.memref_slice %arg9[%scan3A_52, %dma_wait3A_69] : memref<104x128xi32, #tpu.memory_space<vmem>> -> memref<1x128xi32, #tpu.memory_space<vmem>>
          %dma_wait3A_71 = tpu.memref_squeeze %dma_wait3A_70 : memref<1x128xi32, #tpu.memory_space<vmem>> -> memref<128xi32, #tpu.memory_space<vmem>>
          %dma_wait3A_72 = arith.constant 0 : i32
          %dma_wait3A_73 = arith.constant 0 : i32
          %dma_wait3A_74 = tpu.memref_slice %arg11[%dma_wait3A_72, %dma_wait3A_73] : memref<10112x128xf32, #tpu.memory_space<vmem_shared>> -> memref<10112x128xf32, #tpu.memory_space<vmem_shared>>
          tpu.wait_indirect_dma semaphore(%run_scoped3A : memref<!tpu.dma_semaphore, #tpu.memory_space<semaphore_mem>>) src(%arg10 : memref<128x128xf32, #tpu.memory_space<vmem>>) dst(%dma_wait3A_74 : memref<10112x128xf32, #tpu.memory_space<vmem_shared>>)
          tpu.yield
        }) : () -> ()
      }
      %scan3A_51 = arith.constant 104 : i32
    } else {
    }
    %eq3A_36 = arith.constant 1 : i32
    %eq3A_37 = arith.cmpi eq, %arg0, %eq3A_36 : i32
    %convert_element_type3A_38 = arith.extui %eq3A_37 : i1 to i32
    %cond3A_39 = arith.constant 0 : i32
    %cond3A_40 = arith.cmpi ne, %convert_element_type3A_38, %cond3A_39 : i32
    scf.if %cond3A_40 {
      %scan3A_46 = arith.constant 0 : i32
      %scan3A_47 = arith.constant 0 : i32
      %scan3A_48 = arith.constant 56 : i32
      %scan3A_49 = arith.addi %scan3A_47, %scan3A_48 : i32
      %scan3A_50 = arith.constant 1 : i32
      scf.for %scan3A_52 = %scan3A_47 to %scan3A_49 step %scan3A_50  : i32 {
        %dma_start3A = arith.constant 0 : i32
        %dma_start3A_53 = tpu.memref_slice %arg8[%scan3A_52, %dma_start3A] : memref<104x128xi32, #tpu.memory_space<vmem>> -> memref<1x128xi32, #tpu.memory_space<vmem>>
        %dma_start3A_54 = tpu.memref_squeeze %dma_start3A_53 : memref<1x128xi32, #tpu.memory_space<vmem>> -> memref<128xi32, #tpu.memory_space<vmem>>
        %dma_start3A_55 = arith.constant 0 : i32
        %dma_start3A_56 = arith.constant 0 : i32
        %dma_start3A_57 = tpu.memref_slice %arg2[%dma_start3A_55, %dma_start3A_56] : memref<10000x128xf32, #tpu.memory_space<hbm>> -> memref<10000x128xf32, #tpu.memory_space<hbm>>
        tpu.enqueue_indirect_dma source(%dma_start3A_57 : memref<10000x128xf32, #tpu.memory_space<hbm>>) target(%arg10 : memref<128x128xf32, #tpu.memory_space<vmem>>) offsets(%dma_start3A_54 : memref<128xi32, #tpu.memory_space<vmem>>) semaphore(%arg12 : memref<!tpu.dma_semaphore, #tpu.memory_space<semaphore_mem>>)
        %dma_wait3A = arith.constant 0 : i32
        %dma_wait3A_58 = tpu.memref_slice %arg8[%scan3A_52, %dma_wait3A] : memref<104x128xi32, #tpu.memory_space<vmem>> -> memref<1x128xi32, #tpu.memory_space<vmem>>
        %dma_wait3A_59 = tpu.memref_squeeze %dma_wait3A_58 : memref<1x128xi32, #tpu.memory_space<vmem>> -> memref<128xi32, #tpu.memory_space<vmem>>
        %dma_wait3A_60 = arith.constant 0 : i32
        %dma_wait3A_61 = arith.constant 0 : i32
        %dma_wait3A_62 = tpu.memref_slice %arg2[%dma_wait3A_60, %dma_wait3A_61] : memref<10000x128xf32, #tpu.memory_space<hbm>> -> memref<10000x128xf32, #tpu.memory_space<hbm>>
        tpu.wait_indirect_dma semaphore(%arg12 : memref<!tpu.dma_semaphore, #tpu.memory_space<semaphore_mem>>) src(%dma_wait3A_62 : memref<10000x128xf32, #tpu.memory_space<hbm>>) dst(%arg10 : memref<128x128xf32, #tpu.memory_space<vmem>>)
        "tpu.region"() ({
          %run_scoped3A = tpu.sem_alloc : memref<!tpu.dma_semaphore, #tpu.memory_space<semaphore_mem>>
          %dma_start3A_63 = arith.constant 0 : i32
          %dma_start3A_64 = tpu.memref_slice %arg9[%scan3A_52, %dma_start3A_63] : memref<104x128xi32, #tpu.memory_space<vmem>> -> memref<1x128xi32, #tpu.memory_space<vmem>>
          %dma_start3A_65 = tpu.memref_squeeze %dma_start3A_64 : memref<1x128xi32, #tpu.memory_space<vmem>> -> memref<128xi32, #tpu.memory_space<vmem>>
          %dma_start3A_66 = arith.constant 0 : i32
          %dma_start3A_67 = arith.constant 0 : i32
          %dma_start3A_68 = tpu.memref_slice %arg11[%dma_start3A_66, %dma_start3A_67] : memref<10112x128xf32, #tpu.memory_space<vmem_shared>> -> memref<10112x128xf32, #tpu.memory_space<vmem_shared>>
          tpu.enqueue_indirect_dma source(%arg10 : memref<128x128xf32, #tpu.memory_space<vmem>>) target(%dma_start3A_68 : memref<10112x128xf32, #tpu.memory_space<vmem_shared>>) offsets(%dma_start3A_65 : memref<128xi32, #tpu.memory_space<vmem>>) semaphore(%run_scoped3A : memref<!tpu.dma_semaphore, #tpu.memory_space<semaphore_mem>>) {add = true}
          %dma_wait3A_69 = arith.constant 0 : i32
          %dma_wait3A_70 = tpu.memref_slice %arg9[%scan3A_52, %dma_wait3A_69] : memref<104x128xi32, #tpu.memory_space<vmem>> -> memref<1x128xi32, #tpu.memory_space<vmem>>
          %dma_wait3A_71 = tpu.memref_squeeze %dma_wait3A_70 : memref<1x128xi32, #tpu.memory_space<vmem>> -> memref<128xi32, #tpu.memory_space<vmem>>
          %dma_wait3A_72 = arith.constant 0 : i32
          %dma_wait3A_73 = arith.constant 0 : i32
          %dma_wait3A_74 = tpu.memref_slice %arg11[%dma_wait3A_72, %dma_wait3A_73] : memref<10112x128xf32, #tpu.memory_space<vmem_shared>> -> memref<10112x128xf32, #tpu.memory_space<vmem_shared>>
          tpu.wait_indirect_dma semaphore(%run_scoped3A : memref<!tpu.dma_semaphore, #tpu.memory_space<semaphore_mem>>) src(%arg10 : memref<128x128xf32, #tpu.memory_space<vmem>>) dst(%dma_wait3A_74 : memref<10112x128xf32, #tpu.memory_space<vmem_shared>>)
          tpu.yield
        }) : () -> ()
      }
      %scan3A_51 = arith.constant 56 : i32
    } else {
    }
    %barrier3A_41 = arith.constant 0 : index
    tpu.barrier barrier_id(%barrier3A_41)
    %mul3A_42 = arith.constant 632 : i32
    %mul3A_43 = arith.muli %arg1, %mul3A_42 : i32
    %mul3A_44 = arith.constant 632 : i32
    %mul3A_45 = arith.muli %arg1, %mul3A_44 : i32
    "tpu.region"() ({
      %run_scoped3A = tpu.sem_alloc : memref<!tpu.dma_semaphore, #tpu.memory_space<semaphore_mem>>
      %dma_start3A = arith.constant 0 : i32
      %dma_start3A_46 = tpu.memref_slice %arg7[%arg0, %mul3A_45, %dma_start3A] : memref<2x10112x128xf32, #tpu.memory_space<hbm>> -> memref<1x632x128xf32, #tpu.memory_space<hbm>>
      %dma_start3A_47 = tpu.memref_squeeze %dma_start3A_46 : memref<1x632x128xf32, #tpu.memory_space<hbm>> -> memref<632x128xf32, #tpu.memory_space<hbm>>
      %dma_start3A_48 = arith.constant 0 : i32
      %dma_start3A_49 = tpu.memref_slice %arg11[%mul3A_43, %dma_start3A_48] : memref<10112x128xf32, #tpu.memory_space<vmem_shared>> -> memref<632x128xf32, #tpu.memory_space<vmem_shared>>
      tpu.enqueue_dma source(%dma_start3A_49 : memref<632x128xf32, #tpu.memory_space<vmem_shared>>) target(%dma_start3A_47 : memref<632x128xf32, #tpu.memory_space<hbm>>) target_semaphore(%run_scoped3A : memref<!tpu.dma_semaphore, #tpu.memory_space<semaphore_mem>>)
      %dma_wait3A = arith.constant 0 : i32
      %dma_wait3A_50 = tpu.memref_slice %arg7[%arg0, %mul3A_45, %dma_wait3A] : memref<2x10112x128xf32, #tpu.memory_space<hbm>> -> memref<1x632x128xf32, #tpu.memory_space<hbm>>
      %dma_wait3A_51 = tpu.memref_squeeze %dma_wait3A_50 : memref<1x632x128xf32, #tpu.memory_space<hbm>> -> memref<632x128xf32, #tpu.memory_space<hbm>>
      %dma_wait3A_52 = arith.constant 0 : i32
      %dma_wait3A_53 = tpu.memref_slice %arg11[%mul3A_43, %dma_wait3A_52] : memref<10112x128xf32, #tpu.memory_space<vmem_shared>> -> memref<632x128xf32, #tpu.memory_space<vmem_shared>>
      tpu.wait_dma2 semaphore(%run_scoped3A : memref<!tpu.dma_semaphore, #tpu.memory_space<semaphore_mem>>) src(%dma_wait3A_53 : memref<632x128xf32, #tpu.memory_space<vmem_shared>>) dst(%dma_wait3A_51 : memref<632x128xf32, #tpu.memory_space<hbm>>)
      tpu.yield
    }) : () -> ()
    return
  }
}

module attributes {stable_mosaic.version = 14 : i64} {
  func.func @_mlp_body(%arg0: i32, %arg1: memref<1000x128xf32, #tpu.memory_space<vmem>>, %arg2: memref<2x1000x128xf32, #tpu.memory_space<vmem>>, %arg3: memref<128x128xf32, #tpu.memory_space<vmem>>, %arg4: memref<1x128xf32, #tpu.memory_space<vmem>>, %arg5: memref<128x128xf32, #tpu.memory_space<vmem>>, %arg6: memref<1x128xf32, #tpu.memory_space<vmem>>, %arg7: memref<1000x128xf32, #tpu.memory_space<vmem>>) attributes {dimension_semantics = [#tpu.dimension_semantics<arbitrary>], iteration_bounds = array<i64: 10>, scalar_prefetch = 0 : i64, scratch_operands = 0 : i64, tpu.core_type = #tpu.core_type<tc>, window_params = [{transform_indices = @transform_0, window_bounds = array<i64: 1000, 128>}, {transform_indices = @transform_1, window_bounds = array<i64: 2, 1000, 128>}, {pipeline_mode = #tpu.pipeline_mode<synchronous>, transform_indices = @transform_2, window_bounds = array<i64: 128, 128>}, {pipeline_mode = #tpu.pipeline_mode<synchronous>, transform_indices = @transform_3, window_bounds = array<i64: 1, 128>}, {pipeline_mode = #tpu.pipeline_mode<synchronous>, transform_indices = @transform_4, window_bounds = array<i64: 128, 128>}, {pipeline_mode = #tpu.pipeline_mode<synchronous>, transform_indices = @transform_5, window_bounds = array<i64: 1, 128>}, {transform_indices = @transform_6, window_bounds = array<i64: 1000, 128>}]} {
    %get3A = arith.constant 0 : index
    %get3A_0 = arith.constant 0 : index
    %get3A_1 = vector.load %arg1[%get3A, %get3A_0] : memref<1000x128xf32, #tpu.memory_space<vmem>>, vector<1000x128xf32>
    %get3A_2 = arith.constant 0 : index
    %get3A_3 = arith.constant 0 : index
    %get3A_4 = arith.constant 0 : index
    %get3A_5 = vector.load %arg2[%get3A_2, %get3A_3, %get3A_4] : memref<2x1000x128xf32, #tpu.memory_space<vmem>>, vector<1x1000x128xf32>
    %get3A_6 = vector.shape_cast %get3A_5 : vector<1x1000x128xf32> to vector<1000x128xf32>
    %add3A = arith.addf %get3A_1, %get3A_6 : vector<1000x128xf32>
    %get3A_7 = arith.constant 1 : index
    %get3A_8 = arith.constant 0 : index
    %get3A_9 = arith.constant 0 : index
    %get3A_10 = vector.load %arg2[%get3A_7, %get3A_8, %get3A_9] : memref<2x1000x128xf32, #tpu.memory_space<vmem>>, vector<1x1000x128xf32>
    %get3A_11 = vector.shape_cast %get3A_10 : vector<1x1000x128xf32> to vector<1000x128xf32>
    %add3A_12 = arith.addf %add3A, %get3A_11 : vector<1000x128xf32>
    %get3A_13 = arith.constant 0 : index
    %get3A_14 = arith.constant 0 : index
    %get3A_15 = vector.load %arg3[%get3A_13, %get3A_14] : memref<128x128xf32, #tpu.memory_space<vmem>>, vector<128x128xf32>
    %dot_general3A = arith.constant dense<0.000000e+00> : vector<1000x128xf32>
    %dot_general3A_16 = tpu.matmul %add3A_12, %get3A_15, %dot_general3A {dimension_numbers = #tpu.dot_dimension_numbers<[1], [0], [0], [1], [0, 0, 1, 1], [], []>, transpose_lhs_hint = false} : vector<1000x128xf32>, vector<128x128xf32>, vector<1000x128xf32> -> vector<1000x128xf32>
    %get3A_17 = arith.constant 0 : index
    %get3A_18 = arith.constant 0 : index
    %get3A_19 = vector.load %arg4[%get3A_17, %get3A_18] : memref<1x128xf32, #tpu.memory_space<vmem>>, vector<1x128xf32>
    %add3A_20 = vector.broadcast %get3A_19 : vector<1x128xf32> to vector<1000x128xf32>
    %add3A_21 = arith.addf %dot_general3A_16, %add3A_20 : vector<1000x128xf32>
    %max3A = arith.constant 0.000000e+00 : f32
    %max3A_22 = vector.broadcast %max3A : f32 to vector<1000x128xf32>
    %max3A_23 = arith.maximumf %add3A_21, %max3A_22 : vector<1000x128xf32>
    %get3A_24 = arith.constant 0 : index
    %get3A_25 = arith.constant 0 : index
    %get3A_26 = vector.load %arg5[%get3A_24, %get3A_25] : memref<128x128xf32, #tpu.memory_space<vmem>>, vector<128x128xf32>
    %dot_general3A_27 = arith.constant dense<0.000000e+00> : vector<1000x128xf32>
    %dot_general3A_28 = tpu.matmul %max3A_23, %get3A_26, %dot_general3A_27 {dimension_numbers = #tpu.dot_dimension_numbers<[1], [0], [0], [1], [0, 0, 1, 1], [], []>, transpose_lhs_hint = false} : vector<1000x128xf32>, vector<128x128xf32>, vector<1000x128xf32> -> vector<1000x128xf32>
    %get3A_29 = arith.constant 0 : index
    %get3A_30 = arith.constant 0 : index
    %get3A_31 = vector.load %arg6[%get3A_29, %get3A_30] : memref<1x128xf32, #tpu.memory_space<vmem>>, vector<1x128xf32>
    %add3A_32 = vector.broadcast %get3A_31 : vector<1x128xf32> to vector<1000x128xf32>
    %add3A_33 = arith.addf %dot_general3A_28, %add3A_32 : vector<1000x128xf32>
    %max3A_34 = arith.constant 0.000000e+00 : f32
    %max3A_35 = vector.broadcast %max3A_34 : f32 to vector<1000x128xf32>
    %max3A_36 = arith.maximumf %add3A_33, %max3A_35 : vector<1000x128xf32>
    %swap3A = arith.constant 0 : index
    %swap3A_37 = arith.constant 0 : index
    %swap3A_38 = vector.load %arg7[%swap3A, %swap3A_37] : memref<1000x128xf32, #tpu.memory_space<vmem>>, vector<1000x128xf32>
    tpu.vector_store %arg7[%swap3A, %swap3A_37], %max3A_36 {strides = array<i32>} : memref<1000x128xf32, #tpu.memory_space<vmem>>, vector<1000x128xf32>,
    return
  }
  func.func @transform_0(%arg0: i32) -> (i32, i32) {
    %c0_i32 = arith.constant 0 : i32
    %c0_i32_0 = arith.constant 0 : i32
    return %arg0, %c0_i32 : i32, i32
  }
  func.func @transform_1(%arg0: i32) -> (i32, i32, i32) {
    %c0_i32 = arith.constant 0 : i32
    %c0_i32_0 = arith.constant 0 : i32
    %c0_i32_1 = arith.constant 0 : i32
    return %c0_i32, %arg0, %c0_i32_0 : i32, i32, i32
  }
  func.func @transform_2(%arg0: i32) -> (i32, i32) {
    %c0_i32 = arith.constant 0 : i32
    %c0_i32_0 = arith.constant 0 : i32
    %c0_i32_1 = arith.constant 0 : i32
    return %c0_i32, %c0_i32_0 : i32, i32
  }
  func.func @transform_3(%arg0: i32) -> (i32, i32) {
    %c0_i32 = arith.constant 0 : i32
    %c0_i32_0 = arith.constant 0 : i32
    %c0_i32_1 = arith.constant 0 : i32
    return %c0_i32, %c0_i32_0 : i32, i32
  }
  func.func @transform_4(%arg0: i32) -> (i32, i32) {
    %c0_i32 = arith.constant 0 : i32
    %c0_i32_0 = arith.constant 0 : i32
    %c0_i32_1 = arith.constant 0 : i32
    return %c0_i32, %c0_i32_0 : i32, i32
  }
  func.func @transform_5(%arg0: i32) -> (i32, i32) {
    %c0_i32 = arith.constant 0 : i32
    %c0_i32_0 = arith.constant 0 : i32
    %c0_i32_1 = arith.constant 0 : i32
    return %c0_i32, %c0_i32_0 : i32, i32
  }
  func.func @transform_6(%arg0: i32) -> (i32, i32) {
    %c0_i32 = arith.constant 0 : i32
    %c0_i32_0 = arith.constant 0 : i32
    return %arg0, %c0_i32 : i32, i32
  }
}

module attributes {stable_mosaic.version = 14 : i64} {
  func.func @_mlp_body(%arg0: i32, %arg1: memref<1000x128xf32, #tpu.memory_space<vmem>>, %arg2: memref<2x1000x128xf32, #tpu.memory_space<vmem>>, %arg3: memref<128x128xf32, #tpu.memory_space<vmem>>, %arg4: memref<1x128xf32, #tpu.memory_space<vmem>>, %arg5: memref<128x128xf32, #tpu.memory_space<vmem>>, %arg6: memref<1x128xf32, #tpu.memory_space<vmem>>, %arg7: memref<1000x128xf32, #tpu.memory_space<vmem>>) attributes {dimension_semantics = [#tpu.dimension_semantics<arbitrary>], iteration_bounds = array<i64: 10>, scalar_prefetch = 0 : i64, scratch_operands = 0 : i64, tpu.core_type = #tpu.core_type<tc>, window_params = [{transform_indices = @transform_0, window_bounds = array<i64: 1000, 128>}, {transform_indices = @transform_1, window_bounds = array<i64: 2, 1000, 128>}, {pipeline_mode = #tpu.pipeline_mode<synchronous>, transform_indices = @transform_2, window_bounds = array<i64: 128, 128>}, {pipeline_mode = #tpu.pipeline_mode<synchronous>, transform_indices = @transform_3, window_bounds = array<i64: 1, 128>}, {pipeline_mode = #tpu.pipeline_mode<synchronous>, transform_indices = @transform_4, window_bounds = array<i64: 128, 128>}, {pipeline_mode = #tpu.pipeline_mode<synchronous>, transform_indices = @transform_5, window_bounds = array<i64: 1, 128>}, {transform_indices = @transform_6, window_bounds = array<i64: 1000, 128>}]} {
    %get3A = arith.constant 0 : index
    %get3A_0 = arith.constant 0 : index
    %get3A_1 = vector.load %arg1[%get3A, %get3A_0] : memref<1000x128xf32, #tpu.memory_space<vmem>>, vector<1000x128xf32>
    %get3A_2 = arith.constant 0 : index
    %get3A_3 = arith.constant 0 : index
    %get3A_4 = arith.constant 0 : index
    %get3A_5 = vector.load %arg2[%get3A_2, %get3A_3, %get3A_4] : memref<2x1000x128xf32, #tpu.memory_space<vmem>>, vector<1x1000x128xf32>
    %get3A_6 = vector.shape_cast %get3A_5 : vector<1x1000x128xf32> to vector<1000x128xf32>
    %add3A = arith.addf %get3A_1, %get3A_6 : vector<1000x128xf32>
    %get3A_7 = arith.constant 1 : index
    %get3A_8 = arith.constant 0 : index
    %get3A_9 = arith.constant 0 : index
    %get3A_10 = vector.load %arg2[%get3A_7, %get3A_8, %get3A_9] : memref<2x1000x128xf32, #tpu.memory_space<vmem>>, vector<1x1000x128xf32>
    %get3A_11 = vector.shape_cast %get3A_10 : vector<1x1000x128xf32> to vector<1000x128xf32>
    %add3A_12 = arith.addf %add3A, %get3A_11 : vector<1000x128xf32>
    %get3A_13 = arith.constant 0 : index
    %get3A_14 = arith.constant 0 : index
    %get3A_15 = vector.load %arg3[%get3A_13, %get3A_14] : memref<128x128xf32, #tpu.memory_space<vmem>>, vector<128x128xf32>
    %dot_general3A = arith.constant dense<0.000000e+00> : vector<1000x128xf32>
    %dot_general3A_16 = tpu.matmul %add3A_12, %get3A_15, %dot_general3A {dimension_numbers = #tpu.dot_dimension_numbers<[1], [0], [0], [1], [0, 0, 1, 1], [], []>, transpose_lhs_hint = false} : vector<1000x128xf32>, vector<128x128xf32>, vector<1000x128xf32> -> vector<1000x128xf32>
    %get3A_17 = arith.constant 0 : index
    %get3A_18 = arith.constant 0 : index
    %get3A_19 = vector.load %arg4[%get3A_17, %get3A_18] : memref<1x128xf32, #tpu.memory_space<vmem>>, vector<1x128xf32>
    %add3A_20 = vector.broadcast %get3A_19 : vector<1x128xf32> to vector<1000x128xf32>
    %add3A_21 = arith.addf %dot_general3A_16, %add3A_20 : vector<1000x128xf32>
    %max3A = arith.constant 0.000000e+00 : f32
    %max3A_22 = vector.broadcast %max3A : f32 to vector<1000x128xf32>
    %max3A_23 = arith.maximumf %add3A_21, %max3A_22 : vector<1000x128xf32>
    %get3A_24 = arith.constant 0 : index
    %get3A_25 = arith.constant 0 : index
    %get3A_26 = vector.load %arg5[%get3A_24, %get3A_25] : memref<128x128xf32, #tpu.memory_space<vmem>>, vector<128x128xf32>
    %dot_general3A_27 = arith.constant dense<0.000000e+00> : vector<1000x128xf32>
    %dot_general3A_28 = tpu.matmul %max3A_23, %get3A_26, %dot_general3A_27 {dimension_numbers = #tpu.dot_dimension_numbers<[1], [0], [0], [1], [0, 0, 1, 1], [], []>, transpose_lhs_hint = false} : vector<1000x128xf32>, vector<128x128xf32>, vector<1000x128xf32> -> vector<1000x128xf32>
    %get3A_29 = arith.constant 0 : index
    %get3A_30 = arith.constant 0 : index
    %get3A_31 = vector.load %arg6[%get3A_29, %get3A_30] : memref<1x128xf32, #tpu.memory_space<vmem>>, vector<1x128xf32>
    %add3A_32 = vector.broadcast %get3A_31 : vector<1x128xf32> to vector<1000x128xf32>
    %add3A_33 = arith.addf %dot_general3A_28, %add3A_32 : vector<1000x128xf32>
    %swap3A = arith.constant 0 : index
    %swap3A_34 = arith.constant 0 : index
    %swap3A_35 = vector.load %arg7[%swap3A, %swap3A_34] : memref<1000x128xf32, #tpu.memory_space<vmem>>, vector<1000x128xf32>
    tpu.vector_store %arg7[%swap3A, %swap3A_34], %add3A_33 {strides = array<i32>} : memref<1000x128xf32, #tpu.memory_space<vmem>>, vector<1000x128xf32>,
    return
  }
  func.func @transform_0(%arg0: i32) -> (i32, i32) {
    %c0_i32 = arith.constant 0 : i32
    %c0_i32_0 = arith.constant 0 : i32
    return %arg0, %c0_i32 : i32, i32
  }
  func.func @transform_1(%arg0: i32) -> (i32, i32, i32) {
    %c0_i32 = arith.constant 0 : i32
    %c0_i32_0 = arith.constant 0 : i32
    %c0_i32_1 = arith.constant 0 : i32
    return %c0_i32, %arg0, %c0_i32_0 : i32, i32, i32
  }
  func.func @transform_2(%arg0: i32) -> (i32, i32) {
    %c0_i32 = arith.constant 0 : i32
    %c0_i32_0 = arith.constant 0 : i32
    %c0_i32_1 = arith.constant 0 : i32
    return %c0_i32, %c0_i32_0 : i32, i32
  }
  func.func @transform_3(%arg0: i32) -> (i32, i32) {
    %c0_i32 = arith.constant 0 : i32
    %c0_i32_0 = arith.constant 0 : i32
    %c0_i32_1 = arith.constant 0 : i32
    return %c0_i32, %c0_i32_0 : i32, i32
  }
  func.func @transform_4(%arg0: i32) -> (i32, i32) {
    %c0_i32 = arith.constant 0 : i32
    %c0_i32_0 = arith.constant 0 : i32
    %c0_i32_1 = arith.constant 0 : i32
    return %c0_i32, %c0_i32_0 : i32, i32
  }
  func.func @transform_5(%arg0: i32) -> (i32, i32) {
    %c0_i32 = arith.constant 0 : i32
    %c0_i32_0 = arith.constant 0 : i32
    %c0_i32_1 = arith.constant 0 : i32
    return %c0_i32, %c0_i32_0 : i32, i32
  }
  func.func @transform_6(%arg0: i32) -> (i32, i32) {
    %c0_i32 = arith.constant 0 : i32
    %c0_i32_0 = arith.constant 0 : i32
    return %arg0, %c0_i32 : i32, i32
  }
}

</mosaic_0001>

<sc_bundles>
// kernel: kernel.11.cloned.1.call-start
scs
__scs_entry_jumppad:
0x0: {  	(pc) =	sbr.rel $0x88, $3  }
0x1: {  	(tag) =	ssettag $0x0;
	lr =	simm.s32 $0x1  }
0x2: {  	[smem:$0x3F9B] =	sst lr;
	_ =	strace $0xD0000000  }
0x3: {  	_ = 	snop  }
0x4: {  	_ = 	snop  }
0x5: {  	_ = 	snop  }
0x6: {  	_ = 	snop  }
0x7: {  	_ = 	snop  }
__scs_overlays_trampoline_lowered:
0x8: {  	[smem:$0x3FAA] =	sst s0  }
0x9: {  	[smem:$0x3FAB] =	sst s1  }
0xa: {  	[smem:$0x3FAC] =	sst s2  }
0xb: {  	[smem:$0x3FAD] =	sst s3  }
0xc: {  	[smem:$0x3FAE] =	sst s4  }
0xd: {  	[smem:$0x3FAF] =	sst s5  }
0xe: {  	[smem:$0x3FB0] =	sst s6  }
0xf: {  	[smem:$0x3FB1] =	sst s7  }
0x10: {  	[smem:$0x3FB2] =	sst s8  }
0x11: {  	[smem:$0x3FB3] =	sst s9;
	s0 =	simm.s32 @!p0 $0x0  }
0x12: {  	s1 =	sld [smem:$0x3F99];
	s0 =	simm.s32 @p0 $0x1  }
0x13: {  	[smem:$0x3FB4] =	sst s0;
	s0 =	simm.s32 @!p1 $0x0  }
0x14: {  	s2 =	sld [smem:$0x3F98];
	s0 =	simm.s32 @p1 $0x1  }
0x15: {  	[smem:$0x3FB5] =	sst s0;
	s0 =	simm.s32 @!p2 $0x0  }
0x16: {  	s3 =	sld [smem:$0x3FDB];
	s0 =	simm.s32 @p2 $0x1  }
0x17: {  	s4 =	simm.s32 $0x1BF5;
	[smem:$0x3FB7] =	sst s0  }
0x18: {  	s0 =	sld [smem:$0x3F9A];
	_ =	swait.ge [sflag:s4], $0x0  }
0x19: {  	s7 =	sld [smem:$0x3F9B]  }
0x1a: {  	s8 =	sadd.s32 $0xFFFFE003, lr  }
0x1b: {  	s9 =	sadd.s32 $0xFFFFFEF7, lr;
	s5 =	simm.s32 $0xFFFFFFFF;
	p2 =	slt.u32 s8, $0xFFFFF086  }
0x1c: {  	p1 =	slt.u32 s9, $0xF7A;
	s5 =	simm.s32 @!p2 $0x0  }
0x1d: {  	s5 =	simm.s32 @p1 $0x1;
	p0 =	seq.s32 s7, s2  }
0x1e: {  	s7 =	smul.u32 @!p0 $0xF7A, s2;
	p2 =	seq.s32 @!p0 s5, $0x0  }
0x1f: {  	s9 =	smul.u32 $0xF7A, s1;
	s8 =	simm.s32 @!p0 $0x1BF5;
	p2 =	por !p2, p0  }
0x20: {  	[sflag:s8] =	ssyncset.s32 @!p0 $0xFFFFF086;
	s6 =	sadd.s32 @!p0 s3, s7;
	s7 =	simm.s32 @!p0 $0x108  }
0x21: {  	s3 =	sadd.s32 s3, s9;
	s6 =	sadd.s32 @!p0 $0x88, s6;
	s7 =	simm.s32 @p2 $0x1082  }
0x22: {  	[simem:s7], [sflag:s8] =	dma.local @!p0 [hbm:s6], $0xF7A  }
0x23: {  	s9 =	sor.u32 $0xD0000000, s2;
	s6 =	simm.s32 $0x108;
	_ =	swait.ge @!p0 [sflag:s8], $0x0  }
0x24: {  	s3 =	sadd.s32 $0x88, s3;
	s6 =	simm.s32 @!p1 $0x1082;
	[sflag:s4] =	ssyncset.s32 $0xFFFFF086  }
0x25: {  	[simem:s6], [sflag:s4] =	dma.local [hbm:s3], $0xF7A  }
0x26: {  	[smem:$0x3F9B] =	sst s1;
	(tag) =	ssettag s2;
	_ =	strace s9  }
0x27: {  	s1 =	sld [smem:$0x3FAB]  }
0x28: {  	s2 =	sld [smem:$0x3FAC]  }
0x29: {  	s4 =	sld [smem:$0x3FAE]  }
0x2a: {  	p0 =	seq.s32 s5, $0x0;
	s5 =	sld [smem:$0x3FAF]  }
0x2b: {  	s6 =	sld [smem:$0x3FB0]  }
0x2c: {  	s7 =	sld [smem:$0x3FB1]  }
0x2d: {  	s3 =	simm.s32 $0x108;
	s8 =	sld [smem:$0x3FB2]  }
0x2e: {  	s3 =	simm.s32 @!p0 $0x1082;
	s9 =	sld [smem:$0x3FB3]  }
0x2f: {  	lr =	sadd.s32 s0, s3;
	s0 =	sld [smem:$0x3FAA]  }
0x30: {  	s3 =	sld [smem:$0x3FAD]  }
0x31: {  	[smem:$0x3FB6] =	sst s10  }
0x32: {  	s10 =	sld [smem:$0x3FB4];
	_ =	sdelay $0x3  }
0x33: {  	p0 =	seq.s32 s10, $0x1;
	s10 =	sld [smem:$0x3FB6];
	_ =	sdelay $0x3  }
0x34: {  	[smem:$0x3FB6] =	sst s10  }
0x35: {  	s10 =	sld [smem:$0x3FB5];
	_ =	sdelay $0x3  }
0x36: {  	p1 =	seq.s32 s10, $0x1;
	s10 =	sld [smem:$0x3FB6];
	_ =	sdelay $0x3  }
0x37: {  	[smem:$0x3FB6] =	sst s10  }
0x38: {  	s10 =	sld [smem:$0x3FB7]  }
0x39: {  	_ = 	snop;
	(pc) =	sbr.ind lr, $3  }
0x3a: {  	_ = 	snop  }
0x3b: {  	_ = 	snop  }
0x3c: {  	p2 =	seq.s32 s10, $0x1;
	s10 =	sld [smem:$0x3FB6]  }
0x3d: {  	_ =	shalt  }
0x3e: {  	_ =	shalt  }
0x3f: {  	_ =	shalt  }
0x40: {  	_ =	shalt  }
0x41: {  	_ =	shalt  }
0x42: {  	_ =	shalt  }
0x43: {  	_ =	shalt  }
0x44: {  	_ =	shalt  }
0x45: {  	_ =	shalt  }
0x46: {  	_ =	shalt  }
0x47: {  	_ =	shalt  }
0x48: {  	_ =	shalt  }
0x49: {  	_ =	shalt  }
0x4a: {  	_ =	shalt  }
0x4b: {  	_ =	shalt  }
0x4c: {  	_ =	shalt  }
0x4d: {  	_ =	shalt  }
0x4e: {  	_ =	shalt  }
0x4f: {  	_ =	shalt  }
0x50: {  	_ =	shalt  }
0x51: {  	_ =	shalt  }
0x52: {  	_ =	shalt  }
0x53: {  	_ =	shalt  }
0x54: {  	_ =	shalt  }
0x55: {  	_ =	shalt  }
0x56: {  	_ =	shalt  }
0x57: {  	_ =	shalt  }
0x58: {  	_ =	shalt  }
0x59: {  	_ =	shalt  }
0x5a: {  	_ =	shalt  }
0x5b: {  	_ =	shalt  }
0x5c: {  	_ =	shalt  }
0x5d: {  	_ =	shalt  }
0x5e: {  	_ =	shalt  }
0x5f: {  	_ =	shalt  }
0x60: {  	_ =	shalt  }
0x61: {  	_ =	shalt  }
0x62: {  	_ =	shalt  }
0x63: {  	_ =	shalt  }
0x64: {  	_ =	shalt  }
0x65: {  	_ =	shalt  }
0x66: {  	_ =	shalt  }
0x67: {  	_ =	shalt  }
0x68: {  	_ =	shalt  }
0x69: {  	_ =	shalt  }
0x6a: {  	_ =	shalt  }
0x6b: {  	_ =	shalt  }
0x6c: {  	_ =	shalt  }
0x6d: {  	_ =	shalt  }
0x6e: {  	_ =	shalt  }
0x6f: {  	_ =	shalt  }
0x70: {  	_ =	shalt  }
0x71: {  	_ =	shalt  }
0x72: {  	_ =	shalt  }
0x73: {  	_ =	shalt  }
0x74: {  	_ =	shalt  }
0x75: {  	_ =	shalt  }
0x76: {  	_ =	shalt  }
0x77: {  	_ =	shalt  }
0x78: {  	_ =	shalt  }
0x79: {  	_ =	shalt  }
0x7a: {  	_ =	shalt  }
0x7b: {  	_ =	shalt  }
0x7c: {  	_ =	shalt  }
0x7d: {  	_ =	shalt  }
0x7e: {  	_ =	shalt  }
0x7f: {  	_ =	shalt  }
0x80: {  	_ =	shalt  }
0x81: {  	_ =	shalt  }
0x82: {  	_ =	shalt  }
0x83: {  	_ =	shalt  }
0x84: {  	_ =	shalt  }
0x85: {  	_ =	shalt  }
0x86: {  	_ =	shalt  }
0x87: {  	_ =	shalt  }
.Lfunc_end0:
.L_simem_size_0:
called_computation.1_lowered:
.L_overlay_start_0:
0x88: {  	s2 =	sld [smem:$0x3FD9]  }
0x89: {  	s3 =	sld [smem:$0x3FFE];
	_ =	sdelay $0x1  }
0x8a: {  	s1 =	srdreg.scid  }
0x8b: {  	s0 =	sand.u32 $0x1, s1  }
0x8c: {  	s17 =	sshll.u32 s0, $0xA;
	s2 =	sadd.s32 s3, s2  }
0x8d: {  	s2 =	sadd.s32 s2, s17  }
0x8e: {  	[smem:$0x3FC2] =	sst s2  }
0x8f: {  	_ = 	snop  }
0x90: {  	s2 =	sld [smem:$0x3FD0];
	(tm) =	ssettm $0x1  }
0x91: {  	s18 =	sld [smem:$0x3FFB];
	_ =	sdelay $0x3  }
0x92: {  	_ =	strace s18  }
0x93: {  	s3 =	sld [smem:$0x3FFC];
	_ =	sdelay $0x3  }
0x94: {  	_ =	strace s3  }
0x95: {  	s3 =	sld [smem:$0x3FFD];
	_ =	sdelay $0x3  }
0x96: {  	_ =	strace s3  }
0x97: {  	_ =	strace $0x8FFFFFFF  }
0x98: {  	s19 =	sld [smem:$0x3FDB];
	_ =	sdelay $0x1  }
0x99: {  	s4 =	simm.s32 $_scs_section_size  }
0x9a: {  	s5 =	simm.s32 $_size__tile_overlayer_lowered;
	s6 =	simm.s32 $_tile_overlayer_lowered  }
0x9b: {  	s22 =	simm.s32 $0x1BFF;
	s21 =	sshll.u32 s6, $0x1;
	s3 =	sadd.s32 s4, s19  }
0x9c: {  	s7 =	simm.s32 $0x0;
	s20 =	sshll.u32 s5, $0x1;
	s5 =	sadd.s32 s21, s3  }
0x9d: {  	[timem:s7], [sflag:s22] =	dma.local [hbm:s5], s20  }
0x9e: {  	_ =	swait.ge [sflag:s22], s20  }
0x9f: {  	s4 =	ssub.s32 $0x0, s20;
	[sflag:s22] =	ssyncset.done $0x0  }
0xa0: {  	[sflag:s22] =	ssyncadd.s32 s4;
	_ =	sdelay $0x1  }
0xa1: {  	s23 =	simm.s32 $0x1B8B  }
0xa2: {  	_ =	swait.ge [sflag:s23], $0x1  }
0xa3: {  	[sflag:s23] =	ssyncset.done $0x0  }
0xa4: {  	s25 =	simm.s32 $0x1B8E;
	s24 =	sld [smem:$0x3FFE];
	[sflag:s23] =	ssyncadd.s32 $0xFFFFFFFF  }
0xa5: {  	s26 =	simm.s32 $execute0_lowered;
	[smem:$0x3FD2] =	sst s25  }
0xa6: {  	s5 =	sshll.u32 s26, $0x1;
	_ =	strace $0x80000049;
	[dreg:$0x1] =	wrdreg $0xFFFFFFFF  }
0xa7: {  	s28 =	simm.s32 $_size_execute0_lowered;
	s3 =	sadd.s32 s3, s5;
	[dreg:$0x0] =	wrdreg $0x0  }
0xa8: {  	s5 =	sshll.u32 s28, $0x1;
	[dreg:$0x2] =	wrdreg s3  }
0xa9: {  	[dreg:$0x3] =	wrdreg s5  }
0xaa: {  	[dreg:$0x4] =	wrdreg $0xC0  }
0xab: {  	_ =	task [dreg:s7], $0x5FFFF  }
0xac: {  	[dreg:$0x1] =	wrdreg $0xFFFFFFFF  }
0xad: {  	[dreg:$0x0] =	wrdreg $0x60  }
0xae: {  	[dreg:$0x2] =	wrdreg s2  }
0xaf: {  	[dreg:$0x3] =	wrdreg s24  }
0xb0: {  	[dreg:$0x4] =	wrdreg $0xA8000  }
0xb1: {  	[dreg:$0x5] =	wrdreg $0x9  }
0xb2: {  	_ =	task.clear_ibuf [dreg:s7], $0x6FFFF;
	_ =	strace $0x90000049  }
0xb3: {  	s29 =	simm.s32 $0x9;
	_ =	strace $0x8000004B  }
0xb4: {  	_ =	swait.ge [sflag:s29], $0x1  }
0xb5: {  	[sflag:s29] =	ssyncadd.s32 $0xFFFFFFFF  }
0xb6: {  	_ =	strace $0x9000004B  }
0xb7: {  	_ =	sfence  }
0xb8: {  	s30 =	sld [smem:$0x0];
	_ =	sdelay $0x2  }
0xb9: {  	s31 =	sshll.u32 s1, $0xD;
	s1 =	sshrl.u32 s1, $0x2  }
0xba: {  	s3 =	sand.u32 $0x4000, s31;
	s1 =	sadd.s32 s1, s30  }
0xbb: {  	s0 =	sor.u32 s3, s0;
	s1 =	sshll.u32 s1, $0x11  }
0xbc: {  	s0 =	sor.u32 s1, s0  }
0xbd: {  	s0 =	sadd.s32 $0x8F2B, s0  }
0xbe: {  	[sflag:s0] =	ssyncadd.remote.s32 $0x1  }
0xbf: {  	_ =	sfence.sel $0xFFFF  }
0xc0: {  	[dreg:$0x0] =	wrdreg $0xFFFFFFFF;
	(pc) =	sbr.abs _section_cstart, $3  }
0xc1: {  	[dreg:$0x1] =	wrdreg $0xFFFFFFFF  }
0xc2: {  	_ =	task.clear_ibuf [dreg:s7], $0x2FFFF;
	_ =	strace $0x9FFFFFFF  }
0xc3: {  	(tm) =	ssettm $0x7FFFFFFF  }
tec
execute0_lowered:
.L_overlay_start_1:
0x0: {  	(tag) =	ssettag $0x1  }
0x1: {  	s1 =	rddreg [dreg:$0x0];
	s0 =	stileid.u32  }
0x2: {  	s2 =	srdreg.scid;
	s6 =	rddreg [dreg:$0x1]  }
0x3: {  	s3 =	rddreg [dreg:$0x2];
	s5 =	smul.u32 $0x680, s0  }
0x4: {  	s4 =	simm.s32 $0x0;
	s17 =	simm.s32 $0x2;
	s7 =	smul.u32 $0x380, s0  }
0x5: {  	s18 =	simm.s32 $0x3400;
	s19 =	simm.s32 $0x80;
	s9 =	smul.u32 $0x13C00, s0  }
0x6: {  	s16 =	sand.u32 $0x1, s2;
	s2 =	rddreg [dreg:$0x3];
	s10 =	smul.u32 $0x4F000, s0  }
0x7: {  	s20 =	simm.s32 $0x1;
	[smem:$0x7FF] =	sst s4;
	s8 =	smul.u32 $0x13C000, s16  }
0x8: {  	_ =	strace $0x8000004A;
	s29 =	ssub.s32 $0x2, s16;
	p0 =	sne.s32 s16, $0x0  }
0x9: {  	s16 =	simm.s32 $0x6800;
	s13 =	sadd.s32 s5, s6;
	s11 =	sadd.s32 s7, s6  }
0xa: {  	s30 =	sshrl.u32 s10, $0x2;
	s31 =	sshrl.u32 s29, $0x1;
	s28 =	sadd.s32 s9, s8  }
.Ltmp0:
0xb: {  	s5 =	sadd.s32 s30, s3;
	s15 =	ssub.s32 s29, s31;
	(pc) =	sbr.rel .LBB2_1-.Ltmp0, $4  }
0xc: {  	s10 =	sadd.s32 $0xF800, s11;
	s11 =	sadd.s32 $0x13000, s11;
	s12 =	sadd.s32 $0x9000, s13  }
0xd: {  	s13 =	sadd.s32 $0x2800, s13;
	s9 =	sshrl.u32 s28, $0x3;
	s7 =	sadd.s32 $0x8000, s5  }
0xe: {  	s8 =	sadd.s32 $0xC000, s5;
	s15 =	smax.u32 s15, $0x1;
	s14 =	sadd.s32 s9, s6  }
0xf: {  	v0 =	vimm.f32 $0.0e+00;
	s6 =	sadd.s32 $0x4000, s5;
	s9 =	sadd.s32 $0x10000, s5;
	s14 =	sadd.s32 $0x16800, s14  }
.LBB2_9:
0x10: {  	s21 =	sshra.s32 s21, $0x2;
	[sflag:s17] =	ssyncadd.s32 $0xFFFFC000  }
0x11: {  	[tilespmem:s16], [sflag:$0x1] =	stream.indirect.gather [hbm4b:s1+s19], $0x80, s21, s19, $0xb8;
	[tilespmem:$0x1E400] =	vst v63  }
0x12: {  	_ =	swait.ge [sflag:s20], $0x4000  }
0x13: {  	[sflag:s20] =	ssyncset.done $0x0  }
0x14: {  	s21 =	sadd.s32 $0x3400, s21;
	[sflag:s20] =	ssyncadd.s32 $0xFFFFC000  }
0x15: {  	[spmem:s3] =	stream.indirect.scatter.add.f32 [tilespmem:s16], [sflag:$0x2], $0x80, s21, s19, $0xb8;
	[tilespmem:$0x1E400] =	vst v63  }
0x16: {  	_ =	swait.ge [sflag:s17], $0x4000  }
0x17: {  	[sflag:s17] =	ssyncset.done $0x0  }
0x18: {  	[sflag:s17] =	ssyncadd.s32 $0xFFFFC000  }
.LBB2_10:
0x19: {  	s4 =	sadd.s32 $0x1, s4  }
0x1a: {  	s21 =	sshll.u32 s0, $0x6;
	[bflag:$0x0] =	sbarrier.arrive $0xFFFF;
	p1 =	sne.s32 s4, s15  }
.Ltmp1:
0x1b: {  	s22 =	sshrl.u32 s5, $0x3;
	s21 =	sor.u32 $0x1C02, s21;
	(pc) =	sbr.rel @!p1 .LBB2_11-.Ltmp1, $4  }
0x1c: {  	[hbm:s14], [sflag:s21] =	dma.local [spmem:s22], $0x2780  }
0x1d: {  	_ =	swait.ge [sflag:s17], $0x2780  }
0x1e: {  	[sflag:s17] =	ssyncset.done $0x0  }
0x1f: {  	[sflag:s17] =	ssyncadd.s32 $0xFFFFD880  }
.LBB2_1:
0x20: {  	s21 =	simm.s32 $0x0;
	s22 =	simm.s32 $0x200  }
.LBB2_2:
0x21: {  	p1 =	sne.s32 s22, $0xFE00;
	[tilespmem:s21+$0x6870] =	vst v0  }
0x22: {  	[tilespmem:s21+$0x6800] =	vst v0  }
0x23: {  	[tilespmem:s21+$0x6810] =	vst v0  }
.Ltmp2:
0x24: {  	[tilespmem:s21+$0x6820] =	vst v0;
	(pc) =	sbr.rel @p1 .LBB2_2-.Ltmp2, $4  }
0x25: {  	[tilespmem:s21+$0x6830] =	vst v0  }
0x26: {  	[tilespmem:s21+$0x6840] =	vst v0  }
0x27: {  	[tilespmem:s21+$0x6850] =	vst v0  }
0x28: {  	[tilespmem:s21+$0x6860] =	vst v0;
	s21 =	sshra.s32 s22, $0x2;
	s22 =	sadd.s32 $0x200, s22  }
0x29: {  	[tilespmem:s21+$0x6870] =	vst v0  }
0x2a: {  	[tilespmem:s21+$0x6800] =	vst v0  }
0x2b: {  	[tilespmem:s21+$0x6810] =	vst v0  }
0x2c: {  	[tilespmem:s21+$0x6820] =	vst v0  }
0x2d: {  	[tilespmem:s21+$0x6830] =	vst v0  }
0x2e: {  	[tilespmem:s21+$0x6840] =	vst v0  }
0x2f: {  	[tilespmem:s21+$0x6850] =	vst v0  }
0x30: {  	[tilespmem:s21+$0x6860] =	vst v0  }
0x31: {  	[spmem:s5] =	stream.linear.scatter [tilespmem:s16], [sflag:$0x2], $0x4000, $0x38;
	[tilespmem:$0x1E400] =	vst v63  }
0x32: {  	_ =	swait.ge [sflag:s17], $0x4000  }
0x33: {  	[sflag:s17] =	ssyncset.done $0x0  }
0x34: {  	[sflag:s17] =	ssyncadd.s32 $0xFFFFC000  }
0x35: {  	[spmem:s6] =	stream.linear.scatter [tilespmem:s16], [sflag:$0x2], $0x4000, $0x38;
	[tilespmem:$0x1E400] =	vst v63  }
0x36: {  	_ =	swait.ge [sflag:s17], $0x4000  }
0x37: {  	[sflag:s17] =	ssyncset.done $0x0  }
0x38: {  	[sflag:s17] =	ssyncadd.s32 $0xFFFFC000  }
0x39: {  	[spmem:s7] =	stream.linear.scatter [tilespmem:s16], [sflag:$0x2], $0x4000, $0x38;
	[tilespmem:$0x1E400] =	vst v63  }
0x3a: {  	_ =	swait.ge [sflag:s17], $0x4000  }
0x3b: {  	[sflag:s17] =	ssyncset.done $0x0  }
0x3c: {  	[sflag:s17] =	ssyncadd.s32 $0xFFFFC000  }
0x3d: {  	[spmem:s8] =	stream.linear.scatter [tilespmem:s16], [sflag:$0x2], $0x4000, $0x38;
	[tilespmem:$0x1E400] =	vst v63  }
0x3e: {  	_ =	swait.ge [sflag:s17], $0x4000  }
0x3f: {  	[sflag:s17] =	ssyncset.done $0x0  }
0x40: {  	[sflag:s17] =	ssyncadd.s32 $0xFFFFC000  }
0x41: {  	[spmem:s9] =	stream.linear.scatter [tilespmem:s16], [sflag:$0x2], $0x3C00, $0x38;
	[tilespmem:$0x1E400] =	vst v63  }
.Ltmp3:
0x42: {  	_ =	swait.ge [sflag:s17], $0x3C00;
	(pc) =	sbr.rel @p0 .LBB2_7-.Ltmp3, $4  }
0x43: {  	[sflag:s17] =	ssyncset.done $0x0  }
0x44: {  	[sflag:s17] =	ssyncadd.s32 $0xFFFFC400  }
0x45: {  	[bflag:$0x0] =	sbarrier.arrive $0xFFFF  }
0x46: {  	s21 =	simm.s32 $0x0  }
0x47: {  	[tilespmem:s21], [sflag:$0x2] =	stream.linear.gather [hbm4b:s12+s21], $0x3400, $0x38;
	[tilespmem:$0x1E400] =	vst v63  }
0x48: {  	_ =	swait.ge [sflag:s17], $0x3400  }
0x49: {  	[sflag:s17] =	ssyncset.done $0x0  }
0x4a: {  	[sflag:s17] =	ssyncadd.s32 $0xFFFFCC00  }
0x4b: {  	[tilespmem:s18], [sflag:$0x2] =	stream.linear.gather [hbm4b:s13+s21], $0x3400, $0x38;
	[tilespmem:$0x1E400] =	vst v63  }
0x4c: {  	_ =	swait.ge [sflag:s17], $0x3400  }
0x4d: {  	[sflag:s17] =	ssyncset.done $0x0  }
0x4e: {  	s30 =	simm.s32 $0x0;
	[sflag:s17] =	ssyncadd.s32 $0xFFFFCC00  }
0x4f: {  	[tilespmem:s16], [sflag:$0x1] =	stream.indirect.gather [hbm4b:s1+s19], $0x80, s30, s19, $0xb8;
	[tilespmem:$0x1E400] =	vst v63  }
0x50: {  	_ =	swait.ge [sflag:s20], $0x4000  }
0x51: {  	[sflag:s20] =	ssyncset.done $0x0  }
0x52: {  	s31 =	simm.s32 $0x3400;
	[sflag:s20] =	ssyncadd.s32 $0xFFFFC000  }
0x53: {  	[spmem:s3] =	stream.indirect.scatter.add.f32 [tilespmem:s16], [sflag:$0x2], $0x80, s31, s19, $0xb8;
	[tilespmem:$0x1E400] =	vst v63  }
0x54: {  	_ =	swait.ge [sflag:s17], $0x4000  }
0x55: {  	s22 =	simm.s32 $0x400;
	s21 =	simm.s32 $0x200;
	[sflag:s17] =	ssyncset.done $0x0  }
.LBB2_5:
0x56: {  	s23 =	sshra.s32 s21, $0x2  }
0x57: {  	[sflag:s17] =	ssyncadd.s32 $0xFFFFC000;
	s21 =	smov.u32 s22;
	s24 =	sadd.s32 $0x200, s22  }
0x58: {  	[tilespmem:s16], [sflag:$0x1] =	stream.indirect.gather [hbm4b:s1+s19], $0x80, s23, s19, $0xb8;
	[tilespmem:$0x1E400] =	vst v63  }
0x59: {  	p1 =	seq.s32 s22, $0xCE00;
	_ =	swait.ge [sflag:s20], $0x4000  }
.Ltmp4:
0x5a: {  	[sflag:s20] =	ssyncset.done $0x0;
	(pc) =	sbr.rel @!p1 .LBB2_5-.Ltmp4, $4  }
0x5b: {  	s22 =	sadd.s32 $0x3400, s23;
	[sflag:s20] =	ssyncadd.s32 $0xFFFFC000  }
0x5c: {  	[spmem:s3] =	stream.indirect.scatter.add.f32 [tilespmem:s16], [sflag:$0x2], $0x80, s22, s19, $0xb8;
	[tilespmem:$0x1E400] =	vst v63  }
0x5d: {  	_ =	swait.ge [sflag:s17], $0x4000  }
0x5e: {  	s22 =	smov.u32 s24;
	[sflag:s17] =	ssyncset.done $0x0  }
0x5f: {  	s21 =	sshra.s32 s21, $0x2;
	[sflag:s17] =	ssyncadd.s32 $0xFFFFC000  }
0x60: {  	[tilespmem:s16], [sflag:$0x1] =	stream.indirect.gather [hbm4b:s1+s19], $0x80, s21, s19, $0xb8;
	[tilespmem:$0x1E400] =	vst v63  }
0x61: {  	_ =	swait.ge [sflag:s20], $0x4000  }
0x62: {  	[sflag:s20] =	ssyncset.done $0x0  }
.Ltmp5:
0x63: {  	s21 =	sadd.s32 $0x3400, s21;
	[sflag:s20] =	ssyncadd.s32 $0xFFFFC000;
	(pc) =	sbr.rel .LBB2_10-.Ltmp5, $4  }
0x64: {  	[spmem:s3] =	stream.indirect.scatter.add.f32 [tilespmem:s16], [sflag:$0x2], $0x80, s21, s19, $0xb8;
	[tilespmem:$0x1E400] =	vst v63  }
0x65: {  	_ =	swait.ge [sflag:s17], $0x4000  }
0x66: {  	[sflag:s17] =	ssyncset.done $0x0  }
0x67: {  	[sflag:s17] =	ssyncadd.s32 $0xFFFFC000  }
.LBB2_7:
0x68: {  	[tilespmem:s21], [sflag:$0x2] =	stream.linear.gather [hbm4b:s10+s21], $0x1C00, $0x38;
	[tilespmem:$0x1E400] =	vst v63  }
0x69: {  	_ =	swait.ge [sflag:s17], $0x1C00  }
0x6a: {  	[sflag:s17] =	ssyncset.done $0x0  }
0x6b: {  	[sflag:s17] =	ssyncadd.s32 $0xFFFFE400  }
0x6c: {  	[tilespmem:s18], [sflag:$0x2] =	stream.linear.gather [hbm4b:s11+s21], $0x1C00, $0x38;
	[tilespmem:$0x1E400] =	vst v63  }
0x6d: {  	_ =	swait.ge [sflag:s17], $0x1C00  }
0x6e: {  	[sflag:s17] =	ssyncset.done $0x0  }
0x6f: {  	s30 =	simm.s32 $0x0;
	[sflag:s17] =	ssyncadd.s32 $0xFFFFE400  }
0x70: {  	[tilespmem:s16], [sflag:$0x1] =	stream.indirect.gather [hbm4b:s1+s19], $0x80, s30, s19, $0xb8;
	[tilespmem:$0x1E400] =	vst v63  }
0x71: {  	_ =	swait.ge [sflag:s20], $0x4000  }
0x72: {  	[sflag:s20] =	ssyncset.done $0x0  }
0x73: {  	s31 =	simm.s32 $0x3400;
	[sflag:s20] =	ssyncadd.s32 $0xFFFFC000  }
0x74: {  	[spmem:s3] =	stream.indirect.scatter.add.f32 [tilespmem:s16], [sflag:$0x2], $0x80, s31, s19, $0xb8;
	[tilespmem:$0x1E400] =	vst v63  }
0x75: {  	_ =	swait.ge [sflag:s17], $0x4000  }
0x76: {  	s22 =	simm.s32 $0x400;
	s21 =	simm.s32 $0x200;
	[sflag:s17] =	ssyncset.done $0x0  }
.LBB2_8:
0x77: {  	s23 =	sshra.s32 s21, $0x2  }
0x78: {  	[sflag:s17] =	ssyncadd.s32 $0xFFFFC000;
	s21 =	smov.u32 s22;
	s24 =	sadd.s32 $0x200, s22  }
0x79: {  	[tilespmem:s16], [sflag:$0x1] =	stream.indirect.gather [hbm4b:s1+s19], $0x80, s23, s19, $0xb8;
	[tilespmem:$0x1E400] =	vst v63  }
0x7a: {  	p1 =	sne.s32 s22, $0x6E00;
	_ =	swait.ge [sflag:s20], $0x4000  }
.Ltmp6:
0x7b: {  	[sflag:s20] =	ssyncset.done $0x0;
	(pc) =	sbr.rel @p1 .LBB2_8-.Ltmp6, $4  }
0x7c: {  	s22 =	sadd.s32 $0x3400, s23;
	[sflag:s20] =	ssyncadd.s32 $0xFFFFC000  }
0x7d: {  	[spmem:s3] =	stream.indirect.scatter.add.f32 [tilespmem:s16], [sflag:$0x2], $0x80, s22, s19, $0xb8;
	[tilespmem:$0x1E400] =	vst v63  }
0x7e: {  	_ =	swait.ge [sflag:s17], $0x4000  }
0x7f: {  	s22 =	smov.u32 s24;
	[sflag:s17] =	ssyncset.done $0x0  }
.Ltmp7:
0x80: {  	_ = 	snop;
	(pc) =	sbr.rel .LBB2_9-.Ltmp7, $1  }
0x81: {  	_ =	sdelay $0x3  }
.LBB2_11:
0x82: {  	_ =	sfence.sel $0x180000  }
0x83: {  	[bflag:$0x0] =	sbarrier.arrive $0xFFFF  }
0x84: {  	p0 =	sne.s32 s0, $0x0;
	_ =	strace $0x9000004A  }
0x85: {  	s0 =	sadd.s32 @!p0 $0x100000, s2;
	[bflag:$0x2] =	sbarrier.arrive $0xFFFF  }
0x86: {  	[sflag:s0] =	ssyncadd.tile.s32 @!p0 $0x1;
	_ =	shalt  }
.Lfunc_end2:
_tile_overlayer_lowered:
.L_overlay_start_2:
0x87: {  	(tag) =	ssettag $0x2  }
0x88: {  	s0 =	rddreg [dreg:$0x0];
	s2 =	stileid.u32  }
0x89: {  	s1 =	rddreg [dreg:$0x1];
	p0 =	sne.s32 s2, $0x0  }
0x8a: {  	s3 =	rddreg [dreg:$0x2];
	[bflag:$0x3] =	sbarrier.arrive $0xFFFF;
	s2 =	simm.s32 @!p0 $0x1C02  }
0x8b: {  	[timem:s3], [sflag:s2] =	dma.local @!p0 [hbm:s0], s1  }
0x8c: {  	s0 =	simm.s32 @!p0 $0x2  }
0x8d: {  	_ =	swait.ge @!p0 [sflag:s0], s1  }
0x8e: {  	s1 =	ssub.s32 @!p0 $0x0, s1;
	[sflag:s0] =	ssyncset.done @!p0 $0x0  }
0x8f: {  	[sflag:s0] =	ssyncadd.s32 @!p0 s1  }
0x90: {  	[bflag:$0x3] =	sbarrier.arrive $0xFFFF  }
0x91: {  	_ =	shalt  }

// kernel: kernel.14.cloned.1.call-start
scs
__scs_entry_jumppad:
0x0: {  	(pc) =	sbr.rel $0x88, $3  }
0x1: {  	(tag) =	ssettag $0x0;
	lr =	simm.s32 $0x1  }
0x2: {  	[smem:$0x3F9B] =	sst lr;
	_ =	strace $0xD0000000  }
0x3: {  	_ = 	snop  }
0x4: {  	_ = 	snop  }
0x5: {  	_ = 	snop  }
0x6: {  	_ = 	snop  }
0x7: {  	_ = 	snop  }
__scs_overlays_trampoline_lowered:
0x8: {  	[smem:$0x3FAA] =	sst s0  }
0x9: {  	[smem:$0x3FAB] =	sst s1  }
0xa: {  	[smem:$0x3FAC] =	sst s2  }
0xb: {  	[smem:$0x3FAD] =	sst s3  }
0xc: {  	[smem:$0x3FAE] =	sst s4  }
0xd: {  	[smem:$0x3FAF] =	sst s5  }
0xe: {  	[smem:$0x3FB0] =	sst s6  }
0xf: {  	[smem:$0x3FB1] =	sst s7  }
0x10: {  	[smem:$0x3FB2] =	sst s8  }
0x11: {  	[smem:$0x3FB3] =	sst s9;
	s0 =	simm.s32 @!p0 $0x0  }
0x12: {  	s1 =	sld [smem:$0x3F99];
	s0 =	simm.s32 @p0 $0x1  }
0x13: {  	[smem:$0x3FB4] =	sst s0;
	s0 =	simm.s32 @!p1 $0x0  }
0x14: {  	s2 =	sld [smem:$0x3F98];
	s0 =	simm.s32 @p1 $0x1  }
0x15: {  	[smem:$0x3FB5] =	sst s0;
	s0 =	simm.s32 @!p2 $0x0  }
0x16: {  	s3 =	sld [smem:$0x3FDB];
	s0 =	simm.s32 @p2 $0x1  }
0x17: {  	s4 =	simm.s32 $0x1BF5;
	[smem:$0x3FB7] =	sst s0  }
0x18: {  	s0 =	sld [smem:$0x3F9A];
	_ =	swait.ge [sflag:s4], $0x0  }
0x19: {  	s7 =	sld [smem:$0x3F9B]  }
0x1a: {  	s8 =	sadd.s32 $0xFFFFE003, lr  }
0x1b: {  	s9 =	sadd.s32 $0xFFFFFEF7, lr;
	s5 =	simm.s32 $0xFFFFFFFF;
	p2 =	slt.u32 s8, $0xFFFFF086  }
0x1c: {  	p1 =	slt.u32 s9, $0xF7A;
	s5 =	simm.s32 @!p2 $0x0  }
0x1d: {  	s5 =	simm.s32 @p1 $0x1;
	p0 =	seq.s32 s7, s2  }
0x1e: {  	s7 =	smul.u32 @!p0 $0xF7A, s2;
	p2 =	seq.s32 @!p0 s5, $0x0  }
0x1f: {  	s9 =	smul.u32 $0xF7A, s1;
	s8 =	simm.s32 @!p0 $0x1BF5;
	p2 =	por !p2, p0  }
0x20: {  	[sflag:s8] =	ssyncset.s32 @!p0 $0xFFFFF086;
	s6 =	sadd.s32 @!p0 s3, s7;
	s7 =	simm.s32 @!p0 $0x108  }
0x21: {  	s3 =	sadd.s32 s3, s9;
	s6 =	sadd.s32 @!p0 $0x88, s6;
	s7 =	simm.s32 @p2 $0x1082  }
0x22: {  	[simem:s7], [sflag:s8] =	dma.local @!p0 [hbm:s6], $0xF7A  }
0x23: {  	s9 =	sor.u32 $0xD0000000, s2;
	s6 =	simm.s32 $0x108;
	_ =	swait.ge @!p0 [sflag:s8], $0x0  }
0x24: {  	s3 =	sadd.s32 $0x88, s3;
	s6 =	simm.s32 @!p1 $0x1082;
	[sflag:s4] =	ssyncset.s32 $0xFFFFF086  }
0x25: {  	[simem:s6], [sflag:s4] =	dma.local [hbm:s3], $0xF7A  }
0x26: {  	[smem:$0x3F9B] =	sst s1;
	(tag) =	ssettag s2;
	_ =	strace s9  }
0x27: {  	s1 =	sld [smem:$0x3FAB]  }
0x28: {  	s2 =	sld [smem:$0x3FAC]  }
0x29: {  	s4 =	sld [smem:$0x3FAE]  }
0x2a: {  	p0 =	seq.s32 s5, $0x0;
	s5 =	sld [smem:$0x3FAF]  }
0x2b: {  	s6 =	sld [smem:$0x3FB0]  }
0x2c: {  	s7 =	sld [smem:$0x3FB1]  }
0x2d: {  	s3 =	simm.s32 $0x108;
	s8 =	sld [smem:$0x3FB2]  }
0x2e: {  	s3 =	simm.s32 @!p0 $0x1082;
	s9 =	sld [smem:$0x3FB3]  }
0x2f: {  	lr =	sadd.s32 s0, s3;
	s0 =	sld [smem:$0x3FAA]  }
0x30: {  	s3 =	sld [smem:$0x3FAD]  }
0x31: {  	[smem:$0x3FB6] =	sst s10  }
0x32: {  	s10 =	sld [smem:$0x3FB4];
	_ =	sdelay $0x3  }
0x33: {  	p0 =	seq.s32 s10, $0x1;
	s10 =	sld [smem:$0x3FB6];
	_ =	sdelay $0x3  }
0x34: {  	[smem:$0x3FB6] =	sst s10  }
0x35: {  	s10 =	sld [smem:$0x3FB5];
	_ =	sdelay $0x3  }
0x36: {  	p1 =	seq.s32 s10, $0x1;
	s10 =	sld [smem:$0x3FB6];
	_ =	sdelay $0x3  }
0x37: {  	[smem:$0x3FB6] =	sst s10  }
0x38: {  	s10 =	sld [smem:$0x3FB7]  }
0x39: {  	_ = 	snop;
	(pc) =	sbr.ind lr, $3  }
0x3a: {  	_ = 	snop  }
0x3b: {  	_ = 	snop  }
0x3c: {  	p2 =	seq.s32 s10, $0x1;
	s10 =	sld [smem:$0x3FB6]  }
0x3d: {  	_ =	shalt  }
0x3e: {  	_ =	shalt  }
0x3f: {  	_ =	shalt  }
0x40: {  	_ =	shalt  }
0x41: {  	_ =	shalt  }
0x42: {  	_ =	shalt  }
0x43: {  	_ =	shalt  }
0x44: {  	_ =	shalt  }
0x45: {  	_ =	shalt  }
0x46: {  	_ =	shalt  }
0x47: {  	_ =	shalt  }
0x48: {  	_ =	shalt  }
0x49: {  	_ =	shalt  }
0x4a: {  	_ =	shalt  }
0x4b: {  	_ =	shalt  }
0x4c: {  	_ =	shalt  }
0x4d: {  	_ =	shalt  }
0x4e: {  	_ =	shalt  }
0x4f: {  	_ =	shalt  }
0x50: {  	_ =	shalt  }
0x51: {  	_ =	shalt  }
0x52: {  	_ =	shalt  }
0x53: {  	_ =	shalt  }
0x54: {  	_ =	shalt  }
0x55: {  	_ =	shalt  }
0x56: {  	_ =	shalt  }
0x57: {  	_ =	shalt  }
0x58: {  	_ =	shalt  }
0x59: {  	_ =	shalt  }
0x5a: {  	_ =	shalt  }
0x5b: {  	_ =	shalt  }
0x5c: {  	_ =	shalt  }
0x5d: {  	_ =	shalt  }
0x5e: {  	_ =	shalt  }
0x5f: {  	_ =	shalt  }
0x60: {  	_ =	shalt  }
0x61: {  	_ =	shalt  }
0x62: {  	_ =	shalt  }
0x63: {  	_ =	shalt  }
0x64: {  	_ =	shalt  }
0x65: {  	_ =	shalt  }
0x66: {  	_ =	shalt  }
0x67: {  	_ =	shalt  }
0x68: {  	_ =	shalt  }
0x69: {  	_ =	shalt  }
0x6a: {  	_ =	shalt  }
0x6b: {  	_ =	shalt  }
0x6c: {  	_ =	shalt  }
0x6d: {  	_ =	shalt  }
0x6e: {  	_ =	shalt  }
0x6f: {  	_ =	shalt  }
0x70: {  	_ =	shalt  }
0x71: {  	_ =	shalt  }
0x72: {  	_ =	shalt  }
0x73: {  	_ =	shalt  }
0x74: {  	_ =	shalt  }
0x75: {  	_ =	shalt  }
0x76: {  	_ =	shalt  }
0x77: {  	_ =	shalt  }
0x78: {  	_ =	shalt  }
0x79: {  	_ =	shalt  }
0x7a: {  	_ =	shalt  }
0x7b: {  	_ =	shalt  }
0x7c: {  	_ =	shalt  }
0x7d: {  	_ =	shalt  }
0x7e: {  	_ =	shalt  }
0x7f: {  	_ =	shalt  }
0x80: {  	_ =	shalt  }
0x81: {  	_ =	shalt  }
0x82: {  	_ =	shalt  }
0x83: {  	_ =	shalt  }
0x84: {  	_ =	shalt  }
0x85: {  	_ =	shalt  }
0x86: {  	_ =	shalt  }
0x87: {  	_ =	shalt  }
.Lfunc_end0:
.L_simem_size_0:
called_computation.2_lowered:
.L_overlay_start_0:
0x88: {  	s2 =	sld [smem:$0x3FD9]  }
0x89: {  	s3 =	sld [smem:$0x3FFE];
	_ =	sdelay $0x1  }
0x8a: {  	s1 =	srdreg.scid  }
0x8b: {  	s0 =	sand.u32 $0x1, s1  }
0x8c: {  	s17 =	sshll.u32 s0, $0xA;
	s2 =	sadd.s32 s3, s2  }
0x8d: {  	s2 =	sadd.s32 s2, s17  }
0x8e: {  	[smem:$0x3FC2] =	sst s2  }
0x8f: {  	_ = 	snop  }
0x90: {  	s2 =	sld [smem:$0x3FD0];
	(tm) =	ssettm $0x1  }
0x91: {  	s18 =	sld [smem:$0x3FFB];
	_ =	sdelay $0x3  }
0x92: {  	_ =	strace s18  }
0x93: {  	s3 =	sld [smem:$0x3FFC];
	_ =	sdelay $0x3  }
0x94: {  	_ =	strace s3  }
0x95: {  	s3 =	sld [smem:$0x3FFD];
	_ =	sdelay $0x3  }
0x96: {  	_ =	strace s3  }
0x97: {  	_ =	strace $0x8FFFFFFF  }
0x98: {  	s19 =	sld [smem:$0x3FDB];
	_ =	sdelay $0x1  }
0x99: {  	s4 =	simm.s32 $_scs_section_size  }
0x9a: {  	s5 =	simm.s32 $_size__tile_overlayer_lowered;
	s6 =	simm.s32 $_tile_overlayer_lowered  }
0x9b: {  	s22 =	simm.s32 $0x1BFF;
	s21 =	sshll.u32 s6, $0x1;
	s3 =	sadd.s32 s4, s19  }
0x9c: {  	s7 =	simm.s32 $0x0;
	s20 =	sshll.u32 s5, $0x1;
	s5 =	sadd.s32 s21, s3  }
0x9d: {  	[timem:s7], [sflag:s22] =	dma.local [hbm:s5], s20  }
0x9e: {  	_ =	swait.ge [sflag:s22], s20  }
0x9f: {  	s4 =	ssub.s32 $0x0, s20;
	[sflag:s22] =	ssyncset.done $0x0  }
0xa0: {  	[sflag:s22] =	ssyncadd.s32 s4;
	_ =	sdelay $0x1  }
0xa1: {  	s23 =	simm.s32 $0x1B8B  }
0xa2: {  	_ =	swait.ge [sflag:s23], $0x1  }
0xa3: {  	[sflag:s23] =	ssyncset.done $0x0  }
0xa4: {  	s25 =	simm.s32 $0x1B8E;
	s24 =	sld [smem:$0x3FFE];
	[sflag:s23] =	ssyncadd.s32 $0xFFFFFFFF  }
0xa5: {  	s26 =	simm.s32 $execute0_lowered;
	[smem:$0x3FD2] =	sst s25  }
0xa6: {  	s5 =	sshll.u32 s26, $0x1;
	_ =	strace $0x8000004C;
	[dreg:$0x1] =	wrdreg $0xFFFFFFFF  }
0xa7: {  	s28 =	simm.s32 $_size_execute0_lowered;
	s3 =	sadd.s32 s3, s5;
	[dreg:$0x0] =	wrdreg $0x0  }
0xa8: {  	s5 =	sshll.u32 s28, $0x1;
	[dreg:$0x2] =	wrdreg s3  }
0xa9: {  	[dreg:$0x3] =	wrdreg s5  }
0xaa: {  	[dreg:$0x4] =	wrdreg $0xC0  }
0xab: {  	_ =	task [dreg:s7], $0x5FFFF  }
0xac: {  	[dreg:$0x1] =	wrdreg $0xFFFFFFFF  }
0xad: {  	[dreg:$0x0] =	wrdreg $0x60  }
0xae: {  	[dreg:$0x2] =	wrdreg s2  }
0xaf: {  	[dreg:$0x3] =	wrdreg s24  }
0xb0: {  	[dreg:$0x4] =	wrdreg $0xA8000  }
0xb1: {  	[dreg:$0x5] =	wrdreg $0x9  }
0xb2: {  	_ =	task.clear_ibuf [dreg:s7], $0x6FFFF;
	_ =	strace $0x9000004C  }
0xb3: {  	s29 =	simm.s32 $0x9;
	_ =	strace $0x8000004E  }
0xb4: {  	_ =	swait.ge [sflag:s29], $0x1  }
0xb5: {  	[sflag:s29] =	ssyncadd.s32 $0xFFFFFFFF  }
0xb6: {  	_ =	strace $0x9000004E  }
0xb7: {  	_ =	sfence  }
0xb8: {  	s30 =	sld [smem:$0x0];
	_ =	sdelay $0x2  }
0xb9: {  	s31 =	sshll.u32 s1, $0xD;
	s1 =	sshrl.u32 s1, $0x2  }
0xba: {  	s3 =	sand.u32 $0x4000, s31;
	s1 =	sadd.s32 s1, s30  }
0xbb: {  	s0 =	sor.u32 s3, s0;
	s1 =	sshll.u32 s1, $0x11  }
0xbc: {  	s0 =	sor.u32 s1, s0  }
0xbd: {  	s0 =	sadd.s32 $0x8F2B, s0  }
0xbe: {  	[sflag:s0] =	ssyncadd.remote.s32 $0x1  }
0xbf: {  	_ =	sfence.sel $0xFFFF  }
0xc0: {  	[dreg:$0x0] =	wrdreg $0xFFFFFFFF;
	(pc) =	sbr.abs _section_cstart, $3  }
0xc1: {  	[dreg:$0x1] =	wrdreg $0xFFFFFFFF  }
0xc2: {  	_ =	task.clear_ibuf [dreg:s7], $0x2FFFF;
	_ =	strace $0x9FFFFFFF  }
0xc3: {  	(tm) =	ssettm $0x7FFFFFFF  }
tec
execute0_lowered:
.L_overlay_start_1:
0x0: {  	(tag) =	ssettag $0x1  }
0x1: {  	s1 =	rddreg [dreg:$0x0];
	s0 =	stileid.u32  }
0x2: {  	s2 =	srdreg.scid;
	s6 =	rddreg [dreg:$0x1]  }
0x3: {  	s3 =	rddreg [dreg:$0x2];
	s5 =	smul.u32 $0x680, s0  }
0x4: {  	s4 =	simm.s32 $0x0;
	s17 =	simm.s32 $0x2;
	s7 =	smul.u32 $0x380, s0  }
0x5: {  	s18 =	simm.s32 $0x3400;
	s19 =	simm.s32 $0x80;
	s9 =	smul.u32 $0x13C00, s0  }
0x6: {  	s16 =	sand.u32 $0x1, s2;
	s2 =	rddreg [dreg:$0x3];
	s10 =	smul.u32 $0x4F000, s0  }
0x7: {  	s20 =	simm.s32 $0x1;
	[smem:$0x7FF] =	sst s4;
	s8 =	smul.u32 $0x13C000, s16  }
0x8: {  	_ =	strace $0x8000004D;
	s29 =	ssub.s32 $0x2, s16;
	p0 =	sne.s32 s16, $0x0  }
0x9: {  	s16 =	simm.s32 $0x6800;
	s13 =	sadd.s32 s5, s6;
	s11 =	sadd.s32 s7, s6  }
0xa: {  	s30 =	sshrl.u32 s10, $0x2;
	s31 =	sshrl.u32 s29, $0x1;
	s28 =	sadd.s32 s9, s8  }
.Ltmp0:
0xb: {  	s5 =	sadd.s32 s30, s3;
	s15 =	ssub.s32 s29, s31;
	(pc) =	sbr.rel .LBB2_1-.Ltmp0, $4  }
0xc: {  	s10 =	sadd.s32 $0xF800, s11;
	s11 =	sadd.s32 $0x13000, s11;
	s12 =	sadd.s32 $0x9000, s13  }
0xd: {  	s13 =	sadd.s32 $0x2800, s13;
	s9 =	sshrl.u32 s28, $0x3;
	s7 =	sadd.s32 $0x8000, s5  }
0xe: {  	s8 =	sadd.s32 $0xC000, s5;
	s15 =	smax.u32 s15, $0x1;
	s14 =	sadd.s32 s9, s6  }
0xf: {  	v0 =	vimm.f32 $0.0e+00;
	s6 =	sadd.s32 $0x4000, s5;
	s9 =	sadd.s32 $0x10000, s5;
	s14 =	sadd.s32 $0x16800, s14  }
.LBB2_9:
0x10: {  	s21 =	sshra.s32 s21, $0x2;
	[sflag:s17] =	ssyncadd.s32 $0xFFFFC000  }
0x11: {  	[tilespmem:s16], [sflag:$0x1] =	stream.indirect.gather [hbm4b:s1+s19], $0x80, s21, s19, $0xb8;
	[tilespmem:$0x1E400] =	vst v63  }
0x12: {  	_ =	swait.ge [sflag:s20], $0x4000  }
0x13: {  	[sflag:s20] =	ssyncset.done $0x0  }
0x14: {  	s21 =	sadd.s32 $0x3400, s21;
	[sflag:s20] =	ssyncadd.s32 $0xFFFFC000  }
0x15: {  	[spmem:s3] =	stream.indirect.scatter.add.f32 [tilespmem:s16], [sflag:$0x2], $0x80, s21, s19, $0xb8;
	[tilespmem:$0x1E400] =	vst v63  }
0x16: {  	_ =	swait.ge [sflag:s17], $0x4000  }
0x17: {  	[sflag:s17] =	ssyncset.done $0x0  }
0x18: {  	[sflag:s17] =	ssyncadd.s32 $0xFFFFC000  }
.LBB2_10:
0x19: {  	s4 =	sadd.s32 $0x1, s4  }
0x1a: {  	s21 =	sshll.u32 s0, $0x6;
	[bflag:$0x0] =	sbarrier.arrive $0xFFFF;
	p1 =	sne.s32 s4, s15  }
.Ltmp1:
0x1b: {  	s22 =	sshrl.u32 s5, $0x3;
	s21 =	sor.u32 $0x1C02, s21;
	(pc) =	sbr.rel @!p1 .LBB2_11-.Ltmp1, $4  }
0x1c: {  	[hbm:s14], [sflag:s21] =	dma.local [spmem:s22], $0x2780  }
0x1d: {  	_ =	swait.ge [sflag:s17], $0x2780  }
0x1e: {  	[sflag:s17] =	ssyncset.done $0x0  }
0x1f: {  	[sflag:s17] =	ssyncadd.s32 $0xFFFFD880  }
.LBB2_1:
0x20: {  	s21 =	simm.s32 $0x0;
	s22 =	simm.s32 $0x200  }
.LBB2_2:
0x21: {  	p1 =	sne.s32 s22, $0xFE00;
	[tilespmem:s21+$0x6870] =	vst v0  }
0x22: {  	[tilespmem:s21+$0x6800] =	vst v0  }
0x23: {  	[tilespmem:s21+$0x6810] =	vst v0  }
.Ltmp2:
0x24: {  	[tilespmem:s21+$0x6820] =	vst v0;
	(pc) =	sbr.rel @p1 .LBB2_2-.Ltmp2, $4  }
0x25: {  	[tilespmem:s21+$0x6830] =	vst v0  }
0x26: {  	[tilespmem:s21+$0x6840] =	vst v0  }
0x27: {  	[tilespmem:s21+$0x6850] =	vst v0  }
0x28: {  	[tilespmem:s21+$0x6860] =	vst v0;
	s21 =	sshra.s32 s22, $0x2;
	s22 =	sadd.s32 $0x200, s22  }
0x29: {  	[tilespmem:s21+$0x6870] =	vst v0  }
0x2a: {  	[tilespmem:s21+$0x6800] =	vst v0  }
0x2b: {  	[tilespmem:s21+$0x6810] =	vst v0  }
0x2c: {  	[tilespmem:s21+$0x6820] =	vst v0  }
0x2d: {  	[tilespmem:s21+$0x6830] =	vst v0  }
0x2e: {  	[tilespmem:s21+$0x6840] =	vst v0  }
0x2f: {  	[tilespmem:s21+$0x6850] =	vst v0  }
0x30: {  	[tilespmem:s21+$0x6860] =	vst v0  }
0x31: {  	[spmem:s5] =	stream.linear.scatter [tilespmem:s16], [sflag:$0x2], $0x4000, $0x38;
	[tilespmem:$0x1E400] =	vst v63  }
0x32: {  	_ =	swait.ge [sflag:s17], $0x4000  }
0x33: {  	[sflag:s17] =	ssyncset.done $0x0  }
0x34: {  	[sflag:s17] =	ssyncadd.s32 $0xFFFFC000  }
0x35: {  	[spmem:s6] =	stream.linear.scatter [tilespmem:s16], [sflag:$0x2], $0x4000, $0x38;
	[tilespmem:$0x1E400] =	vst v63  }
0x36: {  	_ =	swait.ge [sflag:s17], $0x4000  }
0x37: {  	[sflag:s17] =	ssyncset.done $0x0  }
0x38: {  	[sflag:s17] =	ssyncadd.s32 $0xFFFFC000  }
0x39: {  	[spmem:s7] =	stream.linear.scatter [tilespmem:s16], [sflag:$0x2], $0x4000, $0x38;
	[tilespmem:$0x1E400] =	vst v63  }
0x3a: {  	_ =	swait.ge [sflag:s17], $0x4000  }
0x3b: {  	[sflag:s17] =	ssyncset.done $0x0  }
0x3c: {  	[sflag:s17] =	ssyncadd.s32 $0xFFFFC000  }
0x3d: {  	[spmem:s8] =	stream.linear.scatter [tilespmem:s16], [sflag:$0x2], $0x4000, $0x38;
	[tilespmem:$0x1E400] =	vst v63  }
0x3e: {  	_ =	swait.ge [sflag:s17], $0x4000  }
0x3f: {  	[sflag:s17] =	ssyncset.done $0x0  }
0x40: {  	[sflag:s17] =	ssyncadd.s32 $0xFFFFC000  }
0x41: {  	[spmem:s9] =	stream.linear.scatter [tilespmem:s16], [sflag:$0x2], $0x3C00, $0x38;
	[tilespmem:$0x1E400] =	vst v63  }
.Ltmp3:
0x42: {  	_ =	swait.ge [sflag:s17], $0x3C00;
	(pc) =	sbr.rel @p0 .LBB2_7-.Ltmp3, $4  }
0x43: {  	[sflag:s17] =	ssyncset.done $0x0  }
0x44: {  	[sflag:s17] =	ssyncadd.s32 $0xFFFFC400  }
0x45: {  	[bflag:$0x0] =	sbarrier.arrive $0xFFFF  }
0x46: {  	s21 =	simm.s32 $0x0  }
0x47: {  	[tilespmem:s21], [sflag:$0x2] =	stream.linear.gather [hbm4b:s12+s21], $0x3400, $0x38;
	[tilespmem:$0x1E400] =	vst v63  }
0x48: {  	_ =	swait.ge [sflag:s17], $0x3400  }
0x49: {  	[sflag:s17] =	ssyncset.done $0x0  }
0x4a: {  	[sflag:s17] =	ssyncadd.s32 $0xFFFFCC00  }
0x4b: {  	[tilespmem:s18], [sflag:$0x2] =	stream.linear.gather [hbm4b:s13+s21], $0x3400, $0x38;
	[tilespmem:$0x1E400] =	vst v63  }
0x4c: {  	_ =	swait.ge [sflag:s17], $0x3400  }
0x4d: {  	[sflag:s17] =	ssyncset.done $0x0  }
0x4e: {  	s30 =	simm.s32 $0x0;
	[sflag:s17] =	ssyncadd.s32 $0xFFFFCC00  }
0x4f: {  	[tilespmem:s16], [sflag:$0x1] =	stream.indirect.gather [hbm4b:s1+s19], $0x80, s30, s19, $0xb8;
	[tilespmem:$0x1E400] =	vst v63  }
0x50: {  	_ =	swait.ge [sflag:s20], $0x4000  }
0x51: {  	[sflag:s20] =	ssyncset.done $0x0  }
0x52: {  	s31 =	simm.s32 $0x3400;
	[sflag:s20] =	ssyncadd.s32 $0xFFFFC000  }
0x53: {  	[spmem:s3] =	stream.indirect.scatter.add.f32 [tilespmem:s16], [sflag:$0x2], $0x80, s31, s19, $0xb8;
	[tilespmem:$0x1E400] =	vst v63  }
0x54: {  	_ =	swait.ge [sflag:s17], $0x4000  }
0x55: {  	s22 =	simm.s32 $0x400;
	s21 =	simm.s32 $0x200;
	[sflag:s17] =	ssyncset.done $0x0  }
.LBB2_5:
0x56: {  	s23 =	sshra.s32 s21, $0x2  }
0x57: {  	[sflag:s17] =	ssyncadd.s32 $0xFFFFC000;
	s21 =	smov.u32 s22;
	s24 =	sadd.s32 $0x200, s22  }
0x58: {  	[tilespmem:s16], [sflag:$0x1] =	stream.indirect.gather [hbm4b:s1+s19], $0x80, s23, s19, $0xb8;
	[tilespmem:$0x1E400] =	vst v63  }
0x59: {  	p1 =	seq.s32 s22, $0xCE00;
	_ =	swait.ge [sflag:s20], $0x4000  }
.Ltmp4:
0x5a: {  	[sflag:s20] =	ssyncset.done $0x0;
	(pc) =	sbr.rel @!p1 .LBB2_5-.Ltmp4, $4  }
0x5b: {  	s22 =	sadd.s32 $0x3400, s23;
	[sflag:s20] =	ssyncadd.s32 $0xFFFFC000  }
0x5c: {  	[spmem:s3] =	stream.indirect.scatter.add.f32 [tilespmem:s16], [sflag:$0x2], $0x80, s22, s19, $0xb8;
	[tilespmem:$0x1E400] =	vst v63  }
0x5d: {  	_ =	swait.ge [sflag:s17], $0x4000  }
0x5e: {  	s22 =	smov.u32 s24;
	[sflag:s17] =	ssyncset.done $0x0  }
0x5f: {  	s21 =	sshra.s32 s21, $0x2;
	[sflag:s17] =	ssyncadd.s32 $0xFFFFC000  }
0x60: {  	[tilespmem:s16], [sflag:$0x1] =	stream.indirect.gather [hbm4b:s1+s19], $0x80, s21, s19, $0xb8;
	[tilespmem:$0x1E400] =	vst v63  }
0x61: {  	_ =	swait.ge [sflag:s20], $0x4000  }
0x62: {  	[sflag:s20] =	ssyncset.done $0x0  }
.Ltmp5:
0x63: {  	s21 =	sadd.s32 $0x3400, s21;
	[sflag:s20] =	ssyncadd.s32 $0xFFFFC000;
	(pc) =	sbr.rel .LBB2_10-.Ltmp5, $4  }
0x64: {  	[spmem:s3] =	stream.indirect.scatter.add.f32 [tilespmem:s16], [sflag:$0x2], $0x80, s21, s19, $0xb8;
	[tilespmem:$0x1E400] =	vst v63  }
0x65: {  	_ =	swait.ge [sflag:s17], $0x4000  }
0x66: {  	[sflag:s17] =	ssyncset.done $0x0  }
0x67: {  	[sflag:s17] =	ssyncadd.s32 $0xFFFFC000  }
.LBB2_7:
0x68: {  	[tilespmem:s21], [sflag:$0x2] =	stream.linear.gather [hbm4b:s10+s21], $0x1C00, $0x38;
	[tilespmem:$0x1E400] =	vst v63  }
0x69: {  	_ =	swait.ge [sflag:s17], $0x1C00  }
0x6a: {  	[sflag:s17] =	ssyncset.done $0x0  }
0x6b: {  	[sflag:s17] =	ssyncadd.s32 $0xFFFFE400  }
0x6c: {  	[tilespmem:s18], [sflag:$0x2] =	stream.linear.gather [hbm4b:s11+s21], $0x1C00, $0x38;
	[tilespmem:$0x1E400] =	vst v63  }
0x6d: {  	_ =	swait.ge [sflag:s17], $0x1C00  }
0x6e: {  	[sflag:s17] =	ssyncset.done $0x0  }
0x6f: {  	s30 =	simm.s32 $0x0;
	[sflag:s17] =	ssyncadd.s32 $0xFFFFE400  }
0x70: {  	[tilespmem:s16], [sflag:$0x1] =	stream.indirect.gather [hbm4b:s1+s19], $0x80, s30, s19, $0xb8;
	[tilespmem:$0x1E400] =	vst v63  }
0x71: {  	_ =	swait.ge [sflag:s20], $0x4000  }
0x72: {  	[sflag:s20] =	ssyncset.done $0x0  }
0x73: {  	s31 =	simm.s32 $0x3400;
	[sflag:s20] =	ssyncadd.s32 $0xFFFFC000  }
0x74: {  	[spmem:s3] =	stream.indirect.scatter.add.f32 [tilespmem:s16], [sflag:$0x2], $0x80, s31, s19, $0xb8;
	[tilespmem:$0x1E400] =	vst v63  }
0x75: {  	_ =	swait.ge [sflag:s17], $0x4000  }
0x76: {  	s22 =	simm.s32 $0x400;
	s21 =	simm.s32 $0x200;
	[sflag:s17] =	ssyncset.done $0x0  }
.LBB2_8:
0x77: {  	s23 =	sshra.s32 s21, $0x2  }
0x78: {  	[sflag:s17] =	ssyncadd.s32 $0xFFFFC000;
	s21 =	smov.u32 s22;
	s24 =	sadd.s32 $0x200, s22  }
0x79: {  	[tilespmem:s16], [sflag:$0x1] =	stream.indirect.gather [hbm4b:s1+s19], $0x80, s23, s19, $0xb8;
	[tilespmem:$0x1E400] =	vst v63  }
0x7a: {  	p1 =	sne.s32 s22, $0x6E00;
	_ =	swait.ge [sflag:s20], $0x4000  }
.Ltmp6:
0x7b: {  	[sflag:s20] =	ssyncset.done $0x0;
	(pc) =	sbr.rel @p1 .LBB2_8-.Ltmp6, $4  }
0x7c: {  	s22 =	sadd.s32 $0x3400, s23;
	[sflag:s20] =	ssyncadd.s32 $0xFFFFC000  }
0x7d: {  	[spmem:s3] =	stream.indirect.scatter.add.f32 [tilespmem:s16], [sflag:$0x2], $0x80, s22, s19, $0xb8;
	[tilespmem:$0x1E400] =	vst v63  }
0x7e: {  	_ =	swait.ge [sflag:s17], $0x4000  }
0x7f: {  	s22 =	smov.u32 s24;
	[sflag:s17] =	ssyncset.done $0x0  }
.Ltmp7:
0x80: {  	_ = 	snop;
	(pc) =	sbr.rel .LBB2_9-.Ltmp7, $1  }
0x81: {  	_ =	sdelay $0x3  }
.LBB2_11:
0x82: {  	_ =	sfence.sel $0x180000  }
0x83: {  	[bflag:$0x0] =	sbarrier.arrive $0xFFFF  }
0x84: {  	p0 =	sne.s32 s0, $0x0;
	_ =	strace $0x9000004D  }
0x85: {  	s0 =	sadd.s32 @!p0 $0x100000, s2;
	[bflag:$0x2] =	sbarrier.arrive $0xFFFF  }
0x86: {  	[sflag:s0] =	ssyncadd.tile.s32 @!p0 $0x1;
	_ =	shalt  }
.Lfunc_end2:
_tile_overlayer_lowered:
.L_overlay_start_2:
0x87: {  	(tag) =	ssettag $0x2  }
0x88: {  	s0 =	rddreg [dreg:$0x0];
	s2 =	stileid.u32  }
0x89: {  	s1 =	rddreg [dreg:$0x1];
	p0 =	sne.s32 s2, $0x0  }
0x8a: {  	s3 =	rddreg [dreg:$0x2];
	[bflag:$0x3] =	sbarrier.arrive $0xFFFF;
	s2 =	simm.s32 @!p0 $0x1C02  }
0x8b: {  	[timem:s3], [sflag:s2] =	dma.local @!p0 [hbm:s0], s1  }
0x8c: {  	s0 =	simm.s32 @!p0 $0x2  }
0x8d: {  	_ =	swait.ge @!p0 [sflag:s0], s1  }
0x8e: {  	s1 =	ssub.s32 @!p0 $0x0, s1;
	[sflag:s0] =	ssyncset.done @!p0 $0x0  }
0x8f: {  	[sflag:s0] =	ssyncadd.s32 @!p0 s1  }
0x90: {  	[bflag:$0x3] =	sbarrier.arrive $0xFFFF  }
0x91: {  	_ =	shalt  }

// kernel: kernel.8.cloned.1.call-start
scs
__scs_entry_jumppad:
0x0: {  	(pc) =	sbr.rel $0x88, $3  }
0x1: {  	(tag) =	ssettag $0x0;
	lr =	simm.s32 $0x1  }
0x2: {  	[smem:$0x3F9B] =	sst lr;
	_ =	strace $0xD0000000  }
0x3: {  	_ = 	snop  }
0x4: {  	_ = 	snop  }
0x5: {  	_ = 	snop  }
0x6: {  	_ = 	snop  }
0x7: {  	_ = 	snop  }
__scs_overlays_trampoline_lowered:
0x8: {  	[smem:$0x3FAA] =	sst s0  }
0x9: {  	[smem:$0x3FAB] =	sst s1  }
0xa: {  	[smem:$0x3FAC] =	sst s2  }
0xb: {  	[smem:$0x3FAD] =	sst s3  }
0xc: {  	[smem:$0x3FAE] =	sst s4  }
0xd: {  	[smem:$0x3FAF] =	sst s5  }
0xe: {  	[smem:$0x3FB0] =	sst s6  }
0xf: {  	[smem:$0x3FB1] =	sst s7  }
0x10: {  	[smem:$0x3FB2] =	sst s8  }
0x11: {  	[smem:$0x3FB3] =	sst s9;
	s0 =	simm.s32 @!p0 $0x0  }
0x12: {  	s1 =	sld [smem:$0x3F99];
	s0 =	simm.s32 @p0 $0x1  }
0x13: {  	[smem:$0x3FB4] =	sst s0;
	s0 =	simm.s32 @!p1 $0x0  }
0x14: {  	s2 =	sld [smem:$0x3F98];
	s0 =	simm.s32 @p1 $0x1  }
0x15: {  	[smem:$0x3FB5] =	sst s0;
	s0 =	simm.s32 @!p2 $0x0  }
0x16: {  	s3 =	sld [smem:$0x3FDB];
	s0 =	simm.s32 @p2 $0x1  }
0x17: {  	s4 =	simm.s32 $0x1BF5;
	[smem:$0x3FB7] =	sst s0  }
0x18: {  	s0 =	sld [smem:$0x3F9A];
	_ =	swait.ge [sflag:s4], $0x0  }
0x19: {  	s7 =	sld [smem:$0x3F9B]  }
0x1a: {  	s8 =	sadd.s32 $0xFFFFE003, lr  }
0x1b: {  	s9 =	sadd.s32 $0xFFFFFEF7, lr;
	s5 =	simm.s32 $0xFFFFFFFF;
	p2 =	slt.u32 s8, $0xFFFFF086  }
0x1c: {  	p1 =	slt.u32 s9, $0xF7A;
	s5 =	simm.s32 @!p2 $0x0  }
0x1d: {  	s5 =	simm.s32 @p1 $0x1;
	p0 =	seq.s32 s7, s2  }
0x1e: {  	s7 =	smul.u32 @!p0 $0xF7A, s2;
	p2 =	seq.s32 @!p0 s5, $0x0  }
0x1f: {  	s9 =	smul.u32 $0xF7A, s1;
	s8 =	simm.s32 @!p0 $0x1BF5;
	p2 =	por !p2, p0  }
0x20: {  	[sflag:s8] =	ssyncset.s32 @!p0 $0xFFFFF086;
	s6 =	sadd.s32 @!p0 s3, s7;
	s7 =	simm.s32 @!p0 $0x108  }
0x21: {  	s3 =	sadd.s32 s3, s9;
	s6 =	sadd.s32 @!p0 $0x88, s6;
	s7 =	simm.s32 @p2 $0x1082  }
0x22: {  	[simem:s7], [sflag:s8] =	dma.local @!p0 [hbm:s6], $0xF7A  }
0x23: {  	s9 =	sor.u32 $0xD0000000, s2;
	s6 =	simm.s32 $0x108;
	_ =	swait.ge @!p0 [sflag:s8], $0x0  }
0x24: {  	s3 =	sadd.s32 $0x88, s3;
	s6 =	simm.s32 @!p1 $0x1082;
	[sflag:s4] =	ssyncset.s32 $0xFFFFF086  }
0x25: {  	[simem:s6], [sflag:s4] =	dma.local [hbm:s3], $0xF7A  }
0x26: {  	[smem:$0x3F9B] =	sst s1;
	(tag) =	ssettag s2;
	_ =	strace s9  }
0x27: {  	s1 =	sld [smem:$0x3FAB]  }
0x28: {  	s2 =	sld [smem:$0x3FAC]  }
0x29: {  	s4 =	sld [smem:$0x3FAE]  }
0x2a: {  	p0 =	seq.s32 s5, $0x0;
	s5 =	sld [smem:$0x3FAF]  }
0x2b: {  	s6 =	sld [smem:$0x3FB0]  }
0x2c: {  	s7 =	sld [smem:$0x3FB1]  }
0x2d: {  	s3 =	simm.s32 $0x108;
	s8 =	sld [smem:$0x3FB2]  }
0x2e: {  	s3 =	simm.s32 @!p0 $0x1082;
	s9 =	sld [smem:$0x3FB3]  }
0x2f: {  	lr =	sadd.s32 s0, s3;
	s0 =	sld [smem:$0x3FAA]  }
0x30: {  	s3 =	sld [smem:$0x3FAD]  }
0x31: {  	[smem:$0x3FB6] =	sst s10  }
0x32: {  	s10 =	sld [smem:$0x3FB4];
	_ =	sdelay $0x3  }
0x33: {  	p0 =	seq.s32 s10, $0x1;
	s10 =	sld [smem:$0x3FB6];
	_ =	sdelay $0x3  }
0x34: {  	[smem:$0x3FB6] =	sst s10  }
0x35: {  	s10 =	sld [smem:$0x3FB5];
	_ =	sdelay $0x3  }
0x36: {  	p1 =	seq.s32 s10, $0x1;
	s10 =	sld [smem:$0x3FB6];
	_ =	sdelay $0x3  }
0x37: {  	[smem:$0x3FB6] =	sst s10  }
0x38: {  	s10 =	sld [smem:$0x3FB7]  }
0x39: {  	_ = 	snop;
	(pc) =	sbr.ind lr, $3  }
0x3a: {  	_ = 	snop  }
0x3b: {  	_ = 	snop  }
0x3c: {  	p2 =	seq.s32 s10, $0x1;
	s10 =	sld [smem:$0x3FB6]  }
0x3d: {  	_ =	shalt  }
0x3e: {  	_ =	shalt  }
0x3f: {  	_ =	shalt  }
0x40: {  	_ =	shalt  }
0x41: {  	_ =	shalt  }
0x42: {  	_ =	shalt  }
0x43: {  	_ =	shalt  }
0x44: {  	_ =	shalt  }
0x45: {  	_ =	shalt  }
0x46: {  	_ =	shalt  }
0x47: {  	_ =	shalt  }
0x48: {  	_ =	shalt  }
0x49: {  	_ =	shalt  }
0x4a: {  	_ =	shalt  }
0x4b: {  	_ =	shalt  }
0x4c: {  	_ =	shalt  }
0x4d: {  	_ =	shalt  }
0x4e: {  	_ =	shalt  }
0x4f: {  	_ =	shalt  }
0x50: {  	_ =	shalt  }
0x51: {  	_ =	shalt  }
0x52: {  	_ =	shalt  }
0x53: {  	_ =	shalt  }
0x54: {  	_ =	shalt  }
0x55: {  	_ =	shalt  }
0x56: {  	_ =	shalt  }
0x57: {  	_ =	shalt  }
0x58: {  	_ =	shalt  }
0x59: {  	_ =	shalt  }
0x5a: {  	_ =	shalt  }
0x5b: {  	_ =	shalt  }
0x5c: {  	_ =	shalt  }
0x5d: {  	_ =	shalt  }
0x5e: {  	_ =	shalt  }
0x5f: {  	_ =	shalt  }
0x60: {  	_ =	shalt  }
0x61: {  	_ =	shalt  }
0x62: {  	_ =	shalt  }
0x63: {  	_ =	shalt  }
0x64: {  	_ =	shalt  }
0x65: {  	_ =	shalt  }
0x66: {  	_ =	shalt  }
0x67: {  	_ =	shalt  }
0x68: {  	_ =	shalt  }
0x69: {  	_ =	shalt  }
0x6a: {  	_ =	shalt  }
0x6b: {  	_ =	shalt  }
0x6c: {  	_ =	shalt  }
0x6d: {  	_ =	shalt  }
0x6e: {  	_ =	shalt  }
0x6f: {  	_ =	shalt  }
0x70: {  	_ =	shalt  }
0x71: {  	_ =	shalt  }
0x72: {  	_ =	shalt  }
0x73: {  	_ =	shalt  }
0x74: {  	_ =	shalt  }
0x75: {  	_ =	shalt  }
0x76: {  	_ =	shalt  }
0x77: {  	_ =	shalt  }
0x78: {  	_ =	shalt  }
0x79: {  	_ =	shalt  }
0x7a: {  	_ =	shalt  }
0x7b: {  	_ =	shalt  }
0x7c: {  	_ =	shalt  }
0x7d: {  	_ =	shalt  }
0x7e: {  	_ =	shalt  }
0x7f: {  	_ =	shalt  }
0x80: {  	_ =	shalt  }
0x81: {  	_ =	shalt  }
0x82: {  	_ =	shalt  }
0x83: {  	_ =	shalt  }
0x84: {  	_ =	shalt  }
0x85: {  	_ =	shalt  }
0x86: {  	_ =	shalt  }
0x87: {  	_ =	shalt  }
.Lfunc_end0:
.L_simem_size_0:
called_computation_lowered:
.L_overlay_start_0:
0x88: {  	s2 =	sld [smem:$0x3FD9]  }
0x89: {  	s3 =	sld [smem:$0x3FFE];
	_ =	sdelay $0x1  }
0x8a: {  	s1 =	srdreg.scid  }
0x8b: {  	s0 =	sand.u32 $0x1, s1  }
0x8c: {  	s17 =	sshll.u32 s0, $0xA;
	s2 =	sadd.s32 s3, s2  }
0x8d: {  	s2 =	sadd.s32 s2, s17  }
0x8e: {  	[smem:$0x3FC2] =	sst s2  }
0x8f: {  	_ = 	snop  }
0x90: {  	s2 =	sld [smem:$0x3FC9];
	(tm) =	ssettm $0x1  }
0x91: {  	s18 =	sld [smem:$0x3FFB];
	_ =	sdelay $0x3  }
0x92: {  	_ =	strace s18  }
0x93: {  	s3 =	sld [smem:$0x3FFC];
	_ =	sdelay $0x3  }
0x94: {  	_ =	strace s3  }
0x95: {  	s3 =	sld [smem:$0x3FFD];
	_ =	sdelay $0x3  }
0x96: {  	_ =	strace s3  }
0x97: {  	_ =	strace $0x8FFFFFFF  }
0x98: {  	s19 =	sld [smem:$0x3FDB];
	_ =	sdelay $0x1  }
0x99: {  	s4 =	simm.s32 $_scs_section_size  }
0x9a: {  	s5 =	simm.s32 $_size__tile_overlayer_lowered;
	s6 =	simm.s32 $_tile_overlayer_lowered  }
0x9b: {  	s22 =	simm.s32 $0x1BFF;
	s21 =	sshll.u32 s6, $0x1;
	s3 =	sadd.s32 s4, s19  }
0x9c: {  	s7 =	simm.s32 $0x0;
	s20 =	sshll.u32 s5, $0x1;
	s5 =	sadd.s32 s21, s3  }
0x9d: {  	[timem:s7], [sflag:s22] =	dma.local [hbm:s5], s20  }
0x9e: {  	_ =	swait.ge [sflag:s22], s20  }
0x9f: {  	s4 =	ssub.s32 $0x0, s20;
	[sflag:s22] =	ssyncset.done $0x0  }
0xa0: {  	[sflag:s22] =	ssyncadd.s32 s4;
	_ =	sdelay $0x1  }
0xa1: {  	s23 =	simm.s32 $0x1B8B  }
0xa2: {  	_ =	swait.ge [sflag:s23], $0x1  }
0xa3: {  	[sflag:s23] =	ssyncset.done $0x0  }
0xa4: {  	s25 =	simm.s32 $0x1B8E;
	s24 =	sld [smem:$0x3FFE];
	[sflag:s23] =	ssyncadd.s32 $0xFFFFFFFF  }
0xa5: {  	s26 =	simm.s32 $execute0_lowered;
	[smem:$0x3FD2] =	sst s25  }
0xa6: {  	s5 =	sshll.u32 s26, $0x1;
	_ =	strace $0x80000046;
	[dreg:$0x1] =	wrdreg $0xFFFFFFFF  }
0xa7: {  	s28 =	simm.s32 $_size_execute0_lowered;
	s3 =	sadd.s32 s3, s5;
	[dreg:$0x0] =	wrdreg $0x0  }
0xa8: {  	s5 =	sshll.u32 s28, $0x1;
	[dreg:$0x2] =	wrdreg s3  }
0xa9: {  	[dreg:$0x3] =	wrdreg s5  }
0xaa: {  	[dreg:$0x4] =	wrdreg $0xC0  }
0xab: {  	_ =	task [dreg:s7], $0x5FFFF  }
0xac: {  	[dreg:$0x1] =	wrdreg $0xFFFFFFFF  }
0xad: {  	[dreg:$0x0] =	wrdreg $0x60  }
0xae: {  	[dreg:$0x2] =	wrdreg s2  }
0xaf: {  	[dreg:$0x3] =	wrdreg s24  }
0xb0: {  	[dreg:$0x4] =	wrdreg $0xA8000  }
0xb1: {  	[dreg:$0x5] =	wrdreg $0x9  }
0xb2: {  	_ =	task.clear_ibuf [dreg:s7], $0x6FFFF;
	_ =	strace $0x90000046  }
0xb3: {  	s29 =	simm.s32 $0x9;
	_ =	strace $0x80000048  }
0xb4: {  	_ =	swait.ge [sflag:s29], $0x1  }
0xb5: {  	[sflag:s29] =	ssyncadd.s32 $0xFFFFFFFF  }
0xb6: {  	_ =	strace $0x90000048  }
0xb7: {  	_ =	sfence  }
0xb8: {  	s30 =	sld [smem:$0x0];
	_ =	sdelay $0x2  }
0xb9: {  	s31 =	sshll.u32 s1, $0xD;
	s1 =	sshrl.u32 s1, $0x2  }
0xba: {  	s3 =	sand.u32 $0x4000, s31;
	s1 =	sadd.s32 s1, s30  }
0xbb: {  	s0 =	sor.u32 s3, s0;
	s1 =	sshll.u32 s1, $0x11  }
0xbc: {  	s0 =	sor.u32 s1, s0  }
0xbd: {  	s0 =	sadd.s32 $0x8F2B, s0  }
0xbe: {  	[sflag:s0] =	ssyncadd.remote.s32 $0x1  }
0xbf: {  	_ =	sfence.sel $0xFFFF  }
0xc0: {  	[dreg:$0x0] =	wrdreg $0xFFFFFFFF;
	(pc) =	sbr.abs _section_cstart, $3  }
0xc1: {  	[dreg:$0x1] =	wrdreg $0xFFFFFFFF  }
0xc2: {  	_ =	task.clear_ibuf [dreg:s7], $0x2FFFF;
	_ =	strace $0x9FFFFFFF  }
0xc3: {  	(tm) =	ssettm $0x7FFFFFFF  }
tec
execute0_lowered:
.L_overlay_start_1:
0x0: {  	(tag) =	ssettag $0x1  }
0x1: {  	s1 =	rddreg [dreg:$0x0];
	s0 =	stileid.u32  }
0x2: {  	s2 =	srdreg.scid;
	s6 =	rddreg [dreg:$0x1]  }
0x3: {  	s3 =	rddreg [dreg:$0x2];
	s5 =	smul.u32 $0x680, s0  }
0x4: {  	s4 =	simm.s32 $0x0;
	s17 =	simm.s32 $0x2;
	s7 =	smul.u32 $0x380, s0  }
0x5: {  	s18 =	simm.s32 $0x3400;
	s19 =	simm.s32 $0x80;
	s9 =	smul.u32 $0x13C00, s0  }
0x6: {  	s16 =	sand.u32 $0x1, s2;
	s2 =	rddreg [dreg:$0x3];
	s10 =	smul.u32 $0x4F000, s0  }
0x7: {  	s20 =	simm.s32 $0x1;
	[smem:$0x7FF] =	sst s4;
	s8 =	smul.u32 $0x13C000, s16  }
0x8: {  	_ =	strace $0x80000047;
	s29 =	ssub.s32 $0x2, s16;
	p0 =	sne.s32 s16, $0x0  }
0x9: {  	s16 =	simm.s32 $0x6800;
	s13 =	sadd.s32 s5, s6;
	s11 =	sadd.s32 s7, s6  }
0xa: {  	s30 =	sshrl.u32 s10, $0x2;
	s31 =	sshrl.u32 s29, $0x1;
	s28 =	sadd.s32 s9, s8  }
.Ltmp0:
0xb: {  	s5 =	sadd.s32 s30, s3;
	s15 =	ssub.s32 s29, s31;
	(pc) =	sbr.rel .LBB2_1-.Ltmp0, $4  }
0xc: {  	s10 =	sadd.s32 $0xF800, s11;
	s11 =	sadd.s32 $0x13000, s11;
	s12 =	sadd.s32 $0x9000, s13  }
0xd: {  	s13 =	sadd.s32 $0x2800, s13;
	s9 =	sshrl.u32 s28, $0x3;
	s7 =	sadd.s32 $0x8000, s5  }
0xe: {  	s8 =	sadd.s32 $0xC000, s5;
	s15 =	smax.u32 s15, $0x1;
	s14 =	sadd.s32 s9, s6  }
0xf: {  	v0 =	vimm.f32 $0.0e+00;
	s6 =	sadd.s32 $0x4000, s5;
	s9 =	sadd.s32 $0x10000, s5;
	s14 =	sadd.s32 $0x16800, s14  }
.LBB2_9:
0x10: {  	s21 =	sshra.s32 s21, $0x2;
	[sflag:s17] =	ssyncadd.s32 $0xFFFFC000  }
0x11: {  	[tilespmem:s16], [sflag:$0x1] =	stream.indirect.gather [hbm4b:s1+s19], $0x80, s21, s19, $0xb8;
	[tilespmem:$0x1E400] =	vst v63  }
0x12: {  	_ =	swait.ge [sflag:s20], $0x4000  }
0x13: {  	[sflag:s20] =	ssyncset.done $0x0  }
0x14: {  	s21 =	sadd.s32 $0x3400, s21;
	[sflag:s20] =	ssyncadd.s32 $0xFFFFC000  }
0x15: {  	[spmem:s3] =	stream.indirect.scatter.add.f32 [tilespmem:s16], [sflag:$0x2], $0x80, s21, s19, $0xb8;
	[tilespmem:$0x1E400] =	vst v63  }
0x16: {  	_ =	swait.ge [sflag:s17], $0x4000  }
0x17: {  	[sflag:s17] =	ssyncset.done $0x0  }
0x18: {  	[sflag:s17] =	ssyncadd.s32 $0xFFFFC000  }
.LBB2_10:
0x19: {  	s4 =	sadd.s32 $0x1, s4  }
0x1a: {  	s21 =	sshll.u32 s0, $0x6;
	[bflag:$0x0] =	sbarrier.arrive $0xFFFF;
	p1 =	sne.s32 s4, s15  }
.Ltmp1:
0x1b: {  	s22 =	sshrl.u32 s5, $0x3;
	s21 =	sor.u32 $0x1C02, s21;
	(pc) =	sbr.rel @!p1 .LBB2_11-.Ltmp1, $4  }
0x1c: {  	[hbm:s14], [sflag:s21] =	dma.local [spmem:s22], $0x2780  }
0x1d: {  	_ =	swait.ge [sflag:s17], $0x2780  }
0x1e: {  	[sflag:s17] =	ssyncset.done $0x0  }
0x1f: {  	[sflag:s17] =	ssyncadd.s32 $0xFFFFD880  }
.LBB2_1:
0x20: {  	s21 =	simm.s32 $0x0;
	s22 =	simm.s32 $0x200  }
.LBB2_2:
0x21: {  	p1 =	sne.s32 s22, $0xFE00;
	[tilespmem:s21+$0x6870] =	vst v0  }
0x22: {  	[tilespmem:s21+$0x6800] =	vst v0  }
0x23: {  	[tilespmem:s21+$0x6810] =	vst v0  }
.Ltmp2:
0x24: {  	[tilespmem:s21+$0x6820] =	vst v0;
	(pc) =	sbr.rel @p1 .LBB2_2-.Ltmp2, $4  }
0x25: {  	[tilespmem:s21+$0x6830] =	vst v0  }
0x26: {  	[tilespmem:s21+$0x6840] =	vst v0  }
0x27: {  	[tilespmem:s21+$0x6850] =	vst v0  }
0x28: {  	[tilespmem:s21+$0x6860] =	vst v0;
	s21 =	sshra.s32 s22, $0x2;
	s22 =	sadd.s32 $0x200, s22  }
0x29: {  	[tilespmem:s21+$0x6870] =	vst v0  }
0x2a: {  	[tilespmem:s21+$0x6800] =	vst v0  }
0x2b: {  	[tilespmem:s21+$0x6810] =	vst v0  }
0x2c: {  	[tilespmem:s21+$0x6820] =	vst v0  }
0x2d: {  	[tilespmem:s21+$0x6830] =	vst v0  }
0x2e: {  	[tilespmem:s21+$0x6840] =	vst v0  }
0x2f: {  	[tilespmem:s21+$0x6850] =	vst v0  }
0x30: {  	[tilespmem:s21+$0x6860] =	vst v0  }
0x31: {  	[spmem:s5] =	stream.linear.scatter [tilespmem:s16], [sflag:$0x2], $0x4000, $0x38;
	[tilespmem:$0x1E400] =	vst v63  }
0x32: {  	_ =	swait.ge [sflag:s17], $0x4000  }
0x33: {  	[sflag:s17] =	ssyncset.done $0x0  }
0x34: {  	[sflag:s17] =	ssyncadd.s32 $0xFFFFC000  }
0x35: {  	[spmem:s6] =	stream.linear.scatter [tilespmem:s16], [sflag:$0x2], $0x4000, $0x38;
	[tilespmem:$0x1E400] =	vst v63  }
0x36: {  	_ =	swait.ge [sflag:s17], $0x4000  }
0x37: {  	[sflag:s17] =	ssyncset.done $0x0  }
0x38: {  	[sflag:s17] =	ssyncadd.s32 $0xFFFFC000  }
0x39: {  	[spmem:s7] =	stream.linear.scatter [tilespmem:s16], [sflag:$0x2], $0x4000, $0x38;
	[tilespmem:$0x1E400] =	vst v63  }
0x3a: {  	_ =	swait.ge [sflag:s17], $0x4000  }
0x3b: {  	[sflag:s17] =	ssyncset.done $0x0  }
0x3c: {  	[sflag:s17] =	ssyncadd.s32 $0xFFFFC000  }
0x3d: {  	[spmem:s8] =	stream.linear.scatter [tilespmem:s16], [sflag:$0x2], $0x4000, $0x38;
	[tilespmem:$0x1E400] =	vst v63  }
0x3e: {  	_ =	swait.ge [sflag:s17], $0x4000  }
0x3f: {  	[sflag:s17] =	ssyncset.done $0x0  }
0x40: {  	[sflag:s17] =	ssyncadd.s32 $0xFFFFC000  }
0x41: {  	[spmem:s9] =	stream.linear.scatter [tilespmem:s16], [sflag:$0x2], $0x3C00, $0x38;
	[tilespmem:$0x1E400] =	vst v63  }
.Ltmp3:
0x42: {  	_ =	swait.ge [sflag:s17], $0x3C00;
	(pc) =	sbr.rel @p0 .LBB2_7-.Ltmp3, $4  }
0x43: {  	[sflag:s17] =	ssyncset.done $0x0  }
0x44: {  	[sflag:s17] =	ssyncadd.s32 $0xFFFFC400  }
0x45: {  	[bflag:$0x0] =	sbarrier.arrive $0xFFFF  }
0x46: {  	s21 =	simm.s32 $0x0  }
0x47: {  	[tilespmem:s21], [sflag:$0x2] =	stream.linear.gather [hbm4b:s12+s21], $0x3400, $0x38;
	[tilespmem:$0x1E400] =	vst v63  }
0x48: {  	_ =	swait.ge [sflag:s17], $0x3400  }
0x49: {  	[sflag:s17] =	ssyncset.done $0x0  }
0x4a: {  	[sflag:s17] =	ssyncadd.s32 $0xFFFFCC00  }
0x4b: {  	[tilespmem:s18], [sflag:$0x2] =	stream.linear.gather [hbm4b:s13+s21], $0x3400, $0x38;
	[tilespmem:$0x1E400] =	vst v63  }
0x4c: {  	_ =	swait.ge [sflag:s17], $0x3400  }
0x4d: {  	[sflag:s17] =	ssyncset.done $0x0  }
0x4e: {  	s30 =	simm.s32 $0x0;
	[sflag:s17] =	ssyncadd.s32 $0xFFFFCC00  }
0x4f: {  	[tilespmem:s16], [sflag:$0x1] =	stream.indirect.gather [hbm4b:s1+s19], $0x80, s30, s19, $0xb8;
	[tilespmem:$0x1E400] =	vst v63  }
0x50: {  	_ =	swait.ge [sflag:s20], $0x4000  }
0x51: {  	[sflag:s20] =	ssyncset.done $0x0  }
0x52: {  	s31 =	simm.s32 $0x3400;
	[sflag:s20] =	ssyncadd.s32 $0xFFFFC000  }
0x53: {  	[spmem:s3] =	stream.indirect.scatter.add.f32 [tilespmem:s16], [sflag:$0x2], $0x80, s31, s19, $0xb8;
	[tilespmem:$0x1E400] =	vst v63  }
0x54: {  	_ =	swait.ge [sflag:s17], $0x4000  }
0x55: {  	s22 =	simm.s32 $0x400;
	s21 =	simm.s32 $0x200;
	[sflag:s17] =	ssyncset.done $0x0  }
.LBB2_5:
0x56: {  	s23 =	sshra.s32 s21, $0x2  }
0x57: {  	[sflag:s17] =	ssyncadd.s32 $0xFFFFC000;
	s21 =	smov.u32 s22;
	s24 =	sadd.s32 $0x200, s22  }
0x58: {  	[tilespmem:s16], [sflag:$0x1] =	stream.indirect.gather [hbm4b:s1+s19], $0x80, s23, s19, $0xb8;
	[tilespmem:$0x1E400] =	vst v63  }
0x59: {  	p1 =	seq.s32 s22, $0xCE00;
	_ =	swait.ge [sflag:s20], $0x4000  }
.Ltmp4:
0x5a: {  	[sflag:s20] =	ssyncset.done $0x0;
	(pc) =	sbr.rel @!p1 .LBB2_5-.Ltmp4, $4  }
0x5b: {  	s22 =	sadd.s32 $0x3400, s23;
	[sflag:s20] =	ssyncadd.s32 $0xFFFFC000  }
0x5c: {  	[spmem:s3] =	stream.indirect.scatter.add.f32 [tilespmem:s16], [sflag:$0x2], $0x80, s22, s19, $0xb8;
	[tilespmem:$0x1E400] =	vst v63  }
0x5d: {  	_ =	swait.ge [sflag:s17], $0x4000  }
0x5e: {  	s22 =	smov.u32 s24;
	[sflag:s17] =	ssyncset.done $0x0  }
0x5f: {  	s21 =	sshra.s32 s21, $0x2;
	[sflag:s17] =	ssyncadd.s32 $0xFFFFC000  }
0x60: {  	[tilespmem:s16], [sflag:$0x1] =	stream.indirect.gather [hbm4b:s1+s19], $0x80, s21, s19, $0xb8;
	[tilespmem:$0x1E400] =	vst v63  }
0x61: {  	_ =	swait.ge [sflag:s20], $0x4000  }
0x62: {  	[sflag:s20] =	ssyncset.done $0x0  }
.Ltmp5:
0x63: {  	s21 =	sadd.s32 $0x3400, s21;
	[sflag:s20] =	ssyncadd.s32 $0xFFFFC000;
	(pc) =	sbr.rel .LBB2_10-.Ltmp5, $4  }
0x64: {  	[spmem:s3] =	stream.indirect.scatter.add.f32 [tilespmem:s16], [sflag:$0x2], $0x80, s21, s19, $0xb8;
	[tilespmem:$0x1E400] =	vst v63  }
0x65: {  	_ =	swait.ge [sflag:s17], $0x4000  }
0x66: {  	[sflag:s17] =	ssyncset.done $0x0  }
0x67: {  	[sflag:s17] =	ssyncadd.s32 $0xFFFFC000  }
.LBB2_7:
0x68: {  	[tilespmem:s21], [sflag:$0x2] =	stream.linear.gather [hbm4b:s10+s21], $0x1C00, $0x38;
	[tilespmem:$0x1E400] =	vst v63  }
0x69: {  	_ =	swait.ge [sflag:s17], $0x1C00  }
0x6a: {  	[sflag:s17] =	ssyncset.done $0x0  }
0x6b: {  	[sflag:s17] =	ssyncadd.s32 $0xFFFFE400  }
0x6c: {  	[tilespmem:s18], [sflag:$0x2] =	stream.linear.gather [hbm4b:s11+s21], $0x1C00, $0x38;
	[tilespmem:$0x1E400] =	vst v63  }
0x6d: {  	_ =	swait.ge [sflag:s17], $0x1C00  }
0x6e: {  	[sflag:s17] =	ssyncset.done $0x0  }
0x6f: {  	s30 =	simm.s32 $0x0;
	[sflag:s17] =	ssyncadd.s32 $0xFFFFE400  }
0x70: {  	[tilespmem:s16], [sflag:$0x1] =	stream.indirect.gather [hbm4b:s1+s19], $0x80, s30, s19, $0xb8;
	[tilespmem:$0x1E400] =	vst v63  }
0x71: {  	_ =	swait.ge [sflag:s20], $0x4000  }
0x72: {  	[sflag:s20] =	ssyncset.done $0x0  }
0x73: {  	s31 =	simm.s32 $0x3400;
	[sflag:s20] =	ssyncadd.s32 $0xFFFFC000  }
0x74: {  	[spmem:s3] =	stream.indirect.scatter.add.f32 [tilespmem:s16], [sflag:$0x2], $0x80, s31, s19, $0xb8;
	[tilespmem:$0x1E400] =	vst v63  }
0x75: {  	_ =	swait.ge [sflag:s17], $0x4000  }
0x76: {  	s22 =	simm.s32 $0x400;
	s21 =	simm.s32 $0x200;
	[sflag:s17] =	ssyncset.done $0x0  }
.LBB2_8:
0x77: {  	s23 =	sshra.s32 s21, $0x2  }
0x78: {  	[sflag:s17] =	ssyncadd.s32 $0xFFFFC000;
	s21 =	smov.u32 s22;
	s24 =	sadd.s32 $0x200, s22  }
0x79: {  	[tilespmem:s16], [sflag:$0x1] =	stream.indirect.gather [hbm4b:s1+s19], $0x80, s23, s19, $0xb8;
	[tilespmem:$0x1E400] =	vst v63  }
0x7a: {  	p1 =	sne.s32 s22, $0x6E00;
	_ =	swait.ge [sflag:s20], $0x4000  }
.Ltmp6:
0x7b: {  	[sflag:s20] =	ssyncset.done $0x0;
	(pc) =	sbr.rel @p1 .LBB2_8-.Ltmp6, $4  }
0x7c: {  	s22 =	sadd.s32 $0x3400, s23;
	[sflag:s20] =	ssyncadd.s32 $0xFFFFC000  }
0x7d: {  	[spmem:s3] =	stream.indirect.scatter.add.f32 [tilespmem:s16], [sflag:$0x2], $0x80, s22, s19, $0xb8;
	[tilespmem:$0x1E400] =	vst v63  }
0x7e: {  	_ =	swait.ge [sflag:s17], $0x4000  }
0x7f: {  	s22 =	smov.u32 s24;
	[sflag:s17] =	ssyncset.done $0x0  }
.Ltmp7:
0x80: {  	_ = 	snop;
	(pc) =	sbr.rel .LBB2_9-.Ltmp7, $1  }
0x81: {  	_ =	sdelay $0x3  }
.LBB2_11:
0x82: {  	_ =	sfence.sel $0x180000  }
0x83: {  	[bflag:$0x0] =	sbarrier.arrive $0xFFFF  }
0x84: {  	p0 =	sne.s32 s0, $0x0;
	_ =	strace $0x90000047  }
0x85: {  	s0 =	sadd.s32 @!p0 $0x100000, s2;
	[bflag:$0x2] =	sbarrier.arrive $0xFFFF  }
0x86: {  	[sflag:s0] =	ssyncadd.tile.s32 @!p0 $0x1;
	_ =	shalt  }
.Lfunc_end2:
_tile_overlayer_lowered:
.L_overlay_start_2:
0x87: {  	(tag) =	ssettag $0x2  }
0x88: {  	s0 =	rddreg [dreg:$0x0];
	s2 =	stileid.u32  }
0x89: {  	s1 =	rddreg [dreg:$0x1];
	p0 =	sne.s32 s2, $0x0  }
0x8a: {  	s3 =	rddreg [dreg:$0x2];
	[bflag:$0x3] =	sbarrier.arrive $0xFFFF;
	s2 =	simm.s32 @!p0 $0x1C02  }
0x8b: {  	[timem:s3], [sflag:s2] =	dma.local @!p0 [hbm:s0], s1  }
0x8c: {  	s0 =	simm.s32 @!p0 $0x2  }
0x8d: {  	_ =	swait.ge @!p0 [sflag:s0], s1  }
0x8e: {  	s1 =	ssub.s32 @!p0 $0x0, s1;
	[sflag:s0] =	ssyncset.done @!p0 $0x0  }
0x8f: {  	[sflag:s0] =	ssyncadd.s32 @!p0 s1  }
0x90: {  	[bflag:$0x3] =	sbarrier.arrive $0xFFFF  }
0x91: {  	_ =	shalt  }

</sc_bundles>
